<compile_context>
chip_gen: v7x
topology: tpu7x:2x2x1
jax: 0.10.2.dev20260603
libtpu: 0.0.44.dev20260713+nightly
codegen_flags: <defaults>
</compile_context>

<pallas_src>
import functools

import jax
import jax.numpy as jnp
from jax import lax
from jax.experimental import pallas as pl
from jax.experimental.pallas import tpu as pltpu
from jax.experimental.pallas import tpu_sc as plsc

N_NODES = 10000
N_EDGES = 160000
E_HALF = 81920
E_PAD = 2 * E_HALF
NC = 2
NS = 16
NW = NC * NS
EPT = E_HALF // NW
CHUNK = 128
NCHUNK = EPT // CHUNK
STAGE = 1280
NSTAGE = EPT // STAGE
CPS = STAGE // CHUNK
ROWS_PER_TILE = N_NODES // NS

_mesh = plsc.VectorSubcoreMesh(core_axis_name="c", subcore_axis_name="s")



def _prep_body(g0, mask, Wp, bp, Wt, bt, Wr, br, x_out, root_out):
    prep = jnp.dot(g0[...], Wp[...], preferred_element_type=jnp.float32) + bp[...]
    x0 = jnp.maximum(jnp.where(mask[...] == 0, prep, 0.0), 0.0)
    x = jnp.maximum(
        jnp.dot(x0, Wt[...], preferred_element_type=jnp.float32) + bt[...], 0.0)
    x_out[...] = x
    root_out[...] = (
        jnp.dot(x, Wr[...], preferred_element_type=jnp.float32) + br[...])


def _make_edge_body(base):
    def _edge_body(eaT, xT, WeT, beT, W2T, B2T, out):
        hT = jax.nn.sigmoid(
            jnp.dot(WeT[...], eaT[...], preferred_element_type=jnp.float32)
            + beT[...])
        x = xT[...]
        b = x.shape[1]
        zT = (jnp.broadcast_to(hT[:, None, :], (16, 16, b)).reshape(256, b)
              * jnp.broadcast_to(x[None, :, :], (16, 16, b)).reshape(256, b))
        msgT = (jnp.dot(W2T[...], zT, preferred_element_type=jnp.float32)
                + jnp.dot(B2T[...], x, preferred_element_type=jnp.float32))
        pad = jnp.concatenate(
            [jnp.ones((1, b), jnp.float32), jnp.zeros((7, b), jnp.float32)],
            axis=0)
        msg32 = jnp.concatenate([msgT, pad], axis=0)
        eid = (jax.lax.broadcasted_iota(jnp.int32, (1, b), 1)
               + pl.program_id(0) * b + base)
        live = (eid < N_EDGES).astype(jnp.float32)
        out[...] = msg32 * live
    return _edge_body


def _final_body(p1, p2, root, Wo, bo, y_out):
    s = p1[0] + p1[1] + p2[0] + p2[1]
    cnt = jnp.maximum(s[:, 24:25], 1.0)
    mean_m = s[:, :16] / cnt
    h = jnp.concatenate(
        [mean_m + root[:, :16], s[:, 16:24] + root[:, 16:24]], axis=1)
    h = jnp.maximum(h, 0.0)
    y_out[...] = jnp.dot(h, Wo[...], preferred_element_type=jnp.float32) + bo[...]



@functools.partial(
    pl.kernel,
    mesh=_mesh,
    out_type=jax.ShapeDtypeStruct((16, E_HALF), jnp.float32),
    scratch_types=[
        pltpu.VMEM((NCHUNK, CHUNK), jnp.int32),
        pltpu.VMEM((STAGE, 16), jnp.float32),
        pltpu.VMEM((16, EPT), jnp.float32),
        pltpu.SemaphoreType.DMA,
    ],
    compiler_params=pltpu.CompilerParams(use_tc_tiling_on_sc=False,
                                         needs_layout_passes=False),
)
def _sc_gather(src_idx_hbm, x_hbm, out_hbm, idx_v, rows_v, xT_v, sem):
    c = lax.axis_index("c")
    s = lax.axis_index("s")
    wid = c * NS + s
    pltpu.sync_copy(src_idx_hbm.at[wid], idx_v)
    lane = lax.iota(jnp.int32, 16)

    def stage_body(k, carry):
        def fire(j, carry2):
            pltpu.async_copy(
                x_hbm.at[idx_v.at[k * CPS + j]],
                rows_v.at[pl.ds(j * CHUNK, CHUNK)], sem)
            return carry2

        lax.fori_loop(0, CPS, fire, 0)

        def drain(j, carry2):
            pltpu.make_async_copy(
                x_hbm.at[idx_v.at[k * CPS + j]],
                rows_v.at[pl.ds(j * CHUNK, CHUNK)], sem).wait()
            return carry2

        lax.fori_loop(0, CPS, drain, 0)

        @plsc.parallel_loop(0, STAGE, 1, unroll=16)
        def _transpose(e):
            v = rows_v[e, :]
            plsc.store_scatter(
                xT_v, [lane, jnp.zeros((16,), jnp.int32) + (k * STAGE + e)], v)

        return carry

    lax.fori_loop(0, NSTAGE, stage_body, 0)
    pltpu.sync_copy(xT_v, out_hbm.at[:, pl.ds(wid * EPT, EPT)])


@functools.partial(
    pl.kernel,
    mesh=_mesh,
    out_type=jax.ShapeDtypeStruct((NC, N_NODES, 32), jnp.float32),
    scratch_types=[
        pltpu.VMEM((NCHUNK, CHUNK), jnp.int32),
        pltpu.VMEM((32, STAGE), jnp.float32),
        pltpu.VMEM((STAGE, 32), jnp.float32),
        pltpu.VMEM((ROWS_PER_TILE, 32), jnp.float32),
        pltpu.VMEM_SHARED((N_NODES, 32), jnp.float32),
        pltpu.SemaphoreType.DMA,
    ],
    compiler_params=pltpu.CompilerParams(use_tc_tiling_on_sc=False,
                                         needs_layout_passes=False),
)
def _sc_scatter(dst_idx_hbm, msgT_hbm, out_hbm,
                idx_v, slab_v, msg_v, zbuf, accum, sem):
    c = lax.axis_index("c")
    s = lax.axis_index("s")
    wid = c * NS + s

    @plsc.parallel_loop(0, ROWS_PER_TILE, 1, unroll=8)
    def _zero(r):
        zv = jnp.zeros((16,), jnp.float32)
        zbuf[r, pl.ds(0, 16)] = zv
        zbuf[r, pl.ds(16, 16)] = zv

    pltpu.sync_copy(zbuf, accum.at[pl.ds(s * ROWS_PER_TILE, ROWS_PER_TILE)])
    pltpu.sync_copy(dst_idx_hbm.at[wid], idx_v)
    plsc.subcore_barrier()

    base = wid * EPT
    lane = lax.iota(jnp.int32, 16)

    def stage_body(k, carry):
        pltpu.sync_copy(msgT_hbm.at[:, pl.ds(base + k * STAGE, STAGE)], slab_v)

        @plsc.parallel_loop(0, STAGE, 1, unroll=16)
        def _transpose(e):
            col = jnp.zeros((16,), jnp.int32) + e
            msg_v[e, pl.ds(0, 16)] = plsc.load_gather(slab_v, [lane, col])
            msg_v[e, pl.ds(16, 16)] = plsc.load_gather(slab_v, [16 + lane, col])

        def fire_s(j, carry3):
            pltpu.async_copy(msg_v.at[pl.ds(j * CHUNK, CHUNK)],
                             accum.at[idx_v.at[k * CPS + j]],
                             sem, add=True)
            return carry3

        lax.fori_loop(0, CPS, fire_s, 0)

        def drain_s(j, carry3):
            pltpu.make_async_copy(
                msg_v.at[pl.ds(j * CHUNK, CHUNK)],
                accum.at[idx_v.at[k * CPS + j]], sem).wait()
            return carry3

        lax.fori_loop(0, CPS, drain_s, 0)
        return carry

    lax.fori_loop(0, NSTAGE, stage_body, 0)
    plsc.subcore_barrier()
    pltpu.sync_copy(accum.at[pl.ds(s * ROWS_PER_TILE, ROWS_PER_TILE)],
                    out_hbm.at[c, pl.ds(s * ROWS_PER_TILE, ROWS_PER_TILE)])



def _edge_call(eaT_h, xT_h, base, WeT, beT, W2T, B2T):
    eblk = 4096
    full = lambda i: (0, 0)
    return pl.pallas_call(
        _make_edge_body(base),
        grid=(E_HALF // eblk,),
        in_specs=[
            pl.BlockSpec((4, eblk), lambda i: (0, i)),
            pl.BlockSpec((16, eblk), lambda i: (0, i)),
            pl.BlockSpec((16, 4), full),
            pl.BlockSpec((16, 1), full),
            pl.BlockSpec((24, 256), full),
            pl.BlockSpec((24, 16), full),
        ],
        out_specs=pl.BlockSpec((32, eblk), lambda i: (0, i)),
        out_shape=jax.ShapeDtypeStruct((32, E_HALF), jnp.float32),
    )(eaT_h, xT_h, WeT, beT, W2T, B2T)


def kernel(group0, edge_index, group_mask, edge_attr,
           W_prep, b_prep, W_tube, b_tube,
           W_e1, b_e1,
           W_em, b_em, W_root_m, bias_m,
           W_ea, b_ea, W_root_a, bias_a,
           W_out, b_out):
    f32 = jnp.float32
    mask2d = group_mask.astype(jnp.int32).reshape(N_NODES, 1)
    epad = jnp.zeros((E_PAD - N_EDGES,), jnp.int32)
    src_idx = jnp.concatenate(
        [edge_index[0].astype(jnp.int32), epad]).reshape(2, NW, NCHUNK, CHUNK)
    dst_idx = jnp.concatenate(
        [edge_index[1].astype(jnp.int32), epad]).reshape(2, NW, NCHUNK, CHUNK)

    Wr = jnp.concatenate([W_root_m, W_root_a], axis=1)
    br = jnp.concatenate([bias_m, bias_a]).reshape(1, 24)
    W2 = jnp.concatenate([W_em.reshape(16, 16, 16).reshape(256, 16),
                          W_ea.reshape(16, 16, 8).reshape(256, 8)], axis=1)
    B2 = jnp.concatenate([b_em.reshape(16, 16), b_ea.reshape(16, 8)], axis=1)
    W2T = W2.T
    B2T = B2.T
    WeT = W_e1.T
    beT = b_e1.reshape(16, 1)
    eaT = jnp.pad(edge_attr.T, ((0, 0), (0, E_PAD - N_EDGES)))

    nblk = 2000
    full = lambda i: (0, 0)
    x, root = pl.pallas_call(
        _prep_body,
        grid=(N_NODES // nblk,),
        in_specs=[
            pl.BlockSpec((nblk, 128), lambda i: (i, 0)),
            pl.BlockSpec((nblk, 1), lambda i: (i, 0)),
            pl.BlockSpec((128, 64), full),
            pl.BlockSpec((1, 64), full),
            pl.BlockSpec((64, 16), full),
            pl.BlockSpec((1, 16), full),
            pl.BlockSpec((16, 24), full),
            pl.BlockSpec((1, 24), full),
        ],
        out_specs=[
            pl.BlockSpec((nblk, 16), lambda i: (i, 0)),
            pl.BlockSpec((nblk, 24), lambda i: (i, 0)),
        ],
        out_shape=[
            jax.ShapeDtypeStruct((N_NODES, 16), f32),
            jax.ShapeDtypeStruct((N_NODES, 24), f32),
        ],
    )(group0, mask2d, W_prep, b_prep.reshape(1, 64),
      W_tube, b_tube.reshape(1, 16), Wr, br)

    parts = []
    xTs = [_sc_gather(src_idx[q], x) for q in range(2)]
    for q in range(2):
        msgT = _edge_call(eaT[:, q * E_HALF:(q + 1) * E_HALF], xTs[q],
                          q * E_HALF, WeT, beT, W2T, B2T)
        parts.append(_sc_scatter(dst_idx[q], msgT))

    y = pl.pallas_call(
        _final_body,
        grid=(N_NODES // nblk,),
        in_specs=[
            pl.BlockSpec((NC, nblk, 32), lambda i: (0, i, 0)),
            pl.BlockSpec((NC, nblk, 32), lambda i: (0, i, 0)),
            pl.BlockSpec((nblk, 24), lambda i: (i, 0)),
            pl.BlockSpec((24, 2), full),
            pl.BlockSpec((1, 2), full),
        ],
        out_specs=pl.BlockSpec((nblk, 2), lambda i: (i, 0)),
        out_shape=jax.ShapeDtypeStruct((N_NODES, 2), f32),
    )(*parts, root, W_out, b_out.reshape(1, 2))
    return y

# --- scband reference (transcript-rebuilt; emitter-appended) ---
"""Pipeline reference for scband-nnconv-gnn-65910568125155 (READ-ONLY COPY).

The authoritative reference and input builder live on the scoring server;
editing this copy changes nothing except your own understanding.
"""

import jax, jax.numpy as jnp
import numpy as np

N_NODES = 10000
N_EDGES = 160000
D_FEAT = 128
D_EDGE = 4
D_COMMON = 64
D_TUBE = 16
D_EREPR = 16
OUT_MEAN = 16
OUT_ADD = 8
D_OUT = 2


def setup_inputs(seed: int = 0) -> dict:
    key = jax.random.key(seed)
    ks = jax.random.split(key, 20)
    inp = {}
    inp['group0'] = jax.random.normal(ks[0], (N_NODES, D_FEAT), dtype=jnp.float32)
    inp['edge_index'] = jax.random.randint(ks[1], (2, N_EDGES), 0, N_NODES, dtype=jnp.int64)
    inp['group_mask'] = jnp.zeros((N_NODES,), dtype=jnp.int64)
    inp['edge_attr'] = jax.random.normal(ks[2], (N_EDGES, D_EDGE), dtype=jnp.float32)
    # parameters
    inp['W_prep'] = jax.random.normal(ks[3], (D_FEAT, D_COMMON), dtype=jnp.float32) * 0.05
    inp['b_prep'] = jnp.zeros((D_COMMON,), dtype=jnp.float32)
    inp['W_tube'] = jax.random.normal(ks[4], (D_COMMON, D_TUBE), dtype=jnp.float32) * 0.05
    inp['b_tube'] = jnp.zeros((D_TUBE,), dtype=jnp.float32)
    # shared edge-attr representation MLP: Linear(4 -> 16) + Sigmoid
    inp['W_e1'] = jax.random.normal(ks[5], (D_EDGE, D_EREPR), dtype=jnp.float32) * 0.1
    inp['b_e1'] = jnp.zeros((D_EREPR,), dtype=jnp.float32)
    # per-conv final edge linear producing in*out weights per edge
    inp['W_em'] = jax.random.normal(ks[6], (D_EREPR, D_TUBE * OUT_MEAN), dtype=jnp.float32) * 0.05
    inp['b_em'] = jnp.zeros((D_TUBE * OUT_MEAN,), dtype=jnp.float32)
    inp['W_root_m'] = jax.random.normal(ks[7], (D_TUBE, OUT_MEAN), dtype=jnp.float32) * 0.1
    inp['bias_m'] = jnp.zeros((OUT_MEAN,), dtype=jnp.float32)
    inp['W_ea'] = jax.random.normal(ks[8], (D_EREPR, D_TUBE * OUT_ADD), dtype=jnp.float32) * 0.05
    inp['b_ea'] = jnp.zeros((D_TUBE * OUT_ADD,), dtype=jnp.float32)
    inp['W_root_a'] = jax.random.normal(ks[9], (D_TUBE, OUT_ADD), dtype=jnp.float32) * 0.1
    inp['bias_a'] = jnp.zeros((OUT_ADD,), dtype=jnp.float32)
    inp['W_out'] = jax.random.normal(ks[10], (OUT_MEAN + OUT_ADD, D_OUT), dtype=jnp.float32) * 0.1
    inp['b_out'] = jnp.zeros((D_OUT,), dtype=jnp.float32)
    return inp


def reference(group0, edge_index, group_mask, edge_attr,
              W_prep, b_prep, W_tube, b_tube,
              W_e1, b_e1,
              W_em, b_em, W_root_m, bias_m,
              W_ea, b_ea, W_root_a, bias_a,
              W_out, b_out):
    N = group_mask.shape[0]
    # per-group linear prep scattered into node tensor (single group 0)
    prep = group0 @ W_prep + b_prep
    x = jnp.where((group_mask == 0)[:, None], prep, 0.0)
    # lin_prep_tube: ReLU -> Dropout(0) -> Linear(64->16) -> ReLU -> Dropout(0)
    x = jax.nn.relu(x)
    x = jax.nn.relu(x @ W_tube + b_tube)
    src = edge_index[0]
    dst = edge_index[1]
    # shared edge-attr repr: Linear(4->16) + Sigmoid (dropout 0)
    h_e = jax.nn.sigmoid(edge_attr @ W_e1 + b_e1)
    x_src = x[src]
    # NNConv mean aggregation
    Wm = (h_e @ W_em + b_em).reshape(-1, D_TUBE, OUT_MEAN)
    msg_m = jnp.einsum('ei,eio->eo', x_src, Wm)
    sum_m = jax.ops.segment_sum(msg_m, dst, num_segments=N)
    cnt = jax.ops.segment_sum(jnp.ones((dst.shape[0],), dtype=jnp.float32), dst, num_segments=N)
    mean_m = sum_m / jnp.clip(cnt, 1.0)[:, None]
    out_m = mean_m + x @ W_root_m + bias_m
    # NNConv add aggregation
    Wa = (h_e @ W_ea + b_ea).reshape(-1, D_TUBE, OUT_ADD)
    msg_a = jnp.einsum('ei,eio->eo', x_src, Wa)
    out_a = jax.ops.segment_sum(msg_a, dst, num_segments=N) + x @ W_root_a + bias_a
    h = jnp.concatenate([out_m, out_a], axis=1)
    h = jax.nn.relu(h)  # conv1_activation, dropout 0
    y = h @ W_out + b_out  # lin_out['y']
    return y

if __name__ == "__main__":
    import jax
    _d = setup_inputs()
    print(jax.jit(kernel)(*tuple(_d.values())))

</pallas_src>

<mosaic_0001>
#map = affine_map<(d0, d1) -> (0, 0, 0)>
#map1 = affine_map<(d0, d1) -> (0, 0)>
module attributes {stable_mosaic.version = 14 : i64} {
  func.func @_sc_scatter(%arg0: i32, %arg1: i32, %arg2: memref<32x20x128xi32, #tpu.memory_space<hbm>>, %arg3: memref<32x81920xf32, #tpu.memory_space<hbm>>, %arg4: memref<2x10000x32xf32, #tpu.memory_space<hbm>>, %arg5: memref<20x128xi32, #tpu.memory_space<vmem>>, %arg6: memref<32x1280xf32, #tpu.memory_space<vmem>>, %arg7: memref<1280x32xf32, #tpu.memory_space<vmem>>, %arg8: memref<625x32xf32, #tpu.memory_space<vmem>>, %arg9: memref<10000x32xf32, #tpu.memory_space<vmem_shared>>, %arg10: memref<!tpu.dma_semaphore, #tpu.memory_space<semaphore_mem>>) attributes {dimension_semantics = [#tpu.dimension_semantics<core_parallel>, #tpu.dimension_semantics<subcore_parallel>], iteration_bounds = array<i64: 2, 16>, scalar_prefetch = 0 : i64, scratch_operands = 6 : i64, tpu.core_type = #tpu.core_type<sc_vector_subcore>, window_params = [{transform_indices = #map}, {transform_indices = #map1}, {transform_indices = #map}]} {
    %mul3A = arith.constant 16 : i32
    %mul3A_0 = arith.muli %arg0, %mul3A : i32
    %add3A = arith.addi %mul3A_0, %arg1 : i32
    %parallel_loop3A = arith.constant 0 : i32
    %parallel_loop3A_1 = arith.constant 625 : i32
    %parallel_loop3A_2 = arith.constant 1 : i32
    scf.for %parallel_loop3A_17 = %parallel_loop3A to %parallel_loop3A_1 step %parallel_loop3A_2  : i32 {
      %parallel_loop3A_18 = arith.constant 0.000000e+00 : f32
      %parallel_loop3A_19 = vector.broadcast %parallel_loop3A_18 : f32 to vector<16xf32>
      %parallel_loop3A_20 = arith.index_cast %parallel_loop3A_17 : i32 to index
      %parallel_loop3A_21 = arith.constant 0 : index
      %parallel_loop3A_22 = tpu.vector_load %arg8[%parallel_loop3A_20, %parallel_loop3A_21] {strides = array<i32>} : memref<625x32xf32, #tpu.memory_space<vmem>>, vector<16xf32>,
      tpu.vector_store %arg8[%parallel_loop3A_20, %parallel_loop3A_21], %parallel_loop3A_19 {strides = array<i32>} : memref<625x32xf32, #tpu.memory_space<vmem>>, vector<16xf32>,
      %parallel_loop3A_23 = arith.index_cast %parallel_loop3A_17 : i32 to index
      %parallel_loop3A_24 = arith.constant 16 : index
      %parallel_loop3A_25 = tpu.vector_load %arg8[%parallel_loop3A_23, %parallel_loop3A_24] {strides = array<i32>} : memref<625x32xf32, #tpu.memory_space<vmem>>, vector<16xf32>,
      tpu.vector_store %arg8[%parallel_loop3A_23, %parallel_loop3A_24], %parallel_loop3A_19 {strides = array<i32>} : memref<625x32xf32, #tpu.memory_space<vmem>>, vector<16xf32>,
    } {sc.loop_unroll_factor = 8 : i64, sc.parallel_access}
    %mul3A_3 = arith.constant 625 : i32
    %mul3A_4 = arith.muli %arg1, %mul3A_3 : i32
    "tpu.region"() ({
      %run_scoped3A = tpu.sem_alloc : memref<!tpu.dma_semaphore, #tpu.memory_space<semaphore_mem>>
      %dma_start3A = arith.constant 0 : i32
      %dma_start3A_17 = tpu.memref_slice %arg9[%mul3A_4, %dma_start3A] : memref<10000x32xf32, #tpu.memory_space<vmem_shared>> -> memref<625x32xf32, #tpu.memory_space<vmem_shared>>
      %dma_start3A_18 = arith.constant 0 : i32
      %dma_start3A_19 = tpu.memref_slice %arg9[%mul3A_4, %dma_start3A_18] : memref<10000x32xf32, #tpu.memory_space<vmem_shared>> -> memref<625x32xf32, #tpu.memory_space<vmem_shared>>
      tpu.enqueue_dma source(%arg8 : memref<625x32xf32, #tpu.memory_space<vmem>>) target(%dma_start3A_19 : memref<625x32xf32, #tpu.memory_space<vmem_shared>>) target_semaphore(%run_scoped3A : memref<!tpu.dma_semaphore, #tpu.memory_space<semaphore_mem>>)
      %dma_wait3A = arith.constant 0 : i32
      %dma_wait3A_20 = tpu.memref_slice %arg9[%mul3A_4, %dma_wait3A] : memref<10000x32xf32, #tpu.memory_space<vmem_shared>> -> memref<625x32xf32, #tpu.memory_space<vmem_shared>>
      %dma_wait3A_21 = arith.constant 0 : i32
      %dma_wait3A_22 = tpu.memref_slice %arg9[%mul3A_4, %dma_wait3A_21] : memref<10000x32xf32, #tpu.memory_space<vmem_shared>> -> memref<625x32xf32, #tpu.memory_space<vmem_shared>>
      tpu.wait_dma2 semaphore(%run_scoped3A : memref<!tpu.dma_semaphore, #tpu.memory_space<semaphore_mem>>) src(%arg8 : memref<625x32xf32, #tpu.memory_space<vmem>>) dst(%dma_wait3A_22 : memref<625x32xf32, #tpu.memory_space<vmem_shared>>)
      tpu.yield
    }) : () -> ()
    "tpu.region"() ({
      %run_scoped3A = tpu.sem_alloc : memref<!tpu.dma_semaphore, #tpu.memory_space<semaphore_mem>>
      %dma_start3A = arith.constant 0 : i32
      %dma_start3A_17 = arith.constant 0 : i32
      %dma_start3A_18 = tpu.memref_slice %arg2[%add3A, %dma_start3A, %dma_start3A_17] : memref<32x20x128xi32, #tpu.memory_space<hbm>> -> memref<1x20x128xi32, #tpu.memory_space<hbm>>
      %dma_start3A_19 = tpu.memref_squeeze %dma_start3A_18 : memref<1x20x128xi32, #tpu.memory_space<hbm>> -> memref<20x128xi32, #tpu.memory_space<hbm>>
      %dma_start3A_20 = arith.constant 0 : i32
      %dma_start3A_21 = arith.constant 0 : i32
      %dma_start3A_22 = tpu.memref_slice %arg2[%add3A, %dma_start3A_20, %dma_start3A_21] : memref<32x20x128xi32, #tpu.memory_space<hbm>> -> memref<1x20x128xi32, #tpu.memory_space<hbm>>
      %dma_start3A_23 = tpu.memref_squeeze %dma_start3A_22 : memref<1x20x128xi32, #tpu.memory_space<hbm>> -> memref<20x128xi32, #tpu.memory_space<hbm>>
      tpu.enqueue_dma source(%dma_start3A_23 : memref<20x128xi32, #tpu.memory_space<hbm>>) target(%arg5 : memref<20x128xi32, #tpu.memory_space<vmem>>) target_semaphore(%run_scoped3A : memref<!tpu.dma_semaphore, #tpu.memory_space<semaphore_mem>>)
      %dma_wait3A = arith.constant 0 : i32
      %dma_wait3A_24 = arith.constant 0 : i32
      %dma_wait3A_25 = tpu.memref_slice %arg2[%add3A, %dma_wait3A, %dma_wait3A_24] : memref<32x20x128xi32, #tpu.memory_space<hbm>> -> memref<1x20x128xi32, #tpu.memory_space<hbm>>
      %dma_wait3A_26 = tpu.memref_squeeze %dma_wait3A_25 : memref<1x20x128xi32, #tpu.memory_space<hbm>> -> memref<20x128xi32, #tpu.memory_space<hbm>>
      %dma_wait3A_27 = arith.constant 0 : i32
      %dma_wait3A_28 = arith.constant 0 : i32
      %dma_wait3A_29 = tpu.memref_slice %arg2[%add3A, %dma_wait3A_27, %dma_wait3A_28] : memref<32x20x128xi32, #tpu.memory_space<hbm>> -> memref<1x20x128xi32, #tpu.memory_space<hbm>>
      %dma_wait3A_30 = tpu.memref_squeeze %dma_wait3A_29 : memref<1x20x128xi32, #tpu.memory_space<hbm>> -> memref<20x128xi32, #tpu.memory_space<hbm>>
      tpu.wait_dma2 semaphore(%run_scoped3A : memref<!tpu.dma_semaphore, #tpu.memory_space<semaphore_mem>>) src(%dma_wait3A_30 : memref<20x128xi32, #tpu.memory_space<hbm>>) dst(%arg5 : memref<20x128xi32, #tpu.memory_space<vmem>>)
      tpu.yield
    }) : () -> ()
    %barrier3A = arith.constant 0 : index
    tpu.barrier barrier_id(%barrier3A)
    %mul3A_5 = arith.constant 2560 : i32
    %mul3A_6 = arith.muli %add3A, %mul3A_5 : i32
    %iota3A = tpu.iota {dimensions = array<i32: 0>} : vector<16xi32>
    %scan3A = arith.constant 0 : i32
    %scan3A_7 = arith.constant 0 : i32
    %scan3A_8 = arith.constant 2 : i32
    %scan3A_9 = arith.addi %scan3A_7, %scan3A_8 : i32
    %scan3A_10 = arith.constant 1 : i32
    scf.for %scan3A_17 = %scan3A_7 to %scan3A_9 step %scan3A_10  : i32 {
      %mul3A_18 = arith.constant 1280 : i32
      %mul3A_19 = arith.muli %scan3A_17, %mul3A_18 : i32
      %add3A_20 = arith.addi %mul3A_6, %mul3A_19 : i32
      "tpu.region"() ({
        %run_scoped3A = tpu.sem_alloc : memref<!tpu.dma_semaphore, #tpu.memory_space<semaphore_mem>>
        %dma_start3A = arith.constant 0 : i32
        %dma_start3A_36 = tpu.memref_slice %arg3[%dma_start3A, %add3A_20] : memref<32x81920xf32, #tpu.memory_space<hbm>> -> memref<32x1280xf32, #tpu.memory_space<hbm>>
        %dma_start3A_37 = arith.constant 0 : i32
        %dma_start3A_38 = tpu.memref_slice %arg3[%dma_start3A_37, %add3A_20] : memref<32x81920xf32, #tpu.memory_space<hbm>> -> memref<32x1280xf32, #tpu.memory_space<hbm>>
        tpu.enqueue_dma source(%dma_start3A_38 : memref<32x1280xf32, #tpu.memory_space<hbm>>) target(%arg6 : memref<32x1280xf32, #tpu.memory_space<vmem>>) target_semaphore(%run_scoped3A : memref<!tpu.dma_semaphore, #tpu.memory_space<semaphore_mem>>)
        %dma_wait3A = arith.constant 0 : i32
        %dma_wait3A_39 = tpu.memref_slice %arg3[%dma_wait3A, %add3A_20] : memref<32x81920xf32, #tpu.memory_space<hbm>> -> memref<32x1280xf32, #tpu.memory_space<hbm>>
        %dma_wait3A_40 = arith.constant 0 : i32
        %dma_wait3A_41 = tpu.memref_slice %arg3[%dma_wait3A_40, %add3A_20] : memref<32x81920xf32, #tpu.memory_space<hbm>> -> memref<32x1280xf32, #tpu.memory_space<hbm>>
        tpu.wait_dma2 semaphore(%run_scoped3A : memref<!tpu.dma_semaphore, #tpu.memory_space<semaphore_mem>>) src(%dma_wait3A_41 : memref<32x1280xf32, #tpu.memory_space<hbm>>) dst(%arg6 : memref<32x1280xf32, #tpu.memory_space<vmem>>)
        tpu.yield
      }) : () -> ()
      %parallel_loop3A_21 = arith.constant 0 : i32
      %parallel_loop3A_22 = arith.constant 1280 : i32
      %parallel_loop3A_23 = arith.constant 1 : i32
      scf.for %parallel_loop3A_36 = %parallel_loop3A_21 to %parallel_loop3A_22 step %parallel_loop3A_23  : i32 {
        %parallel_loop3A_37 = arith.constant 0 : i32
        %parallel_loop3A_38 = vector.broadcast %parallel_loop3A_37 : i32 to vector<16xi32>
        %parallel_loop3A_39 = vector.broadcast %parallel_loop3A_36 : i32 to vector<16xi32>
        %parallel_loop3A_40 = arith.addi %parallel_loop3A_38, %parallel_loop3A_39 : vector<16xi32>
        %parallel_loop3A_41 = tpu.vector_load_idx %arg6[%iota3A, %parallel_loop3A_40] : memref<32x1280xf32, #tpu.memory_space<vmem>>[vector<16xi32>, vector<16xi32>], vector<16xf32>,
        %parallel_loop3A_42 = arith.index_cast %parallel_loop3A_36 : i32 to index
        %parallel_loop3A_43 = arith.constant 0 : index
        %parallel_loop3A_44 = tpu.vector_load %arg7[%parallel_loop3A_42, %parallel_loop3A_43] {strides = array<i32>} : memref<1280x32xf32, #tpu.memory_space<vmem>>, vector<16xf32>,
        tpu.vector_store %arg7[%parallel_loop3A_42, %parallel_loop3A_43], %parallel_loop3A_41 {strides = array<i32>} : memref<1280x32xf32, #tpu.memory_space<vmem>>, vector<16xf32>,
        %parallel_loop3A_45 = arith.constant 16 : i32
        %parallel_loop3A_46 = vector.broadcast %parallel_loop3A_45 : i32 to vector<16xi32>
        %parallel_loop3A_47 = arith.addi %parallel_loop3A_46, %iota3A : vector<16xi32>
        %parallel_loop3A_48 = tpu.vector_load_idx %arg6[%parallel_loop3A_47, %parallel_loop3A_40] : memref<32x1280xf32, #tpu.memory_space<vmem>>[vector<16xi32>, vector<16xi32>], vector<16xf32>,
        %parallel_loop3A_49 = arith.index_cast %parallel_loop3A_36 : i32 to index
        %parallel_loop3A_50 = arith.constant 16 : index
        %parallel_loop3A_51 = tpu.vector_load %arg7[%parallel_loop3A_49, %parallel_loop3A_50] {strides = array<i32>} : memref<1280x32xf32, #tpu.memory_space<vmem>>, vector<16xf32>,
        tpu.vector_store %arg7[%parallel_loop3A_49, %parallel_loop3A_50], %parallel_loop3A_48 {strides = array<i32>} : memref<1280x32xf32, #tpu.memory_space<vmem>>, vector<16xf32>,
      } {sc.loop_unroll_factor = 16 : i64, sc.parallel_access}
      %scan3A_24 = arith.constant 0 : i32
      %scan3A_25 = arith.constant 0 : i32
      %scan3A_26 = arith.constant 10 : i32
      %scan3A_27 = arith.addi %scan3A_25, %scan3A_26 : i32
      %scan3A_28 = arith.constant 1 : i32
      scf.for %scan3A_36 = %scan3A_25 to %scan3A_27 step %scan3A_28  : i32 {
        %mul3A_37 = arith.constant 128 : i32
        %mul3A_38 = arith.muli %scan3A_36, %mul3A_37 : i32
        %mul3A_39 = arith.constant 10 : i32
        %mul3A_40 = arith.muli %scan3A_17, %mul3A_39 : i32
        %add3A_41 = arith.addi %mul3A_40, %scan3A_36 : i32
        %dma_start3A = arith.constant 0 : i32
        %dma_start3A_42 = tpu.memref_slice %arg7[%mul3A_38, %dma_start3A] : memref<1280x32xf32, #tpu.memory_space<vmem>> -> memref<128x32xf32, #tpu.memory_space<vmem>>
        %dma_start3A_43 = arith.constant 0 : i32
        %dma_start3A_44 = tpu.memref_slice %arg5[%add3A_41, %dma_start3A_43] : memref<20x128xi32, #tpu.memory_space<vmem>> -> memref<1x128xi32, #tpu.memory_space<vmem>>
        %dma_start3A_45 = tpu.memref_squeeze %dma_start3A_44 : memref<1x128xi32, #tpu.memory_space<vmem>> -> memref<128xi32, #tpu.memory_space<vmem>>
        %dma_start3A_46 = arith.constant 0 : i32
        %dma_start3A_47 = arith.constant 0 : i32
        %dma_start3A_48 = tpu.memref_slice %arg9[%dma_start3A_46, %dma_start3A_47] : memref<10000x32xf32, #tpu.memory_space<vmem_shared>> -> memref<10000x32xf32, #tpu.memory_space<vmem_shared>>
        tpu.enqueue_indirect_dma source(%dma_start3A_42 : memref<128x32xf32, #tpu.memory_space<vmem>>) target(%dma_start3A_48 : memref<10000x32xf32, #tpu.memory_space<vmem_shared>>) offsets(%dma_start3A_45 : memref<128xi32, #tpu.memory_space<vmem>>) semaphore(%arg10 : memref<!tpu.dma_semaphore, #tpu.memory_space<semaphore_mem>>) {add = true}
      }
      %scan3A_29 = arith.constant 10 : i32
      %scan3A_30 = arith.constant 0 : i32
      %scan3A_31 = arith.constant 0 : i32
      %scan3A_32 = arith.constant 10 : i32
      %scan3A_33 = arith.addi %scan3A_31, %scan3A_32 : i32
      %scan3A_34 = arith.constant 1 : i32
      scf.for %scan3A_36 = %scan3A_31 to %scan3A_33 step %scan3A_34  : i32 {
        %mul3A_37 = arith.constant 128 : i32
        %mul3A_38 = arith.muli %scan3A_36, %mul3A_37 : i32
        %mul3A_39 = arith.constant 10 : i32
        %mul3A_40 = arith.muli %scan3A_17, %mul3A_39 : i32
        %add3A_41 = arith.addi %mul3A_40, %scan3A_36 : i32
        %dma_wait3A = arith.constant 0 : i32
        %dma_wait3A_42 = tpu.memref_slice %arg7[%mul3A_38, %dma_wait3A] : memref<1280x32xf32, #tpu.memory_space<vmem>> -> memref<128x32xf32, #tpu.memory_space<vmem>>
        %dma_wait3A_43 = arith.constant 0 : i32
        %dma_wait3A_44 = tpu.memref_slice %arg5[%add3A_41, %dma_wait3A_43] : memref<20x128xi32, #tpu.memory_space<vmem>> -> memref<1x128xi32, #tpu.memory_space<vmem>>
        %dma_wait3A_45 = tpu.memref_squeeze %dma_wait3A_44 : memref<1x128xi32, #tpu.memory_space<vmem>> -> memref<128xi32, #tpu.memory_space<vmem>>
        %dma_wait3A_46 = arith.constant 0 : i32
        %dma_wait3A_47 = arith.constant 0 : i32
        %dma_wait3A_48 = tpu.memref_slice %arg9[%dma_wait3A_46, %dma_wait3A_47] : memref<10000x32xf32, #tpu.memory_space<vmem_shared>> -> memref<10000x32xf32, #tpu.memory_space<vmem_shared>>
        tpu.wait_indirect_dma semaphore(%arg10 : memref<!tpu.dma_semaphore, #tpu.memory_space<semaphore_mem>>) src(%dma_wait3A_42 : memref<128x32xf32, #tpu.memory_space<vmem>>) dst(%dma_wait3A_48 : memref<10000x32xf32, #tpu.memory_space<vmem_shared>>)
      }
      %scan3A_35 = arith.constant 10 : i32
    }
    %scan3A_11 = arith.constant 2 : i32
    %barrier3A_12 = arith.constant 0 : index
    tpu.barrier barrier_id(%barrier3A_12)
    %mul3A_13 = arith.constant 625 : i32
    %mul3A_14 = arith.muli %arg1, %mul3A_13 : i32
    %mul3A_15 = arith.constant 625 : i32
    %mul3A_16 = arith.muli %arg1, %mul3A_15 : i32
    "tpu.region"() ({
      %run_scoped3A = tpu.sem_alloc : memref<!tpu.dma_semaphore, #tpu.memory_space<semaphore_mem>>
      %dma_start3A = arith.constant 0 : i32
      %dma_start3A_17 = tpu.memref_slice %arg4[%arg0, %mul3A_16, %dma_start3A] : memref<2x10000x32xf32, #tpu.memory_space<hbm>> -> memref<1x625x32xf32, #tpu.memory_space<hbm>>
      %dma_start3A_18 = tpu.memref_squeeze %dma_start3A_17 : memref<1x625x32xf32, #tpu.memory_space<hbm>> -> memref<625x32xf32, #tpu.memory_space<hbm>>
      %dma_start3A_19 = arith.constant 0 : i32
      %dma_start3A_20 = tpu.memref_slice %arg9[%mul3A_14, %dma_start3A_19] : memref<10000x32xf32, #tpu.memory_space<vmem_shared>> -> memref<625x32xf32, #tpu.memory_space<vmem_shared>>
      tpu.enqueue_dma source(%dma_start3A_20 : memref<625x32xf32, #tpu.memory_space<vmem_shared>>) target(%dma_start3A_18 : memref<625x32xf32, #tpu.memory_space<hbm>>) target_semaphore(%run_scoped3A : memref<!tpu.dma_semaphore, #tpu.memory_space<semaphore_mem>>)
      %dma_wait3A = arith.constant 0 : i32
      %dma_wait3A_21 = tpu.memref_slice %arg4[%arg0, %mul3A_16, %dma_wait3A] : memref<2x10000x32xf32, #tpu.memory_space<hbm>> -> memref<1x625x32xf32, #tpu.memory_space<hbm>>
      %dma_wait3A_22 = tpu.memref_squeeze %dma_wait3A_21 : memref<1x625x32xf32, #tpu.memory_space<hbm>> -> memref<625x32xf32, #tpu.memory_space<hbm>>
      %dma_wait3A_23 = arith.constant 0 : i32
      %dma_wait3A_24 = tpu.memref_slice %arg9[%mul3A_14, %dma_wait3A_23] : memref<10000x32xf32, #tpu.memory_space<vmem_shared>> -> memref<625x32xf32, #tpu.memory_space<vmem_shared>>
      tpu.wait_dma2 semaphore(%run_scoped3A : memref<!tpu.dma_semaphore, #tpu.memory_space<semaphore_mem>>) src(%dma_wait3A_24 : memref<625x32xf32, #tpu.memory_space<vmem_shared>>) dst(%dma_wait3A_22 : memref<625x32xf32, #tpu.memory_space<hbm>>)
      tpu.yield
    }) : () -> ()
    return
  }
}

#map = affine_map<(d0, d1) -> (0, 0, 0)>
#map1 = affine_map<(d0, d1) -> (0, 0)>
module attributes {stable_mosaic.version = 14 : i64} {
  func.func @_sc_gather(%arg0: i32, %arg1: i32, %arg2: memref<32x20x128xi32, #tpu.memory_space<hbm>>, %arg3: memref<10000x16xf32, #tpu.memory_space<hbm>>, %arg4: memref<16x81920xf32, #tpu.memory_space<hbm>>, %arg5: memref<20x128xi32, #tpu.memory_space<vmem>>, %arg6: memref<1280x16xf32, #tpu.memory_space<vmem>>, %arg7: memref<16x2560xf32, #tpu.memory_space<vmem>>, %arg8: memref<!tpu.dma_semaphore, #tpu.memory_space<semaphore_mem>>) attributes {dimension_semantics = [#tpu.dimension_semantics<core_parallel>, #tpu.dimension_semantics<subcore_parallel>], iteration_bounds = array<i64: 2, 16>, scalar_prefetch = 0 : i64, scratch_operands = 4 : i64, tpu.core_type = #tpu.core_type<sc_vector_subcore>, window_params = [{transform_indices = #map}, {transform_indices = #map1}, {transform_indices = #map1}]} {
    %mul3A = arith.constant 16 : i32
    %mul3A_0 = arith.muli %arg0, %mul3A : i32
    %add3A = arith.addi %mul3A_0, %arg1 : i32
    "tpu.region"() ({
      %run_scoped3A = tpu.sem_alloc : memref<!tpu.dma_semaphore, #tpu.memory_space<semaphore_mem>>
      %dma_start3A = arith.constant 0 : i32
      %dma_start3A_8 = arith.constant 0 : i32
      %dma_start3A_9 = tpu.memref_slice %arg2[%add3A, %dma_start3A, %dma_start3A_8] : memref<32x20x128xi32, #tpu.memory_space<hbm>> -> memref<1x20x128xi32, #tpu.memory_space<hbm>>
      %dma_start3A_10 = tpu.memref_squeeze %dma_start3A_9 : memref<1x20x128xi32, #tpu.memory_space<hbm>> -> memref<20x128xi32, #tpu.memory_space<hbm>>
      %dma_start3A_11 = arith.constant 0 : i32
      %dma_start3A_12 = arith.constant 0 : i32
      %dma_start3A_13 = tpu.memref_slice %arg2[%add3A, %dma_start3A_11, %dma_start3A_12] : memref<32x20x128xi32, #tpu.memory_space<hbm>> -> memref<1x20x128xi32, #tpu.memory_space<hbm>>
      %dma_start3A_14 = tpu.memref_squeeze %dma_start3A_13 : memref<1x20x128xi32, #tpu.memory_space<hbm>> -> memref<20x128xi32, #tpu.memory_space<hbm>>
      tpu.enqueue_dma source(%dma_start3A_14 : memref<20x128xi32, #tpu.memory_space<hbm>>) target(%arg5 : memref<20x128xi32, #tpu.memory_space<vmem>>) target_semaphore(%run_scoped3A : memref<!tpu.dma_semaphore, #tpu.memory_space<semaphore_mem>>)
      %dma_wait3A = arith.constant 0 : i32
      %dma_wait3A_15 = arith.constant 0 : i32
      %dma_wait3A_16 = tpu.memref_slice %arg2[%add3A, %dma_wait3A, %dma_wait3A_15] : memref<32x20x128xi32, #tpu.memory_space<hbm>> -> memref<1x20x128xi32, #tpu.memory_space<hbm>>
      %dma_wait3A_17 = tpu.memref_squeeze %dma_wait3A_16 : memref<1x20x128xi32, #tpu.memory_space<hbm>> -> memref<20x128xi32, #tpu.memory_space<hbm>>
      %dma_wait3A_18 = arith.constant 0 : i32
      %dma_wait3A_19 = arith.constant 0 : i32
      %dma_wait3A_20 = tpu.memref_slice %arg2[%add3A, %dma_wait3A_18, %dma_wait3A_19] : memref<32x20x128xi32, #tpu.memory_space<hbm>> -> memref<1x20x128xi32, #tpu.memory_space<hbm>>
      %dma_wait3A_21 = tpu.memref_squeeze %dma_wait3A_20 : memref<1x20x128xi32, #tpu.memory_space<hbm>> -> memref<20x128xi32, #tpu.memory_space<hbm>>
      tpu.wait_dma2 semaphore(%run_scoped3A : memref<!tpu.dma_semaphore, #tpu.memory_space<semaphore_mem>>) src(%dma_wait3A_21 : memref<20x128xi32, #tpu.memory_space<hbm>>) dst(%arg5 : memref<20x128xi32, #tpu.memory_space<vmem>>)
      tpu.yield
    }) : () -> ()
    %iota3A = tpu.iota {dimensions = array<i32: 0>} : vector<16xi32>
    %scan3A = arith.constant 0 : i32
    %scan3A_1 = arith.constant 0 : i32
    %scan3A_2 = arith.constant 2 : i32
    %scan3A_3 = arith.addi %scan3A_1, %scan3A_2 : i32
    %scan3A_4 = arith.constant 1 : i32
    scf.for %scan3A_8 = %scan3A_1 to %scan3A_3 step %scan3A_4  : i32 {
      %scan3A_9 = arith.constant 0 : i32
      %scan3A_10 = arith.constant 0 : i32
      %scan3A_11 = arith.constant 10 : i32
      %scan3A_12 = arith.addi %scan3A_10, %scan3A_11 : i32
      %scan3A_13 = arith.constant 1 : i32
      scf.for %scan3A_23 = %scan3A_10 to %scan3A_12 step %scan3A_13  : i32 {
        %mul3A_24 = arith.constant 10 : i32
        %mul3A_25 = arith.muli %scan3A_8, %mul3A_24 : i32
        %add3A_26 = arith.addi %mul3A_25, %scan3A_23 : i32
        %mul3A_27 = arith.constant 128 : i32
        %mul3A_28 = arith.muli %scan3A_23, %mul3A_27 : i32
        %dma_start3A = arith.constant 0 : i32
        %dma_start3A_29 = tpu.memref_slice %arg6[%mul3A_28, %dma_start3A] : memref<1280x16xf32, #tpu.memory_space<vmem>> -> memref<128x16xf32, #tpu.memory_space<vmem>>
        %dma_start3A_30 = arith.constant 0 : i32
        %dma_start3A_31 = tpu.memref_slice %arg5[%add3A_26, %dma_start3A_30] : memref<20x128xi32, #tpu.memory_space<vmem>> -> memref<1x128xi32, #tpu.memory_space<vmem>>
        %dma_start3A_32 = tpu.memref_squeeze %dma_start3A_31 : memref<1x128xi32, #tpu.memory_space<vmem>> -> memref<128xi32, #tpu.memory_space<vmem>>
        %dma_start3A_33 = arith.constant 0 : i32
        %dma_start3A_34 = arith.constant 0 : i32
        %dma_start3A_35 = tpu.memref_slice %arg3[%dma_start3A_33, %dma_start3A_34] : memref<10000x16xf32, #tpu.memory_space<hbm>> -> memref<10000x16xf32, #tpu.memory_space<hbm>>
        tpu.enqueue_indirect_dma source(%dma_start3A_35 : memref<10000x16xf32, #tpu.memory_space<hbm>>) target(%dma_start3A_29 : memref<128x16xf32, #tpu.memory_space<vmem>>) offsets(%dma_start3A_32 : memref<128xi32, #tpu.memory_space<vmem>>) semaphore(%arg8 : memref<!tpu.dma_semaphore, #tpu.memory_space<semaphore_mem>>)
      }
      %scan3A_14 = arith.constant 10 : i32
      %scan3A_15 = arith.constant 0 : i32
      %scan3A_16 = arith.constant 0 : i32
      %scan3A_17 = arith.constant 10 : i32
      %scan3A_18 = arith.addi %scan3A_16, %scan3A_17 : i32
      %scan3A_19 = arith.constant 1 : i32
      scf.for %scan3A_23 = %scan3A_16 to %scan3A_18 step %scan3A_19  : i32 {
        %mul3A_24 = arith.constant 10 : i32
        %mul3A_25 = arith.muli %scan3A_8, %mul3A_24 : i32
        %add3A_26 = arith.addi %mul3A_25, %scan3A_23 : i32
        %mul3A_27 = arith.constant 128 : i32
        %mul3A_28 = arith.muli %scan3A_23, %mul3A_27 : i32
        %dma_wait3A = arith.constant 0 : i32
        %dma_wait3A_29 = tpu.memref_slice %arg6[%mul3A_28, %dma_wait3A] : memref<1280x16xf32, #tpu.memory_space<vmem>> -> memref<128x16xf32, #tpu.memory_space<vmem>>
        %dma_wait3A_30 = arith.constant 0 : i32
        %dma_wait3A_31 = tpu.memref_slice %arg5[%add3A_26, %dma_wait3A_30] : memref<20x128xi32, #tpu.memory_space<vmem>> -> memref<1x128xi32, #tpu.memory_space<vmem>>
        %dma_wait3A_32 = tpu.memref_squeeze %dma_wait3A_31 : memref<1x128xi32, #tpu.memory_space<vmem>> -> memref<128xi32, #tpu.memory_space<vmem>>
        %dma_wait3A_33 = arith.constant 0 : i32
        %dma_wait3A_34 = arith.constant 0 : i32
        %dma_wait3A_35 = tpu.memref_slice %arg3[%dma_wait3A_33, %dma_wait3A_34] : memref<10000x16xf32, #tpu.memory_space<hbm>> -> memref<10000x16xf32, #tpu.memory_space<hbm>>
        tpu.wait_indirect_dma semaphore(%arg8 : memref<!tpu.dma_semaphore, #tpu.memory_space<semaphore_mem>>) src(%dma_wait3A_35 : memref<10000x16xf32, #tpu.memory_space<hbm>>) dst(%dma_wait3A_29 : memref<128x16xf32, #tpu.memory_space<vmem>>)
      }
      %scan3A_20 = arith.constant 10 : i32
      %parallel_loop3A = arith.constant 0 : i32
      %parallel_loop3A_21 = arith.constant 1280 : i32
      %parallel_loop3A_22 = arith.constant 1 : i32
      scf.for %parallel_loop3A_23 = %parallel_loop3A to %parallel_loop3A_21 step %parallel_loop3A_22  : i32 {
        %parallel_loop3A_24 = arith.index_cast %parallel_loop3A_23 : i32 to index
        %parallel_loop3A_25 = arith.constant 0 : index
        %parallel_loop3A_26 = tpu.vector_load %arg6[%parallel_loop3A_24, %parallel_loop3A_25] {strides = array<i32>} : memref<1280x16xf32, #tpu.memory_space<vmem>>, vector<16xf32>,
        %parallel_loop3A_27 = arith.constant 0 : i32
        %parallel_loop3A_28 = vector.broadcast %parallel_loop3A_27 : i32 to vector<16xi32>
        %parallel_loop3A_29 = arith.constant 1280 : i32
        %parallel_loop3A_30 = arith.muli %scan3A_8, %parallel_loop3A_29 : i32
        %parallel_loop3A_31 = arith.addi %parallel_loop3A_30, %parallel_loop3A_23 : i32
        %parallel_loop3A_32 = vector.broadcast %parallel_loop3A_31 : i32 to vector<16xi32>
        %parallel_loop3A_33 = arith.addi %parallel_loop3A_28, %parallel_loop3A_32 : vector<16xi32>
        tpu.vector_store_idx %arg7[%iota3A, %parallel_loop3A_33], %parallel_loop3A_26 : memref<16x2560xf32, #tpu.memory_space<vmem>>[vector<16xi32>, vector<16xi32>], vector<16xf32>,
      } {sc.loop_unroll_factor = 16 : i64, sc.parallel_access}
    }
    %scan3A_5 = arith.constant 2 : i32
    %mul3A_6 = arith.constant 2560 : i32
    %mul3A_7 = arith.muli %add3A, %mul3A_6 : i32
    "tpu.region"() ({
      %run_scoped3A = tpu.sem_alloc : memref<!tpu.dma_semaphore, #tpu.memory_space<semaphore_mem>>
      %dma_start3A = arith.constant 0 : i32
      %dma_start3A_8 = tpu.memref_slice %arg4[%dma_start3A, %mul3A_7] : memref<16x81920xf32, #tpu.memory_space<hbm>> -> memref<16x2560xf32, #tpu.memory_space<hbm>>
      %dma_start3A_9 = arith.constant 0 : i32
      %dma_start3A_10 = tpu.memref_slice %arg4[%dma_start3A_9, %mul3A_7] : memref<16x81920xf32, #tpu.memory_space<hbm>> -> memref<16x2560xf32, #tpu.memory_space<hbm>>
      tpu.enqueue_dma source(%arg7 : memref<16x2560xf32, #tpu.memory_space<vmem>>) target(%dma_start3A_10 : memref<16x2560xf32, #tpu.memory_space<hbm>>) target_semaphore(%run_scoped3A : memref<!tpu.dma_semaphore, #tpu.memory_space<semaphore_mem>>)
      %dma_wait3A = arith.constant 0 : i32
      %dma_wait3A_11 = tpu.memref_slice %arg4[%dma_wait3A, %mul3A_7] : memref<16x81920xf32, #tpu.memory_space<hbm>> -> memref<16x2560xf32, #tpu.memory_space<hbm>>
      %dma_wait3A_12 = arith.constant 0 : i32
      %dma_wait3A_13 = tpu.memref_slice %arg4[%dma_wait3A_12, %mul3A_7] : memref<16x81920xf32, #tpu.memory_space<hbm>> -> memref<16x2560xf32, #tpu.memory_space<hbm>>
      tpu.wait_dma2 semaphore(%run_scoped3A : memref<!tpu.dma_semaphore, #tpu.memory_space<semaphore_mem>>) src(%arg7 : memref<16x2560xf32, #tpu.memory_space<vmem>>) dst(%dma_wait3A_13 : memref<16x2560xf32, #tpu.memory_space<hbm>>)
      tpu.yield
    }) : () -> ()
    return
  }
}

#map = affine_map<(d0, d1) -> (0, 0, 0)>
#map1 = affine_map<(d0, d1) -> (0, 0)>
module attributes {stable_mosaic.version = 14 : i64} {
  func.func @_sc_scatter(%arg0: i32, %arg1: i32, %arg2: memref<32x20x128xi32, #tpu.memory_space<hbm>>, %arg3: memref<32x81920xf32, #tpu.memory_space<hbm>>, %arg4: memref<2x10000x32xf32, #tpu.memory_space<hbm>>, %arg5: memref<20x128xi32, #tpu.memory_space<vmem>>, %arg6: memref<32x1280xf32, #tpu.memory_space<vmem>>, %arg7: memref<1280x32xf32, #tpu.memory_space<vmem>>, %arg8: memref<625x32xf32, #tpu.memory_space<vmem>>, %arg9: memref<10000x32xf32, #tpu.memory_space<vmem_shared>>, %arg10: memref<!tpu.dma_semaphore, #tpu.memory_space<semaphore_mem>>) attributes {dimension_semantics = [#tpu.dimension_semantics<core_parallel>, #tpu.dimension_semantics<subcore_parallel>], iteration_bounds = array<i64: 2, 16>, scalar_prefetch = 0 : i64, scratch_operands = 6 : i64, tpu.core_type = #tpu.core_type<sc_vector_subcore>, window_params = [{transform_indices = #map}, {transform_indices = #map1}, {transform_indices = #map}]} {
    %mul3A = arith.constant 16 : i32
    %mul3A_0 = arith.muli %arg0, %mul3A : i32
    %add3A = arith.addi %mul3A_0, %arg1 : i32
    %parallel_loop3A = arith.constant 0 : i32
    %parallel_loop3A_1 = arith.constant 625 : i32
    %parallel_loop3A_2 = arith.constant 1 : i32
    scf.for %parallel_loop3A_17 = %parallel_loop3A to %parallel_loop3A_1 step %parallel_loop3A_2  : i32 {
      %parallel_loop3A_18 = arith.constant 0.000000e+00 : f32
      %parallel_loop3A_19 = vector.broadcast %parallel_loop3A_18 : f32 to vector<16xf32>
      %parallel_loop3A_20 = arith.index_cast %parallel_loop3A_17 : i32 to index
      %parallel_loop3A_21 = arith.constant 0 : index
      %parallel_loop3A_22 = tpu.vector_load %arg8[%parallel_loop3A_20, %parallel_loop3A_21] {strides = array<i32>} : memref<625x32xf32, #tpu.memory_space<vmem>>, vector<16xf32>,
      tpu.vector_store %arg8[%parallel_loop3A_20, %parallel_loop3A_21], %parallel_loop3A_19 {strides = array<i32>} : memref<625x32xf32, #tpu.memory_space<vmem>>, vector<16xf32>,
      %parallel_loop3A_23 = arith.index_cast %parallel_loop3A_17 : i32 to index
      %parallel_loop3A_24 = arith.constant 16 : index
      %parallel_loop3A_25 = tpu.vector_load %arg8[%parallel_loop3A_23, %parallel_loop3A_24] {strides = array<i32>} : memref<625x32xf32, #tpu.memory_space<vmem>>, vector<16xf32>,
      tpu.vector_store %arg8[%parallel_loop3A_23, %parallel_loop3A_24], %parallel_loop3A_19 {strides = array<i32>} : memref<625x32xf32, #tpu.memory_space<vmem>>, vector<16xf32>,
    } {sc.loop_unroll_factor = 8 : i64, sc.parallel_access}
    %mul3A_3 = arith.constant 625 : i32
    %mul3A_4 = arith.muli %arg1, %mul3A_3 : i32
    "tpu.region"() ({
      %run_scoped3A = tpu.sem_alloc : memref<!tpu.dma_semaphore, #tpu.memory_space<semaphore_mem>>
      %dma_start3A = arith.constant 0 : i32
      %dma_start3A_17 = tpu.memref_slice %arg9[%mul3A_4, %dma_start3A] : memref<10000x32xf32, #tpu.memory_space<vmem_shared>> -> memref<625x32xf32, #tpu.memory_space<vmem_shared>>
      %dma_start3A_18 = arith.constant 0 : i32
      %dma_start3A_19 = tpu.memref_slice %arg9[%mul3A_4, %dma_start3A_18] : memref<10000x32xf32, #tpu.memory_space<vmem_shared>> -> memref<625x32xf32, #tpu.memory_space<vmem_shared>>
      tpu.enqueue_dma source(%arg8 : memref<625x32xf32, #tpu.memory_space<vmem>>) target(%dma_start3A_19 : memref<625x32xf32, #tpu.memory_space<vmem_shared>>) target_semaphore(%run_scoped3A : memref<!tpu.dma_semaphore, #tpu.memory_space<semaphore_mem>>)
      %dma_wait3A = arith.constant 0 : i32
      %dma_wait3A_20 = tpu.memref_slice %arg9[%mul3A_4, %dma_wait3A] : memref<10000x32xf32, #tpu.memory_space<vmem_shared>> -> memref<625x32xf32, #tpu.memory_space<vmem_shared>>
      %dma_wait3A_21 = arith.constant 0 : i32
      %dma_wait3A_22 = tpu.memref_slice %arg9[%mul3A_4, %dma_wait3A_21] : memref<10000x32xf32, #tpu.memory_space<vmem_shared>> -> memref<625x32xf32, #tpu.memory_space<vmem_shared>>
      tpu.wait_dma2 semaphore(%run_scoped3A : memref<!tpu.dma_semaphore, #tpu.memory_space<semaphore_mem>>) src(%arg8 : memref<625x32xf32, #tpu.memory_space<vmem>>) dst(%dma_wait3A_22 : memref<625x32xf32, #tpu.memory_space<vmem_shared>>)
      tpu.yield
    }) : () -> ()
    "tpu.region"() ({
      %run_scoped3A = tpu.sem_alloc : memref<!tpu.dma_semaphore, #tpu.memory_space<semaphore_mem>>
      %dma_start3A = arith.constant 0 : i32
      %dma_start3A_17 = arith.constant 0 : i32
      %dma_start3A_18 = tpu.memref_slice %arg2[%add3A, %dma_start3A, %dma_start3A_17] : memref<32x20x128xi32, #tpu.memory_space<hbm>> -> memref<1x20x128xi32, #tpu.memory_space<hbm>>
      %dma_start3A_19 = tpu.memref_squeeze %dma_start3A_18 : memref<1x20x128xi32, #tpu.memory_space<hbm>> -> memref<20x128xi32, #tpu.memory_space<hbm>>
      %dma_start3A_20 = arith.constant 0 : i32
      %dma_start3A_21 = arith.constant 0 : i32
      %dma_start3A_22 = tpu.memref_slice %arg2[%add3A, %dma_start3A_20, %dma_start3A_21] : memref<32x20x128xi32, #tpu.memory_space<hbm>> -> memref<1x20x128xi32, #tpu.memory_space<hbm>>
      %dma_start3A_23 = tpu.memref_squeeze %dma_start3A_22 : memref<1x20x128xi32, #tpu.memory_space<hbm>> -> memref<20x128xi32, #tpu.memory_space<hbm>>
      tpu.enqueue_dma source(%dma_start3A_23 : memref<20x128xi32, #tpu.memory_space<hbm>>) target(%arg5 : memref<20x128xi32, #tpu.memory_space<vmem>>) target_semaphore(%run_scoped3A : memref<!tpu.dma_semaphore, #tpu.memory_space<semaphore_mem>>)
      %dma_wait3A = arith.constant 0 : i32
      %dma_wait3A_24 = arith.constant 0 : i32
      %dma_wait3A_25 = tpu.memref_slice %arg2[%add3A, %dma_wait3A, %dma_wait3A_24] : memref<32x20x128xi32, #tpu.memory_space<hbm>> -> memref<1x20x128xi32, #tpu.memory_space<hbm>>
      %dma_wait3A_26 = tpu.memref_squeeze %dma_wait3A_25 : memref<1x20x128xi32, #tpu.memory_space<hbm>> -> memref<20x128xi32, #tpu.memory_space<hbm>>
      %dma_wait3A_27 = arith.constant 0 : i32
      %dma_wait3A_28 = arith.constant 0 : i32
      %dma_wait3A_29 = tpu.memref_slice %arg2[%add3A, %dma_wait3A_27, %dma_wait3A_28] : memref<32x20x128xi32, #tpu.memory_space<hbm>> -> memref<1x20x128xi32, #tpu.memory_space<hbm>>
      %dma_wait3A_30 = tpu.memref_squeeze %dma_wait3A_29 : memref<1x20x128xi32, #tpu.memory_space<hbm>> -> memref<20x128xi32, #tpu.memory_space<hbm>>
      tpu.wait_dma2 semaphore(%run_scoped3A : memref<!tpu.dma_semaphore, #tpu.memory_space<semaphore_mem>>) src(%dma_wait3A_30 : memref<20x128xi32, #tpu.memory_space<hbm>>) dst(%arg5 : memref<20x128xi32, #tpu.memory_space<vmem>>)
      tpu.yield
    }) : () -> ()
    %barrier3A = arith.constant 0 : index
    tpu.barrier barrier_id(%barrier3A)
    %mul3A_5 = arith.constant 2560 : i32
    %mul3A_6 = arith.muli %add3A, %mul3A_5 : i32
    %iota3A = tpu.iota {dimensions = array<i32: 0>} : vector<16xi32>
    %scan3A = arith.constant 0 : i32
    %scan3A_7 = arith.constant 0 : i32
    %scan3A_8 = arith.constant 2 : i32
    %scan3A_9 = arith.addi %scan3A_7, %scan3A_8 : i32
    %scan3A_10 = arith.constant 1 : i32
    scf.for %scan3A_17 = %scan3A_7 to %scan3A_9 step %scan3A_10  : i32 {
      %mul3A_18 = arith.constant 1280 : i32
      %mul3A_19 = arith.muli %scan3A_17, %mul3A_18 : i32
      %add3A_20 = arith.addi %mul3A_6, %mul3A_19 : i32
      "tpu.region"() ({
        %run_scoped3A = tpu.sem_alloc : memref<!tpu.dma_semaphore, #tpu.memory_space<semaphore_mem>>
        %dma_start3A = arith.constant 0 : i32
        %dma_start3A_36 = tpu.memref_slice %arg3[%dma_start3A, %add3A_20] : memref<32x81920xf32, #tpu.memory_space<hbm>> -> memref<32x1280xf32, #tpu.memory_space<hbm>>
        %dma_start3A_37 = arith.constant 0 : i32
        %dma_start3A_38 = tpu.memref_slice %arg3[%dma_start3A_37, %add3A_20] : memref<32x81920xf32, #tpu.memory_space<hbm>> -> memref<32x1280xf32, #tpu.memory_space<hbm>>
        tpu.enqueue_dma source(%dma_start3A_38 : memref<32x1280xf32, #tpu.memory_space<hbm>>) target(%arg6 : memref<32x1280xf32, #tpu.memory_space<vmem>>) target_semaphore(%run_scoped3A : memref<!tpu.dma_semaphore, #tpu.memory_space<semaphore_mem>>)
        %dma_wait3A = arith.constant 0 : i32
        %dma_wait3A_39 = tpu.memref_slice %arg3[%dma_wait3A, %add3A_20] : memref<32x81920xf32, #tpu.memory_space<hbm>> -> memref<32x1280xf32, #tpu.memory_space<hbm>>
        %dma_wait3A_40 = arith.constant 0 : i32
        %dma_wait3A_41 = tpu.memref_slice %arg3[%dma_wait3A_40, %add3A_20] : memref<32x81920xf32, #tpu.memory_space<hbm>> -> memref<32x1280xf32, #tpu.memory_space<hbm>>
        tpu.wait_dma2 semaphore(%run_scoped3A : memref<!tpu.dma_semaphore, #tpu.memory_space<semaphore_mem>>) src(%dma_wait3A_41 : memref<32x1280xf32, #tpu.memory_space<hbm>>) dst(%arg6 : memref<32x1280xf32, #tpu.memory_space<vmem>>)
        tpu.yield
      }) : () -> ()
      %parallel_loop3A_21 = arith.constant 0 : i32
      %parallel_loop3A_22 = arith.constant 1280 : i32
      %parallel_loop3A_23 = arith.constant 1 : i32
      scf.for %parallel_loop3A_36 = %parallel_loop3A_21 to %parallel_loop3A_22 step %parallel_loop3A_23  : i32 {
        %parallel_loop3A_37 = arith.constant 0 : i32
        %parallel_loop3A_38 = vector.broadcast %parallel_loop3A_37 : i32 to vector<16xi32>
        %parallel_loop3A_39 = vector.broadcast %parallel_loop3A_36 : i32 to vector<16xi32>
        %parallel_loop3A_40 = arith.addi %parallel_loop3A_38, %parallel_loop3A_39 : vector<16xi32>
        %parallel_loop3A_41 = tpu.vector_load_idx %arg6[%iota3A, %parallel_loop3A_40] : memref<32x1280xf32, #tpu.memory_space<vmem>>[vector<16xi32>, vector<16xi32>], vector<16xf32>,
        %parallel_loop3A_42 = arith.index_cast %parallel_loop3A_36 : i32 to index
        %parallel_loop3A_43 = arith.constant 0 : index
        %parallel_loop3A_44 = tpu.vector_load %arg7[%parallel_loop3A_42, %parallel_loop3A_43] {strides = array<i32>} : memref<1280x32xf32, #tpu.memory_space<vmem>>, vector<16xf32>,
        tpu.vector_store %arg7[%parallel_loop3A_42, %parallel_loop3A_43], %parallel_loop3A_41 {strides = array<i32>} : memref<1280x32xf32, #tpu.memory_space<vmem>>, vector<16xf32>,
        %parallel_loop3A_45 = arith.constant 16 : i32
        %parallel_loop3A_46 = vector.broadcast %parallel_loop3A_45 : i32 to vector<16xi32>
        %parallel_loop3A_47 = arith.addi %parallel_loop3A_46, %iota3A : vector<16xi32>
        %parallel_loop3A_48 = tpu.vector_load_idx %arg6[%parallel_loop3A_47, %parallel_loop3A_40] : memref<32x1280xf32, #tpu.memory_space<vmem>>[vector<16xi32>, vector<16xi32>], vector<16xf32>,
        %parallel_loop3A_49 = arith.index_cast %parallel_loop3A_36 : i32 to index
        %parallel_loop3A_50 = arith.constant 16 : index
        %parallel_loop3A_51 = tpu.vector_load %arg7[%parallel_loop3A_49, %parallel_loop3A_50] {strides = array<i32>} : memref<1280x32xf32, #tpu.memory_space<vmem>>, vector<16xf32>,
        tpu.vector_store %arg7[%parallel_loop3A_49, %parallel_loop3A_50], %parallel_loop3A_48 {strides = array<i32>} : memref<1280x32xf32, #tpu.memory_space<vmem>>, vector<16xf32>,
      } {sc.loop_unroll_factor = 16 : i64, sc.parallel_access}
      %scan3A_24 = arith.constant 0 : i32
      %scan3A_25 = arith.constant 0 : i32
      %scan3A_26 = arith.constant 10 : i32
      %scan3A_27 = arith.addi %scan3A_25, %scan3A_26 : i32
      %scan3A_28 = arith.constant 1 : i32
      scf.for %scan3A_36 = %scan3A_25 to %scan3A_27 step %scan3A_28  : i32 {
        %mul3A_37 = arith.constant 128 : i32
        %mul3A_38 = arith.muli %scan3A_36, %mul3A_37 : i32
        %mul3A_39 = arith.constant 10 : i32
        %mul3A_40 = arith.muli %scan3A_17, %mul3A_39 : i32
        %add3A_41 = arith.addi %mul3A_40, %scan3A_36 : i32
        %dma_start3A = arith.constant 0 : i32
        %dma_start3A_42 = tpu.memref_slice %arg7[%mul3A_38, %dma_start3A] : memref<1280x32xf32, #tpu.memory_space<vmem>> -> memref<128x32xf32, #tpu.memory_space<vmem>>
        %dma_start3A_43 = arith.constant 0 : i32
        %dma_start3A_44 = tpu.memref_slice %arg5[%add3A_41, %dma_start3A_43] : memref<20x128xi32, #tpu.memory_space<vmem>> -> memref<1x128xi32, #tpu.memory_space<vmem>>
        %dma_start3A_45 = tpu.memref_squeeze %dma_start3A_44 : memref<1x128xi32, #tpu.memory_space<vmem>> -> memref<128xi32, #tpu.memory_space<vmem>>
        %dma_start3A_46 = arith.constant 0 : i32
        %dma_start3A_47 = arith.constant 0 : i32
        %dma_start3A_48 = tpu.memref_slice %arg9[%dma_start3A_46, %dma_start3A_47] : memref<10000x32xf32, #tpu.memory_space<vmem_shared>> -> memref<10000x32xf32, #tpu.memory_space<vmem_shared>>
        tpu.enqueue_indirect_dma source(%dma_start3A_42 : memref<128x32xf32, #tpu.memory_space<vmem>>) target(%dma_start3A_48 : memref<10000x32xf32, #tpu.memory_space<vmem_shared>>) offsets(%dma_start3A_45 : memref<128xi32, #tpu.memory_space<vmem>>) semaphore(%arg10 : memref<!tpu.dma_semaphore, #tpu.memory_space<semaphore_mem>>) {add = true}
      }
      %scan3A_29 = arith.constant 10 : i32
      %scan3A_30 = arith.constant 0 : i32
      %scan3A_31 = arith.constant 0 : i32
      %scan3A_32 = arith.constant 10 : i32
      %scan3A_33 = arith.addi %scan3A_31, %scan3A_32 : i32
      %scan3A_34 = arith.constant 1 : i32
      scf.for %scan3A_36 = %scan3A_31 to %scan3A_33 step %scan3A_34  : i32 {
        %mul3A_37 = arith.constant 128 : i32
        %mul3A_38 = arith.muli %scan3A_36, %mul3A_37 : i32
        %mul3A_39 = arith.constant 10 : i32
        %mul3A_40 = arith.muli %scan3A_17, %mul3A_39 : i32
        %add3A_41 = arith.addi %mul3A_40, %scan3A_36 : i32
        %dma_wait3A = arith.constant 0 : i32
        %dma_wait3A_42 = tpu.memref_slice %arg7[%mul3A_38, %dma_wait3A] : memref<1280x32xf32, #tpu.memory_space<vmem>> -> memref<128x32xf32, #tpu.memory_space<vmem>>
        %dma_wait3A_43 = arith.constant 0 : i32
        %dma_wait3A_44 = tpu.memref_slice %arg5[%add3A_41, %dma_wait3A_43] : memref<20x128xi32, #tpu.memory_space<vmem>> -> memref<1x128xi32, #tpu.memory_space<vmem>>
        %dma_wait3A_45 = tpu.memref_squeeze %dma_wait3A_44 : memref<1x128xi32, #tpu.memory_space<vmem>> -> memref<128xi32, #tpu.memory_space<vmem>>
        %dma_wait3A_46 = arith.constant 0 : i32
        %dma_wait3A_47 = arith.constant 0 : i32
        %dma_wait3A_48 = tpu.memref_slice %arg9[%dma_wait3A_46, %dma_wait3A_47] : memref<10000x32xf32, #tpu.memory_space<vmem_shared>> -> memref<10000x32xf32, #tpu.memory_space<vmem_shared>>
        tpu.wait_indirect_dma semaphore(%arg10 : memref<!tpu.dma_semaphore, #tpu.memory_space<semaphore_mem>>) src(%dma_wait3A_42 : memref<128x32xf32, #tpu.memory_space<vmem>>) dst(%dma_wait3A_48 : memref<10000x32xf32, #tpu.memory_space<vmem_shared>>)
      }
      %scan3A_35 = arith.constant 10 : i32
    }
    %scan3A_11 = arith.constant 2 : i32
    %barrier3A_12 = arith.constant 0 : index
    tpu.barrier barrier_id(%barrier3A_12)
    %mul3A_13 = arith.constant 625 : i32
    %mul3A_14 = arith.muli %arg1, %mul3A_13 : i32
    %mul3A_15 = arith.constant 625 : i32
    %mul3A_16 = arith.muli %arg1, %mul3A_15 : i32
    "tpu.region"() ({
      %run_scoped3A = tpu.sem_alloc : memref<!tpu.dma_semaphore, #tpu.memory_space<semaphore_mem>>
      %dma_start3A = arith.constant 0 : i32
      %dma_start3A_17 = tpu.memref_slice %arg4[%arg0, %mul3A_16, %dma_start3A] : memref<2x10000x32xf32, #tpu.memory_space<hbm>> -> memref<1x625x32xf32, #tpu.memory_space<hbm>>
      %dma_start3A_18 = tpu.memref_squeeze %dma_start3A_17 : memref<1x625x32xf32, #tpu.memory_space<hbm>> -> memref<625x32xf32, #tpu.memory_space<hbm>>
      %dma_start3A_19 = arith.constant 0 : i32
      %dma_start3A_20 = tpu.memref_slice %arg9[%mul3A_14, %dma_start3A_19] : memref<10000x32xf32, #tpu.memory_space<vmem_shared>> -> memref<625x32xf32, #tpu.memory_space<vmem_shared>>
      tpu.enqueue_dma source(%dma_start3A_20 : memref<625x32xf32, #tpu.memory_space<vmem_shared>>) target(%dma_start3A_18 : memref<625x32xf32, #tpu.memory_space<hbm>>) target_semaphore(%run_scoped3A : memref<!tpu.dma_semaphore, #tpu.memory_space<semaphore_mem>>)
      %dma_wait3A = arith.constant 0 : i32
      %dma_wait3A_21 = tpu.memref_slice %arg4[%arg0, %mul3A_16, %dma_wait3A] : memref<2x10000x32xf32, #tpu.memory_space<hbm>> -> memref<1x625x32xf32, #tpu.memory_space<hbm>>
      %dma_wait3A_22 = tpu.memref_squeeze %dma_wait3A_21 : memref<1x625x32xf32, #tpu.memory_space<hbm>> -> memref<625x32xf32, #tpu.memory_space<hbm>>
      %dma_wait3A_23 = arith.constant 0 : i32
      %dma_wait3A_24 = tpu.memref_slice %arg9[%mul3A_14, %dma_wait3A_23] : memref<10000x32xf32, #tpu.memory_space<vmem_shared>> -> memref<625x32xf32, #tpu.memory_space<vmem_shared>>
      tpu.wait_dma2 semaphore(%run_scoped3A : memref<!tpu.dma_semaphore, #tpu.memory_space<semaphore_mem>>) src(%dma_wait3A_24 : memref<625x32xf32, #tpu.memory_space<vmem_shared>>) dst(%dma_wait3A_22 : memref<625x32xf32, #tpu.memory_space<hbm>>)
      tpu.yield
    }) : () -> ()
    return
  }
}

#map = affine_map<(d0, d1) -> (0, 0, 0)>
#map1 = affine_map<(d0, d1) -> (0, 0)>
module attributes {stable_mosaic.version = 14 : i64} {
  func.func @_sc_gather(%arg0: i32, %arg1: i32, %arg2: memref<32x20x128xi32, #tpu.memory_space<hbm>>, %arg3: memref<10000x16xf32, #tpu.memory_space<hbm>>, %arg4: memref<16x81920xf32, #tpu.memory_space<hbm>>, %arg5: memref<20x128xi32, #tpu.memory_space<vmem>>, %arg6: memref<1280x16xf32, #tpu.memory_space<vmem>>, %arg7: memref<16x2560xf32, #tpu.memory_space<vmem>>, %arg8: memref<!tpu.dma_semaphore, #tpu.memory_space<semaphore_mem>>) attributes {dimension_semantics = [#tpu.dimension_semantics<core_parallel>, #tpu.dimension_semantics<subcore_parallel>], iteration_bounds = array<i64: 2, 16>, scalar_prefetch = 0 : i64, scratch_operands = 4 : i64, tpu.core_type = #tpu.core_type<sc_vector_subcore>, window_params = [{transform_indices = #map}, {transform_indices = #map1}, {transform_indices = #map1}]} {
    %mul3A = arith.constant 16 : i32
    %mul3A_0 = arith.muli %arg0, %mul3A : i32
    %add3A = arith.addi %mul3A_0, %arg1 : i32
    "tpu.region"() ({
      %run_scoped3A = tpu.sem_alloc : memref<!tpu.dma_semaphore, #tpu.memory_space<semaphore_mem>>
      %dma_start3A = arith.constant 0 : i32
      %dma_start3A_8 = arith.constant 0 : i32
      %dma_start3A_9 = tpu.memref_slice %arg2[%add3A, %dma_start3A, %dma_start3A_8] : memref<32x20x128xi32, #tpu.memory_space<hbm>> -> memref<1x20x128xi32, #tpu.memory_space<hbm>>
      %dma_start3A_10 = tpu.memref_squeeze %dma_start3A_9 : memref<1x20x128xi32, #tpu.memory_space<hbm>> -> memref<20x128xi32, #tpu.memory_space<hbm>>
      %dma_start3A_11 = arith.constant 0 : i32
      %dma_start3A_12 = arith.constant 0 : i32
      %dma_start3A_13 = tpu.memref_slice %arg2[%add3A, %dma_start3A_11, %dma_start3A_12] : memref<32x20x128xi32, #tpu.memory_space<hbm>> -> memref<1x20x128xi32, #tpu.memory_space<hbm>>
      %dma_start3A_14 = tpu.memref_squeeze %dma_start3A_13 : memref<1x20x128xi32, #tpu.memory_space<hbm>> -> memref<20x128xi32, #tpu.memory_space<hbm>>
      tpu.enqueue_dma source(%dma_start3A_14 : memref<20x128xi32, #tpu.memory_space<hbm>>) target(%arg5 : memref<20x128xi32, #tpu.memory_space<vmem>>) target_semaphore(%run_scoped3A : memref<!tpu.dma_semaphore, #tpu.memory_space<semaphore_mem>>)
      %dma_wait3A = arith.constant 0 : i32
      %dma_wait3A_15 = arith.constant 0 : i32
      %dma_wait3A_16 = tpu.memref_slice %arg2[%add3A, %dma_wait3A, %dma_wait3A_15] : memref<32x20x128xi32, #tpu.memory_space<hbm>> -> memref<1x20x128xi32, #tpu.memory_space<hbm>>
      %dma_wait3A_17 = tpu.memref_squeeze %dma_wait3A_16 : memref<1x20x128xi32, #tpu.memory_space<hbm>> -> memref<20x128xi32, #tpu.memory_space<hbm>>
      %dma_wait3A_18 = arith.constant 0 : i32
      %dma_wait3A_19 = arith.constant 0 : i32
      %dma_wait3A_20 = tpu.memref_slice %arg2[%add3A, %dma_wait3A_18, %dma_wait3A_19] : memref<32x20x128xi32, #tpu.memory_space<hbm>> -> memref<1x20x128xi32, #tpu.memory_space<hbm>>
      %dma_wait3A_21 = tpu.memref_squeeze %dma_wait3A_20 : memref<1x20x128xi32, #tpu.memory_space<hbm>> -> memref<20x128xi32, #tpu.memory_space<hbm>>
      tpu.wait_dma2 semaphore(%run_scoped3A : memref<!tpu.dma_semaphore, #tpu.memory_space<semaphore_mem>>) src(%dma_wait3A_21 : memref<20x128xi32, #tpu.memory_space<hbm>>) dst(%arg5 : memref<20x128xi32, #tpu.memory_space<vmem>>)
      tpu.yield
    }) : () -> ()
    %iota3A = tpu.iota {dimensions = array<i32: 0>} : vector<16xi32>
    %scan3A = arith.constant 0 : i32
    %scan3A_1 = arith.constant 0 : i32
    %scan3A_2 = arith.constant 2 : i32
    %scan3A_3 = arith.addi %scan3A_1, %scan3A_2 : i32
    %scan3A_4 = arith.constant 1 : i32
    scf.for %scan3A_8 = %scan3A_1 to %scan3A_3 step %scan3A_4  : i32 {
      %scan3A_9 = arith.constant 0 : i32
      %scan3A_10 = arith.constant 0 : i32
      %scan3A_11 = arith.constant 10 : i32
      %scan3A_12 = arith.addi %scan3A_10, %scan3A_11 : i32
      %scan3A_13 = arith.constant 1 : i32
      scf.for %scan3A_23 = %scan3A_10 to %scan3A_12 step %scan3A_13  : i32 {
        %mul3A_24 = arith.constant 10 : i32
        %mul3A_25 = arith.muli %scan3A_8, %mul3A_24 : i32
        %add3A_26 = arith.addi %mul3A_25, %scan3A_23 : i32
        %mul3A_27 = arith.constant 128 : i32
        %mul3A_28 = arith.muli %scan3A_23, %mul3A_27 : i32
        %dma_start3A = arith.constant 0 : i32
        %dma_start3A_29 = tpu.memref_slice %arg6[%mul3A_28, %dma_start3A] : memref<1280x16xf32, #tpu.memory_space<vmem>> -> memref<128x16xf32, #tpu.memory_space<vmem>>
        %dma_start3A_30 = arith.constant 0 : i32
        %dma_start3A_31 = tpu.memref_slice %arg5[%add3A_26, %dma_start3A_30] : memref<20x128xi32, #tpu.memory_space<vmem>> -> memref<1x128xi32, #tpu.memory_space<vmem>>
        %dma_start3A_32 = tpu.memref_squeeze %dma_start3A_31 : memref<1x128xi32, #tpu.memory_space<vmem>> -> memref<128xi32, #tpu.memory_space<vmem>>
        %dma_start3A_33 = arith.constant 0 : i32
        %dma_start3A_34 = arith.constant 0 : i32
        %dma_start3A_35 = tpu.memref_slice %arg3[%dma_start3A_33, %dma_start3A_34] : memref<10000x16xf32, #tpu.memory_space<hbm>> -> memref<10000x16xf32, #tpu.memory_space<hbm>>
        tpu.enqueue_indirect_dma source(%dma_start3A_35 : memref<10000x16xf32, #tpu.memory_space<hbm>>) target(%dma_start3A_29 : memref<128x16xf32, #tpu.memory_space<vmem>>) offsets(%dma_start3A_32 : memref<128xi32, #tpu.memory_space<vmem>>) semaphore(%arg8 : memref<!tpu.dma_semaphore, #tpu.memory_space<semaphore_mem>>)
      }
      %scan3A_14 = arith.constant 10 : i32
      %scan3A_15 = arith.constant 0 : i32
      %scan3A_16 = arith.constant 0 : i32
      %scan3A_17 = arith.constant 10 : i32
      %scan3A_18 = arith.addi %scan3A_16, %scan3A_17 : i32
      %scan3A_19 = arith.constant 1 : i32
      scf.for %scan3A_23 = %scan3A_16 to %scan3A_18 step %scan3A_19  : i32 {
        %mul3A_24 = arith.constant 10 : i32
        %mul3A_25 = arith.muli %scan3A_8, %mul3A_24 : i32
        %add3A_26 = arith.addi %mul3A_25, %scan3A_23 : i32
        %mul3A_27 = arith.constant 128 : i32
        %mul3A_28 = arith.muli %scan3A_23, %mul3A_27 : i32
        %dma_wait3A = arith.constant 0 : i32
        %dma_wait3A_29 = tpu.memref_slice %arg6[%mul3A_28, %dma_wait3A] : memref<1280x16xf32, #tpu.memory_space<vmem>> -> memref<128x16xf32, #tpu.memory_space<vmem>>
        %dma_wait3A_30 = arith.constant 0 : i32
        %dma_wait3A_31 = tpu.memref_slice %arg5[%add3A_26, %dma_wait3A_30] : memref<20x128xi32, #tpu.memory_space<vmem>> -> memref<1x128xi32, #tpu.memory_space<vmem>>
        %dma_wait3A_32 = tpu.memref_squeeze %dma_wait3A_31 : memref<1x128xi32, #tpu.memory_space<vmem>> -> memref<128xi32, #tpu.memory_space<vmem>>
        %dma_wait3A_33 = arith.constant 0 : i32
        %dma_wait3A_34 = arith.constant 0 : i32
        %dma_wait3A_35 = tpu.memref_slice %arg3[%dma_wait3A_33, %dma_wait3A_34] : memref<10000x16xf32, #tpu.memory_space<hbm>> -> memref<10000x16xf32, #tpu.memory_space<hbm>>
        tpu.wait_indirect_dma semaphore(%arg8 : memref<!tpu.dma_semaphore, #tpu.memory_space<semaphore_mem>>) src(%dma_wait3A_35 : memref<10000x16xf32, #tpu.memory_space<hbm>>) dst(%dma_wait3A_29 : memref<128x16xf32, #tpu.memory_space<vmem>>)
      }
      %scan3A_20 = arith.constant 10 : i32
      %parallel_loop3A = arith.constant 0 : i32
      %parallel_loop3A_21 = arith.constant 1280 : i32
      %parallel_loop3A_22 = arith.constant 1 : i32
      scf.for %parallel_loop3A_23 = %parallel_loop3A to %parallel_loop3A_21 step %parallel_loop3A_22  : i32 {
        %parallel_loop3A_24 = arith.index_cast %parallel_loop3A_23 : i32 to index
        %parallel_loop3A_25 = arith.constant 0 : index
        %parallel_loop3A_26 = tpu.vector_load %arg6[%parallel_loop3A_24, %parallel_loop3A_25] {strides = array<i32>} : memref<1280x16xf32, #tpu.memory_space<vmem>>, vector<16xf32>,
        %parallel_loop3A_27 = arith.constant 0 : i32
        %parallel_loop3A_28 = vector.broadcast %parallel_loop3A_27 : i32 to vector<16xi32>
        %parallel_loop3A_29 = arith.constant 1280 : i32
        %parallel_loop3A_30 = arith.muli %scan3A_8, %parallel_loop3A_29 : i32
        %parallel_loop3A_31 = arith.addi %parallel_loop3A_30, %parallel_loop3A_23 : i32
        %parallel_loop3A_32 = vector.broadcast %parallel_loop3A_31 : i32 to vector<16xi32>
        %parallel_loop3A_33 = arith.addi %parallel_loop3A_28, %parallel_loop3A_32 : vector<16xi32>
        tpu.vector_store_idx %arg7[%iota3A, %parallel_loop3A_33], %parallel_loop3A_26 : memref<16x2560xf32, #tpu.memory_space<vmem>>[vector<16xi32>, vector<16xi32>], vector<16xf32>,
      } {sc.loop_unroll_factor = 16 : i64, sc.parallel_access}
    }
    %scan3A_5 = arith.constant 2 : i32
    %mul3A_6 = arith.constant 2560 : i32
    %mul3A_7 = arith.muli %add3A, %mul3A_6 : i32
    "tpu.region"() ({
      %run_scoped3A = tpu.sem_alloc : memref<!tpu.dma_semaphore, #tpu.memory_space<semaphore_mem>>
      %dma_start3A = arith.constant 0 : i32
      %dma_start3A_8 = tpu.memref_slice %arg4[%dma_start3A, %mul3A_7] : memref<16x81920xf32, #tpu.memory_space<hbm>> -> memref<16x2560xf32, #tpu.memory_space<hbm>>
      %dma_start3A_9 = arith.constant 0 : i32
      %dma_start3A_10 = tpu.memref_slice %arg4[%dma_start3A_9, %mul3A_7] : memref<16x81920xf32, #tpu.memory_space<hbm>> -> memref<16x2560xf32, #tpu.memory_space<hbm>>
      tpu.enqueue_dma source(%arg7 : memref<16x2560xf32, #tpu.memory_space<vmem>>) target(%dma_start3A_10 : memref<16x2560xf32, #tpu.memory_space<hbm>>) target_semaphore(%run_scoped3A : memref<!tpu.dma_semaphore, #tpu.memory_space<semaphore_mem>>)
      %dma_wait3A = arith.constant 0 : i32
      %dma_wait3A_11 = tpu.memref_slice %arg4[%dma_wait3A, %mul3A_7] : memref<16x81920xf32, #tpu.memory_space<hbm>> -> memref<16x2560xf32, #tpu.memory_space<hbm>>
      %dma_wait3A_12 = arith.constant 0 : i32
      %dma_wait3A_13 = tpu.memref_slice %arg4[%dma_wait3A_12, %mul3A_7] : memref<16x81920xf32, #tpu.memory_space<hbm>> -> memref<16x2560xf32, #tpu.memory_space<hbm>>
      tpu.wait_dma2 semaphore(%run_scoped3A : memref<!tpu.dma_semaphore, #tpu.memory_space<semaphore_mem>>) src(%arg7 : memref<16x2560xf32, #tpu.memory_space<vmem>>) dst(%dma_wait3A_13 : memref<16x2560xf32, #tpu.memory_space<hbm>>)
      tpu.yield
    }) : () -> ()
    return
  }
}

module attributes {stable_mosaic.version = 14 : i64} {
  func.func @_prep_body(%arg0: i32, %arg1: memref<2000x128xf32, #tpu.memory_space<vmem>>, %arg2: memref<2000x1xi32, #tpu.memory_space<vmem>>, %arg3: memref<128x64xf32, #tpu.memory_space<vmem>>, %arg4: memref<1x64xf32, #tpu.memory_space<vmem>>, %arg5: memref<64x16xf32, #tpu.memory_space<vmem>>, %arg6: memref<1x16xf32, #tpu.memory_space<vmem>>, %arg7: memref<16x24xf32, #tpu.memory_space<vmem>>, %arg8: memref<1x24xf32, #tpu.memory_space<vmem>>, %arg9: memref<2000x16xf32, #tpu.memory_space<vmem>>, %arg10: memref<2000x24xf32, #tpu.memory_space<vmem>>) attributes {dimension_semantics = [#tpu.dimension_semantics<arbitrary>], iteration_bounds = array<i64: 5>, scalar_prefetch = 0 : i64, scratch_operands = 0 : i64, tpu.core_type = #tpu.core_type<tc>, window_params = [{transform_indices = @transform_0, window_bounds = array<i64: 2000, 128>}, {transform_indices = @transform_1, window_bounds = array<i64: 2000, 1>}, {pipeline_mode = #tpu.pipeline_mode<synchronous>, transform_indices = @transform_2, window_bounds = array<i64: 128, 64>}, {pipeline_mode = #tpu.pipeline_mode<synchronous>, transform_indices = @transform_3, window_bounds = array<i64: 1, 64>}, {pipeline_mode = #tpu.pipeline_mode<synchronous>, transform_indices = @transform_4, window_bounds = array<i64: 64, 16>}, {pipeline_mode = #tpu.pipeline_mode<synchronous>, transform_indices = @transform_5, window_bounds = array<i64: 1, 16>}, {pipeline_mode = #tpu.pipeline_mode<synchronous>, transform_indices = @transform_6, window_bounds = array<i64: 16, 24>}, {pipeline_mode = #tpu.pipeline_mode<synchronous>, transform_indices = @transform_7, window_bounds = array<i64: 1, 24>}, {transform_indices = @transform_8, window_bounds = array<i64: 2000, 16>}, {transform_indices = @transform_9, window_bounds = array<i64: 2000, 24>}]} {
    %get3A = arith.constant 0 : index
    %get3A_0 = arith.constant 0 : index
    %get3A_1 = vector.load %arg1[%get3A, %get3A_0] : memref<2000x128xf32, #tpu.memory_space<vmem>>, vector<2000x128xf32>
    %get3A_2 = arith.constant 0 : index
    %get3A_3 = arith.constant 0 : index
    %get3A_4 = vector.load %arg3[%get3A_2, %get3A_3] : memref<128x64xf32, #tpu.memory_space<vmem>>, vector<128x64xf32>
    %dot_general3A = arith.constant dense<0.000000e+00> : vector<2000x64xf32>
    %dot_general3A_5 = tpu.matmul %get3A_1, %get3A_4, %dot_general3A {dimension_numbers = #tpu.dot_dimension_numbers<[1], [0], [0], [1], [0, 0, 1, 1], [], []>, transpose_lhs_hint = false} : vector<2000x128xf32>, vector<128x64xf32>, vector<2000x64xf32> -> vector<2000x64xf32>
    %get3A_6 = arith.constant 0 : index
    %get3A_7 = arith.constant 0 : index
    %get3A_8 = vector.load %arg4[%get3A_6, %get3A_7] : memref<1x64xf32, #tpu.memory_space<vmem>>, vector<1x64xf32>
    %add3A = vector.broadcast %get3A_8 : vector<1x64xf32> to vector<2000x64xf32>
    %add3A_9 = arith.addf %dot_general3A_5, %add3A : vector<2000x64xf32>
    %get3A_10 = arith.constant 0 : index
    %get3A_11 = arith.constant 0 : index
    %get3A_12 = vector.load %arg2[%get3A_10, %get3A_11] : memref<2000x1xi32, #tpu.memory_space<vmem>>, vector<2000x1xi32>
    %eq3A = arith.constant 0 : i32
    %eq3A_13 = vector.broadcast %eq3A : i32 to vector<2000x1xi32>
    %eq3A_14 = arith.cmpi eq, %get3A_12, %eq3A_13 : vector<2000x1xi32>
    %jit3A = arith.constant 0.000000e+00 : f32
    %broadcast_in_dim3A = vector.shape_cast %eq3A_14 : vector<2000x1xi1> to vector<2000x1xi1>
    %broadcast_in_dim3A_15 = vector.broadcast %broadcast_in_dim3A : vector<2000x1xi1> to vector<2000x64xi1>
    %broadcast_in_dim3A_16 = vector.broadcast %jit3A : f32 to vector<2000x64xf32>
    %select_n3A = arith.select %broadcast_in_dim3A_15, %add3A_9, %broadcast_in_dim3A_16 : vector<2000x64xi1>, vector<2000x64xf32>
    %max3A = arith.constant 0.000000e+00 : f32
    %max3A_17 = vector.broadcast %max3A : f32 to vector<2000x64xf32>
    %max3A_18 = arith.maximumf %select_n3A, %max3A_17 : vector<2000x64xf32>
    %get3A_19 = arith.constant 0 : index
    %get3A_20 = arith.constant 0 : index
    %get3A_21 = vector.load %arg5[%get3A_19, %get3A_20] : memref<64x16xf32, #tpu.memory_space<vmem>>, vector<64x16xf32>
    %dot_general3A_22 = arith.constant dense<0.000000e+00> : vector<2000x16xf32>
    %dot_general3A_23 = tpu.matmul %max3A_18, %get3A_21, %dot_general3A_22 {dimension_numbers = #tpu.dot_dimension_numbers<[1], [0], [0], [1], [0, 0, 1, 1], [], []>, transpose_lhs_hint = false} : vector<2000x64xf32>, vector<64x16xf32>, vector<2000x16xf32> -> vector<2000x16xf32>
    %get3A_24 = arith.constant 0 : index
    %get3A_25 = arith.constant 0 : index
    %get3A_26 = vector.load %arg6[%get3A_24, %get3A_25] : memref<1x16xf32, #tpu.memory_space<vmem>>, vector<1x16xf32>
    %add3A_27 = vector.broadcast %get3A_26 : vector<1x16xf32> to vector<2000x16xf32>
    %add3A_28 = arith.addf %dot_general3A_23, %add3A_27 : vector<2000x16xf32>
    %max3A_29 = arith.constant 0.000000e+00 : f32
    %max3A_30 = vector.broadcast %max3A_29 : f32 to vector<2000x16xf32>
    %max3A_31 = arith.maximumf %add3A_28, %max3A_30 : vector<2000x16xf32>
    %swap3A = arith.constant 0 : index
    %swap3A_32 = arith.constant 0 : index
    %swap3A_33 = vector.load %arg9[%swap3A, %swap3A_32] : memref<2000x16xf32, #tpu.memory_space<vmem>>, vector<2000x16xf32>
    tpu.vector_store %arg9[%swap3A, %swap3A_32], %max3A_31 {strides = array<i32>} : memref<2000x16xf32, #tpu.memory_space<vmem>>, vector<2000x16xf32>,
    %get3A_34 = arith.constant 0 : index
    %get3A_35 = arith.constant 0 : index
    %get3A_36 = vector.load %arg7[%get3A_34, %get3A_35] : memref<16x24xf32, #tpu.memory_space<vmem>>, vector<16x24xf32>
    %dot_general3A_37 = arith.constant dense<0.000000e+00> : vector<2000x24xf32>
    %dot_general3A_38 = tpu.matmul %max3A_31, %get3A_36, %dot_general3A_37 {dimension_numbers = #tpu.dot_dimension_numbers<[1], [0], [0], [1], [0, 0, 1, 1], [], []>, transpose_lhs_hint = false} : vector<2000x16xf32>, vector<16x24xf32>, vector<2000x24xf32> -> vector<2000x24xf32>
    %get3A_39 = arith.constant 0 : index
    %get3A_40 = arith.constant 0 : index
    %get3A_41 = vector.load %arg8[%get3A_39, %get3A_40] : memref<1x24xf32, #tpu.memory_space<vmem>>, vector<1x24xf32>
    %add3A_42 = vector.broadcast %get3A_41 : vector<1x24xf32> to vector<2000x24xf32>
    %add3A_43 = arith.addf %dot_general3A_38, %add3A_42 : vector<2000x24xf32>
    %swap3A_44 = arith.constant 0 : index
    %swap3A_45 = arith.constant 0 : index
    %swap3A_46 = vector.load %arg10[%swap3A_44, %swap3A_45] : memref<2000x24xf32, #tpu.memory_space<vmem>>, vector<2000x24xf32>
    tpu.vector_store %arg10[%swap3A_44, %swap3A_45], %add3A_43 {strides = array<i32>} : memref<2000x24xf32, #tpu.memory_space<vmem>>, vector<2000x24xf32>,
    return
  }
  func.func @transform_0(%arg0: i32) -> (i32, i32) {
    %c0_i32 = arith.constant 0 : i32
    %c0_i32_0 = arith.constant 0 : i32
    return %arg0, %c0_i32 : i32, i32
  }
  func.func @transform_1(%arg0: i32) -> (i32, i32) {
    %c0_i32 = arith.constant 0 : i32
    %c0_i32_0 = arith.constant 0 : i32
    return %arg0, %c0_i32 : i32, i32
  }
  func.func @transform_2(%arg0: i32) -> (i32, i32) {
    %c0_i32 = arith.constant 0 : i32
    %c0_i32_0 = arith.constant 0 : i32
    %c0_i32_1 = arith.constant 0 : i32
    return %c0_i32, %c0_i32_0 : i32, i32
  }
  func.func @transform_3(%arg0: i32) -> (i32, i32) {
    %c0_i32 = arith.constant 0 : i32
    %c0_i32_0 = arith.constant 0 : i32
    %c0_i32_1 = arith.constant 0 : i32
    return %c0_i32, %c0_i32_0 : i32, i32
  }
  func.func @transform_4(%arg0: i32) -> (i32, i32) {
    %c0_i32 = arith.constant 0 : i32
    %c0_i32_0 = arith.constant 0 : i32
    %c0_i32_1 = arith.constant 0 : i32
    return %c0_i32, %c0_i32_0 : i32, i32
  }
  func.func @transform_5(%arg0: i32) -> (i32, i32) {
    %c0_i32 = arith.constant 0 : i32
    %c0_i32_0 = arith.constant 0 : i32
    %c0_i32_1 = arith.constant 0 : i32
    return %c0_i32, %c0_i32_0 : i32, i32
  }
  func.func @transform_6(%arg0: i32) -> (i32, i32) {
    %c0_i32 = arith.constant 0 : i32
    %c0_i32_0 = arith.constant 0 : i32
    %c0_i32_1 = arith.constant 0 : i32
    return %c0_i32, %c0_i32_0 : i32, i32
  }
  func.func @transform_7(%arg0: i32) -> (i32, i32) {
    %c0_i32 = arith.constant 0 : i32
    %c0_i32_0 = arith.constant 0 : i32
    %c0_i32_1 = arith.constant 0 : i32
    return %c0_i32, %c0_i32_0 : i32, i32
  }
  func.func @transform_8(%arg0: i32) -> (i32, i32) {
    %c0_i32 = arith.constant 0 : i32
    %c0_i32_0 = arith.constant 0 : i32
    return %arg0, %c0_i32 : i32, i32
  }
  func.func @transform_9(%arg0: i32) -> (i32, i32) {
    %c0_i32 = arith.constant 0 : i32
    %c0_i32_0 = arith.constant 0 : i32
    return %arg0, %c0_i32 : i32, i32
  }
}

module attributes {stable_mosaic.version = 14 : i64} {
  func.func @_edge_body(%arg0: i32, %arg1: memref<4x4096xf32, #tpu.memory_space<vmem>>, %arg2: memref<16x4096xf32, #tpu.memory_space<vmem>>, %arg3: memref<16x4xf32, #tpu.memory_space<vmem>>, %arg4: memref<16x1xf32, #tpu.memory_space<vmem>>, %arg5: memref<24x256xf32, #tpu.memory_space<vmem>>, %arg6: memref<24x16xf32, #tpu.memory_space<vmem>>, %arg7: memref<32x4096xf32, #tpu.memory_space<vmem>>) attributes {dimension_semantics = [#tpu.dimension_semantics<arbitrary>], iteration_bounds = array<i64: 20>, scalar_prefetch = 0 : i64, scratch_operands = 0 : i64, tpu.core_type = #tpu.core_type<tc>, window_params = [{transform_indices = @transform_0, window_bounds = array<i64: 4, 4096>}, {transform_indices = @transform_1, window_bounds = array<i64: 16, 4096>}, {pipeline_mode = #tpu.pipeline_mode<synchronous>, transform_indices = @transform_2, window_bounds = array<i64: 16, 4>}, {pipeline_mode = #tpu.pipeline_mode<synchronous>, transform_indices = @transform_3, window_bounds = array<i64: 16, 1>}, {pipeline_mode = #tpu.pipeline_mode<synchronous>, transform_indices = @transform_4, window_bounds = array<i64: 24, 256>}, {pipeline_mode = #tpu.pipeline_mode<synchronous>, transform_indices = @transform_5, window_bounds = array<i64: 24, 16>}, {transform_indices = @transform_6, window_bounds = array<i64: 32, 4096>}]} {
    %get3A = arith.constant 0 : index
    %get3A_0 = arith.constant 0 : index
    %get3A_1 = vector.load %arg3[%get3A, %get3A_0] : memref<16x4xf32, #tpu.memory_space<vmem>>, vector<16x4xf32>
    %get3A_2 = arith.constant 0 : index
    %get3A_3 = arith.constant 0 : index
    %get3A_4 = vector.load %arg1[%get3A_2, %get3A_3] : memref<4x4096xf32, #tpu.memory_space<vmem>>, vector<4x4096xf32>
    %dot_general3A = arith.constant dense<0.000000e+00> : vector<16x4096xf32>
    %dot_general3A_5 = tpu.matmul %get3A_1, %get3A_4, %dot_general3A {dimension_numbers = #tpu.dot_dimension_numbers<[1], [0], [0], [1], [0, 0, 1, 1], [], []>, transpose_lhs_hint = false} : vector<16x4xf32>, vector<4x4096xf32>, vector<16x4096xf32> -> vector<16x4096xf32>
    %get3A_6 = arith.constant 0 : index
    %get3A_7 = arith.constant 0 : index
    %get3A_8 = vector.load %arg4[%get3A_6, %get3A_7] : memref<16x1xf32, #tpu.memory_space<vmem>>, vector<16x1xf32>
    %add3A = vector.broadcast %get3A_8 : vector<16x1xf32> to vector<16x4096xf32>
    %add3A_9 = arith.addf %dot_general3A_5, %add3A : vector<16x4096xf32>
    %logistic3A = arith.negf %add3A_9 : vector<16x4096xf32>
    %logistic3A_10 = math.exp %logistic3A : vector<16x4096xf32>
    %logistic3A_11 = arith.constant 1.000000e+00 : f32
    %logistic3A_12 = vector.broadcast %logistic3A_11 : f32 to vector<16x4096xf32>
    %logistic3A_13 = arith.addf %logistic3A_12, %logistic3A_10 : vector<16x4096xf32>
    %logistic3A_14 = arith.divf %logistic3A_12, %logistic3A_13 : vector<16x4096xf32>
    %get3A_15 = arith.constant 0 : index
    %get3A_16 = arith.constant 0 : index
    %get3A_17 = vector.load %arg2[%get3A_15, %get3A_16] : memref<16x4096xf32, #tpu.memory_space<vmem>>, vector<16x4096xf32>
    %broadcast_in_dim3A = vector.shape_cast %logistic3A_14 : vector<16x4096xf32> to vector<16x1x4096xf32>
    %broadcast_in_dim3A_18 = vector.shape_cast %broadcast_in_dim3A : vector<16x1x4096xf32> to vector<16x1x4096xf32>
    %broadcast_in_dim3A_19 = vector.broadcast %broadcast_in_dim3A_18 : vector<16x1x4096xf32> to vector<16x16x4096xf32>
    %reshape3A = vector.shape_cast %broadcast_in_dim3A_19 : vector<16x16x4096xf32> to vector<256x4096xf32>
    %broadcast_in_dim3A_20 = vector.shape_cast %get3A_17 : vector<16x4096xf32> to vector<1x16x4096xf32>
    %broadcast_in_dim3A_21 = vector.shape_cast %broadcast_in_dim3A_20 : vector<1x16x4096xf32> to vector<1x16x4096xf32>
    %broadcast_in_dim3A_22 = vector.broadcast %broadcast_in_dim3A_21 : vector<1x16x4096xf32> to vector<16x16x4096xf32>
    %reshape3A_23 = vector.shape_cast %broadcast_in_dim3A_22 : vector<16x16x4096xf32> to vector<256x4096xf32>
    %mul3A = arith.mulf %reshape3A, %reshape3A_23 : vector<256x4096xf32>
    %get3A_24 = arith.constant 0 : index
    %get3A_25 = arith.constant 0 : index
    %get3A_26 = vector.load %arg5[%get3A_24, %get3A_25] : memref<24x256xf32, #tpu.memory_space<vmem>>, vector<24x256xf32>
    %dot_general3A_27 = arith.constant dense<0.000000e+00> : vector<24x4096xf32>
    %dot_general3A_28 = tpu.matmul %get3A_26, %mul3A, %dot_general3A_27 {dimension_numbers = #tpu.dot_dimension_numbers<[1], [0], [0], [1], [0, 0, 1, 1], [], []>, transpose_lhs_hint = false} : vector<24x256xf32>, vector<256x4096xf32>, vector<24x4096xf32> -> vector<24x4096xf32>
    %get3A_29 = arith.constant 0 : index
    %get3A_30 = arith.constant 0 : index
    %get3A_31 = vector.load %arg6[%get3A_29, %get3A_30] : memref<24x16xf32, #tpu.memory_space<vmem>>, vector<24x16xf32>
    %dot_general3A_32 = arith.constant dense<0.000000e+00> : vector<24x4096xf32>
    %dot_general3A_33 = tpu.matmul %get3A_31, %get3A_17, %dot_general3A_32 {dimension_numbers = #tpu.dot_dimension_numbers<[1], [0], [0], [1], [0, 0, 1, 1], [], []>, transpose_lhs_hint = false} : vector<24x16xf32>, vector<16x4096xf32>, vector<24x4096xf32> -> vector<24x4096xf32>
    %add3A_34 = arith.addf %dot_general3A_28, %dot_general3A_33 : vector<24x4096xf32>
    %broadcast_in_dim3A_35 = arith.constant 1.000000e+00 : f32
    %broadcast_in_dim3A_36 = vector.broadcast %broadcast_in_dim3A_35 : f32 to vector<1x4096xf32>
    %broadcast_in_dim3A_37 = arith.constant 0.000000e+00 : f32
    %broadcast_in_dim3A_38 = vector.broadcast %broadcast_in_dim3A_37 : f32 to vector<7x4096xf32>
    %concatenate3A = tpu.concatenate %broadcast_in_dim3A_36, %broadcast_in_dim3A_38 in 0 : vector<1x4096xf32>, vector<7x4096xf32> -> vector<8x4096xf32>
    %concatenate3A_39 = tpu.concatenate %add3A_34, %concatenate3A in 0 : vector<24x4096xf32>, vector<8x4096xf32> -> vector<32x4096xf32>
    %iota3A = tpu.iota {dimensions = array<i32: 1>} : vector<1x4096xi32>
    %mul3A_40 = arith.constant 4096 : i32
    %mul3A_41 = arith.muli %arg0, %mul3A_40 : i32
    %add3A_42 = vector.broadcast %mul3A_41 : i32 to vector<1x4096xi32>
    %add3A_43 = arith.addi %iota3A, %add3A_42 : vector<1x4096xi32>
    %add3A_44 = arith.constant 0 : i32
    %add3A_45 = vector.broadcast %add3A_44 : i32 to vector<1x4096xi32>
    %add3A_46 = arith.addi %add3A_43, %add3A_45 : vector<1x4096xi32>
    %lt3A = arith.constant 160000 : i32
    %lt3A_47 = vector.broadcast %lt3A : i32 to vector<1x4096xi32>
    %lt3A_48 = arith.cmpi slt, %add3A_46, %lt3A_47 : vector<1x4096xi32>
    %convert_element_type3A = arith.extui %lt3A_48 : vector<1x4096xi1> to vector<1x4096xi32>
    %convert_element_type3A_49 = arith.sitofp %convert_element_type3A : vector<1x4096xi32> to vector<1x4096xf32>
    %mul3A_50 = vector.broadcast %convert_element_type3A_49 : vector<1x4096xf32> to vector<32x4096xf32>
    %mul3A_51 = arith.mulf %concatenate3A_39, %mul3A_50 : vector<32x4096xf32>
    %swap3A = arith.constant 0 : index
    %swap3A_52 = arith.constant 0 : index
    %swap3A_53 = vector.load %arg7[%swap3A, %swap3A_52] : memref<32x4096xf32, #tpu.memory_space<vmem>>, vector<32x4096xf32>
    tpu.vector_store %arg7[%swap3A, %swap3A_52], %mul3A_51 {strides = array<i32>} : memref<32x4096xf32, #tpu.memory_space<vmem>>, vector<32x4096xf32>,
    return
  }
  func.func @transform_0(%arg0: i32) -> (i32, i32) {
    %c0_i32 = arith.constant 0 : i32
    %c0_i32_0 = arith.constant 0 : i32
    return %c0_i32, %arg0 : i32, i32
  }
  func.func @transform_1(%arg0: i32) -> (i32, i32) {
    %c0_i32 = arith.constant 0 : i32
    %c0_i32_0 = arith.constant 0 : i32
    return %c0_i32, %arg0 : i32, i32
  }
  func.func @transform_2(%arg0: i32) -> (i32, i32) {
    %c0_i32 = arith.constant 0 : i32
    %c0_i32_0 = arith.constant 0 : i32
    %c0_i32_1 = arith.constant 0 : i32
    return %c0_i32, %c0_i32_0 : i32, i32
  }
  func.func @transform_3(%arg0: i32) -> (i32, i32) {
    %c0_i32 = arith.constant 0 : i32
    %c0_i32_0 = arith.constant 0 : i32
    %c0_i32_1 = arith.constant 0 : i32
    return %c0_i32, %c0_i32_0 : i32, i32
  }
  func.func @transform_4(%arg0: i32) -> (i32, i32) {
    %c0_i32 = arith.constant 0 : i32
    %c0_i32_0 = arith.constant 0 : i32
    %c0_i32_1 = arith.constant 0 : i32
    return %c0_i32, %c0_i32_0 : i32, i32
  }
  func.func @transform_5(%arg0: i32) -> (i32, i32) {
    %c0_i32 = arith.constant 0 : i32
    %c0_i32_0 = arith.constant 0 : i32
    %c0_i32_1 = arith.constant 0 : i32
    return %c0_i32, %c0_i32_0 : i32, i32
  }
  func.func @transform_6(%arg0: i32) -> (i32, i32) {
    %c0_i32 = arith.constant 0 : i32
    %c0_i32_0 = arith.constant 0 : i32
    return %c0_i32, %arg0 : i32, i32
  }
}

module attributes {stable_mosaic.version = 14 : i64} {
  func.func @_edge_body(%arg0: i32, %arg1: memref<4x4096xf32, #tpu.memory_space<vmem>>, %arg2: memref<16x4096xf32, #tpu.memory_space<vmem>>, %arg3: memref<16x4xf32, #tpu.memory_space<vmem>>, %arg4: memref<16x1xf32, #tpu.memory_space<vmem>>, %arg5: memref<24x256xf32, #tpu.memory_space<vmem>>, %arg6: memref<24x16xf32, #tpu.memory_space<vmem>>, %arg7: memref<32x4096xf32, #tpu.memory_space<vmem>>) attributes {dimension_semantics = [#tpu.dimension_semantics<arbitrary>], iteration_bounds = array<i64: 20>, scalar_prefetch = 0 : i64, scratch_operands = 0 : i64, tpu.core_type = #tpu.core_type<tc>, window_params = [{transform_indices = @transform_0, window_bounds = array<i64: 4, 4096>}, {transform_indices = @transform_1, window_bounds = array<i64: 16, 4096>}, {pipeline_mode = #tpu.pipeline_mode<synchronous>, transform_indices = @transform_2, window_bounds = array<i64: 16, 4>}, {pipeline_mode = #tpu.pipeline_mode<synchronous>, transform_indices = @transform_3, window_bounds = array<i64: 16, 1>}, {pipeline_mode = #tpu.pipeline_mode<synchronous>, transform_indices = @transform_4, window_bounds = array<i64: 24, 256>}, {pipeline_mode = #tpu.pipeline_mode<synchronous>, transform_indices = @transform_5, window_bounds = array<i64: 24, 16>}, {transform_indices = @transform_6, window_bounds = array<i64: 32, 4096>}]} {
    %get3A = arith.constant 0 : index
    %get3A_0 = arith.constant 0 : index
    %get3A_1 = vector.load %arg3[%get3A, %get3A_0] : memref<16x4xf32, #tpu.memory_space<vmem>>, vector<16x4xf32>
    %get3A_2 = arith.constant 0 : index
    %get3A_3 = arith.constant 0 : index
    %get3A_4 = vector.load %arg1[%get3A_2, %get3A_3] : memref<4x4096xf32, #tpu.memory_space<vmem>>, vector<4x4096xf32>
    %dot_general3A = arith.constant dense<0.000000e+00> : vector<16x4096xf32>
    %dot_general3A_5 = tpu.matmul %get3A_1, %get3A_4, %dot_general3A {dimension_numbers = #tpu.dot_dimension_numbers<[1], [0], [0], [1], [0, 0, 1, 1], [], []>, transpose_lhs_hint = false} : vector<16x4xf32>, vector<4x4096xf32>, vector<16x4096xf32> -> vector<16x4096xf32>
    %get3A_6 = arith.constant 0 : index
    %get3A_7 = arith.constant 0 : index
    %get3A_8 = vector.load %arg4[%get3A_6, %get3A_7] : memref<16x1xf32, #tpu.memory_space<vmem>>, vector<16x1xf32>
    %add3A = vector.broadcast %get3A_8 : vector<16x1xf32> to vector<16x4096xf32>
    %add3A_9 = arith.addf %dot_general3A_5, %add3A : vector<16x4096xf32>
    %logistic3A = arith.negf %add3A_9 : vector<16x4096xf32>
    %logistic3A_10 = math.exp %logistic3A : vector<16x4096xf32>
    %logistic3A_11 = arith.constant 1.000000e+00 : f32
    %logistic3A_12 = vector.broadcast %logistic3A_11 : f32 to vector<16x4096xf32>
    %logistic3A_13 = arith.addf %logistic3A_12, %logistic3A_10 : vector<16x4096xf32>
    %logistic3A_14 = arith.divf %logistic3A_12, %logistic3A_13 : vector<16x4096xf32>
    %get3A_15 = arith.constant 0 : index
    %get3A_16 = arith.constant 0 : index
    %get3A_17 = vector.load %arg2[%get3A_15, %get3A_16] : memref<16x4096xf32, #tpu.memory_space<vmem>>, vector<16x4096xf32>
    %broadcast_in_dim3A = vector.shape_cast %logistic3A_14 : vector<16x4096xf32> to vector<16x1x4096xf32>
    %broadcast_in_dim3A_18 = vector.shape_cast %broadcast_in_dim3A : vector<16x1x4096xf32> to vector<16x1x4096xf32>
    %broadcast_in_dim3A_19 = vector.broadcast %broadcast_in_dim3A_18 : vector<16x1x4096xf32> to vector<16x16x4096xf32>
    %reshape3A = vector.shape_cast %broadcast_in_dim3A_19 : vector<16x16x4096xf32> to vector<256x4096xf32>
    %broadcast_in_dim3A_20 = vector.shape_cast %get3A_17 : vector<16x4096xf32> to vector<1x16x4096xf32>
    %broadcast_in_dim3A_21 = vector.shape_cast %broadcast_in_dim3A_20 : vector<1x16x4096xf32> to vector<1x16x4096xf32>
    %broadcast_in_dim3A_22 = vector.broadcast %broadcast_in_dim3A_21 : vector<1x16x4096xf32> to vector<16x16x4096xf32>
    %reshape3A_23 = vector.shape_cast %broadcast_in_dim3A_22 : vector<16x16x4096xf32> to vector<256x4096xf32>
    %mul3A = arith.mulf %reshape3A, %reshape3A_23 : vector<256x4096xf32>
    %get3A_24 = arith.constant 0 : index
    %get3A_25 = arith.constant 0 : index
    %get3A_26 = vector.load %arg5[%get3A_24, %get3A_25] : memref<24x256xf32, #tpu.memory_space<vmem>>, vector<24x256xf32>
    %dot_general3A_27 = arith.constant dense<0.000000e+00> : vector<24x4096xf32>
    %dot_general3A_28 = tpu.matmul %get3A_26, %mul3A, %dot_general3A_27 {dimension_numbers = #tpu.dot_dimension_numbers<[1], [0], [0], [1], [0, 0, 1, 1], [], []>, transpose_lhs_hint = false} : vector<24x256xf32>, vector<256x4096xf32>, vector<24x4096xf32> -> vector<24x4096xf32>
    %get3A_29 = arith.constant 0 : index
    %get3A_30 = arith.constant 0 : index
    %get3A_31 = vector.load %arg6[%get3A_29, %get3A_30] : memref<24x16xf32, #tpu.memory_space<vmem>>, vector<24x16xf32>
    %dot_general3A_32 = arith.constant dense<0.000000e+00> : vector<24x4096xf32>
    %dot_general3A_33 = tpu.matmul %get3A_31, %get3A_17, %dot_general3A_32 {dimension_numbers = #tpu.dot_dimension_numbers<[1], [0], [0], [1], [0, 0, 1, 1], [], []>, transpose_lhs_hint = false} : vector<24x16xf32>, vector<16x4096xf32>, vector<24x4096xf32> -> vector<24x4096xf32>
    %add3A_34 = arith.addf %dot_general3A_28, %dot_general3A_33 : vector<24x4096xf32>
    %broadcast_in_dim3A_35 = arith.constant 1.000000e+00 : f32
    %broadcast_in_dim3A_36 = vector.broadcast %broadcast_in_dim3A_35 : f32 to vector<1x4096xf32>
    %broadcast_in_dim3A_37 = arith.constant 0.000000e+00 : f32
    %broadcast_in_dim3A_38 = vector.broadcast %broadcast_in_dim3A_37 : f32 to vector<7x4096xf32>
    %concatenate3A = tpu.concatenate %broadcast_in_dim3A_36, %broadcast_in_dim3A_38 in 0 : vector<1x4096xf32>, vector<7x4096xf32> -> vector<8x4096xf32>
    %concatenate3A_39 = tpu.concatenate %add3A_34, %concatenate3A in 0 : vector<24x4096xf32>, vector<8x4096xf32> -> vector<32x4096xf32>
    %iota3A = tpu.iota {dimensions = array<i32: 1>} : vector<1x4096xi32>
    %mul3A_40 = arith.constant 4096 : i32
    %mul3A_41 = arith.muli %arg0, %mul3A_40 : i32
    %add3A_42 = vector.broadcast %mul3A_41 : i32 to vector<1x4096xi32>
    %add3A_43 = arith.addi %iota3A, %add3A_42 : vector<1x4096xi32>
    %add3A_44 = arith.constant 81920 : i32
    %add3A_45 = vector.broadcast %add3A_44 : i32 to vector<1x4096xi32>
    %add3A_46 = arith.addi %add3A_43, %add3A_45 : vector<1x4096xi32>
    %lt3A = arith.constant 160000 : i32
    %lt3A_47 = vector.broadcast %lt3A : i32 to vector<1x4096xi32>
    %lt3A_48 = arith.cmpi slt, %add3A_46, %lt3A_47 : vector<1x4096xi32>
    %convert_element_type3A = arith.extui %lt3A_48 : vector<1x4096xi1> to vector<1x4096xi32>
    %convert_element_type3A_49 = arith.sitofp %convert_element_type3A : vector<1x4096xi32> to vector<1x4096xf32>
    %mul3A_50 = vector.broadcast %convert_element_type3A_49 : vector<1x4096xf32> to vector<32x4096xf32>
    %mul3A_51 = arith.mulf %concatenate3A_39, %mul3A_50 : vector<32x4096xf32>
    %swap3A = arith.constant 0 : index
    %swap3A_52 = arith.constant 0 : index
    %swap3A_53 = vector.load %arg7[%swap3A, %swap3A_52] : memref<32x4096xf32, #tpu.memory_space<vmem>>, vector<32x4096xf32>
    tpu.vector_store %arg7[%swap3A, %swap3A_52], %mul3A_51 {strides = array<i32>} : memref<32x4096xf32, #tpu.memory_space<vmem>>, vector<32x4096xf32>,
    return
  }
  func.func @transform_0(%arg0: i32) -> (i32, i32) {
    %c0_i32 = arith.constant 0 : i32
    %c0_i32_0 = arith.constant 0 : i32
    return %c0_i32, %arg0 : i32, i32
  }
  func.func @transform_1(%arg0: i32) -> (i32, i32) {
    %c0_i32 = arith.constant 0 : i32
    %c0_i32_0 = arith.constant 0 : i32
    return %c0_i32, %arg0 : i32, i32
  }
  func.func @transform_2(%arg0: i32) -> (i32, i32) {
    %c0_i32 = arith.constant 0 : i32
    %c0_i32_0 = arith.constant 0 : i32
    %c0_i32_1 = arith.constant 0 : i32
    return %c0_i32, %c0_i32_0 : i32, i32
  }
  func.func @transform_3(%arg0: i32) -> (i32, i32) {
    %c0_i32 = arith.constant 0 : i32
    %c0_i32_0 = arith.constant 0 : i32
    %c0_i32_1 = arith.constant 0 : i32
    return %c0_i32, %c0_i32_0 : i32, i32
  }
  func.func @transform_4(%arg0: i32) -> (i32, i32) {
    %c0_i32 = arith.constant 0 : i32
    %c0_i32_0 = arith.constant 0 : i32
    %c0_i32_1 = arith.constant 0 : i32
    return %c0_i32, %c0_i32_0 : i32, i32
  }
  func.func @transform_5(%arg0: i32) -> (i32, i32) {
    %c0_i32 = arith.constant 0 : i32
    %c0_i32_0 = arith.constant 0 : i32
    %c0_i32_1 = arith.constant 0 : i32
    return %c0_i32, %c0_i32_0 : i32, i32
  }
  func.func @transform_6(%arg0: i32) -> (i32, i32) {
    %c0_i32 = arith.constant 0 : i32
    %c0_i32_0 = arith.constant 0 : i32
    return %c0_i32, %arg0 : i32, i32
  }
}

module attributes {stable_mosaic.version = 14 : i64} {
  func.func @_final_body(%arg0: i32, %arg1: memref<2x2000x32xf32, #tpu.memory_space<vmem>>, %arg2: memref<2x2000x32xf32, #tpu.memory_space<vmem>>, %arg3: memref<2000x24xf32, #tpu.memory_space<vmem>>, %arg4: memref<24x2xf32, #tpu.memory_space<vmem>>, %arg5: memref<1x2xf32, #tpu.memory_space<vmem>>, %arg6: memref<2000x2xf32, #tpu.memory_space<vmem>>) attributes {dimension_semantics = [#tpu.dimension_semantics<arbitrary>], iteration_bounds = array<i64: 5>, scalar_prefetch = 0 : i64, scratch_operands = 0 : i64, tpu.core_type = #tpu.core_type<tc>, window_params = [{transform_indices = @transform_0, window_bounds = array<i64: 2, 2000, 32>}, {transform_indices = @transform_1, window_bounds = array<i64: 2, 2000, 32>}, {transform_indices = @transform_2, window_bounds = array<i64: 2000, 24>}, {pipeline_mode = #tpu.pipeline_mode<synchronous>, transform_indices = @transform_3, window_bounds = array<i64: 24, 2>}, {pipeline_mode = #tpu.pipeline_mode<synchronous>, transform_indices = @transform_4, window_bounds = array<i64: 1, 2>}, {transform_indices = @transform_5, window_bounds = array<i64: 2000, 2>}]} {
    %get3A = arith.constant 0 : index
    %get3A_0 = arith.constant 0 : index
    %get3A_1 = arith.constant 0 : index
    %get3A_2 = vector.load %arg1[%get3A, %get3A_0, %get3A_1] : memref<2x2000x32xf32, #tpu.memory_space<vmem>>, vector<1x2000x32xf32>
    %get3A_3 = vector.shape_cast %get3A_2 : vector<1x2000x32xf32> to vector<2000x32xf32>
    %get3A_4 = arith.constant 1 : index
    %get3A_5 = arith.constant 0 : index
    %get3A_6 = arith.constant 0 : index
    %get3A_7 = vector.load %arg1[%get3A_4, %get3A_5, %get3A_6] : memref<2x2000x32xf32, #tpu.memory_space<vmem>>, vector<1x2000x32xf32>
    %get3A_8 = vector.shape_cast %get3A_7 : vector<1x2000x32xf32> to vector<2000x32xf32>
    %add3A = arith.addf %get3A_3, %get3A_8 : vector<2000x32xf32>
    %get3A_9 = arith.constant 0 : index
    %get3A_10 = arith.constant 0 : index
    %get3A_11 = arith.constant 0 : index
    %get3A_12 = vector.load %arg2[%get3A_9, %get3A_10, %get3A_11] : memref<2x2000x32xf32, #tpu.memory_space<vmem>>, vector<1x2000x32xf32>
    %get3A_13 = vector.shape_cast %get3A_12 : vector<1x2000x32xf32> to vector<2000x32xf32>
    %add3A_14 = arith.addf %add3A, %get3A_13 : vector<2000x32xf32>
    %get3A_15 = arith.constant 1 : index
    %get3A_16 = arith.constant 0 : index
    %get3A_17 = arith.constant 0 : index
    %get3A_18 = vector.load %arg2[%get3A_15, %get3A_16, %get3A_17] : memref<2x2000x32xf32, #tpu.memory_space<vmem>>, vector<1x2000x32xf32>
    %get3A_19 = vector.shape_cast %get3A_18 : vector<1x2000x32xf32> to vector<2000x32xf32>
    %add3A_20 = arith.addf %add3A_14, %get3A_19 : vector<2000x32xf32>
    %slice3A = vector.extract_strided_slice %add3A_20 {offsets = [0, 24], sizes = [2000, 1], strides = [1, 1]} : vector<2000x32xf32> to vector<2000x1xf32>
    %max3A = arith.constant 1.000000e+00 : f32
    %max3A_21 = vector.broadcast %max3A : f32 to vector<2000x1xf32>
    %max3A_22 = arith.maximumf %slice3A, %max3A_21 : vector<2000x1xf32>
    %slice3A_23 = vector.extract_strided_slice %add3A_20 {offsets = [0, 0], sizes = [2000, 16], strides = [1, 1]} : vector<2000x32xf32> to vector<2000x16xf32>
    %div3A = vector.broadcast %max3A_22 : vector<2000x1xf32> to vector<2000x16xf32>
    %div3A_24 = arith.divf %slice3A_23, %div3A : vector<2000x16xf32>
    %get3A_25 = arith.constant 0 : index
    %get3A_26 = arith.constant 0 : index
    %get3A_27 = vector.load %arg3[%get3A_25, %get3A_26] : memref<2000x24xf32, #tpu.memory_space<vmem>>, vector<2000x16xf32>
    %add3A_28 = arith.addf %div3A_24, %get3A_27 : vector<2000x16xf32>
    %slice3A_29 = vector.extract_strided_slice %add3A_20 {offsets = [0, 16], sizes = [2000, 8], strides = [1, 1]} : vector<2000x32xf32> to vector<2000x8xf32>
    %get3A_30 = arith.constant 0 : index
    %get3A_31 = arith.constant 16 : index
    %get3A_32 = vector.load %arg3[%get3A_30, %get3A_31] : memref<2000x24xf32, #tpu.memory_space<vmem>>, vector<2000x8xf32>
    %add3A_33 = arith.addf %slice3A_29, %get3A_32 : vector<2000x8xf32>
    %concatenate3A = tpu.concatenate %add3A_28, %add3A_33 in 1 : vector<2000x16xf32>, vector<2000x8xf32> -> vector<2000x24xf32>
    %max3A_34 = arith.constant 0.000000e+00 : f32
    %max3A_35 = vector.broadcast %max3A_34 : f32 to vector<2000x24xf32>
    %max3A_36 = arith.maximumf %concatenate3A, %max3A_35 : vector<2000x24xf32>
    %get3A_37 = arith.constant 0 : index
    %get3A_38 = arith.constant 0 : index
    %get3A_39 = vector.load %arg4[%get3A_37, %get3A_38] : memref<24x2xf32, #tpu.memory_space<vmem>>, vector<24x2xf32>
    %dot_general3A = arith.constant dense<0.000000e+00> : vector<2000x2xf32>
    %dot_general3A_40 = tpu.matmul %max3A_36, %get3A_39, %dot_general3A {dimension_numbers = #tpu.dot_dimension_numbers<[1], [0], [0], [1], [0, 0, 1, 1], [], []>, transpose_lhs_hint = false} : vector<2000x24xf32>, vector<24x2xf32>, vector<2000x2xf32> -> vector<2000x2xf32>
    %get3A_41 = arith.constant 0 : index
    %get3A_42 = arith.constant 0 : index
    %get3A_43 = vector.load %arg5[%get3A_41, %get3A_42] : memref<1x2xf32, #tpu.memory_space<vmem>>, vector<1x2xf32>
    %add3A_44 = vector.broadcast %get3A_43 : vector<1x2xf32> to vector<2000x2xf32>
    %add3A_45 = arith.addf %dot_general3A_40, %add3A_44 : vector<2000x2xf32>
    %swap3A = arith.constant 0 : index
    %swap3A_46 = arith.constant 0 : index
    %swap3A_47 = vector.load %arg6[%swap3A, %swap3A_46] : memref<2000x2xf32, #tpu.memory_space<vmem>>, vector<2000x2xf32>
    tpu.vector_store %arg6[%swap3A, %swap3A_46], %add3A_45 {strides = array<i32>} : memref<2000x2xf32, #tpu.memory_space<vmem>>, vector<2000x2xf32>,
    return
  }
  func.func @transform_0(%arg0: i32) -> (i32, i32, i32) {
    %c0_i32 = arith.constant 0 : i32
    %c0_i32_0 = arith.constant 0 : i32
    %c0_i32_1 = arith.constant 0 : i32
    return %c0_i32, %arg0, %c0_i32_0 : i32, i32, i32
  }
  func.func @transform_1(%arg0: i32) -> (i32, i32, i32) {
    %c0_i32 = arith.constant 0 : i32
    %c0_i32_0 = arith.constant 0 : i32
    %c0_i32_1 = arith.constant 0 : i32
    return %c0_i32, %arg0, %c0_i32_0 : i32, i32, i32
  }
  func.func @transform_2(%arg0: i32) -> (i32, i32) {
    %c0_i32 = arith.constant 0 : i32
    %c0_i32_0 = arith.constant 0 : i32
    return %arg0, %c0_i32 : i32, i32
  }
  func.func @transform_3(%arg0: i32) -> (i32, i32) {
    %c0_i32 = arith.constant 0 : i32
    %c0_i32_0 = arith.constant 0 : i32
    %c0_i32_1 = arith.constant 0 : i32
    return %c0_i32, %c0_i32_0 : i32, i32
  }
  func.func @transform_4(%arg0: i32) -> (i32, i32) {
    %c0_i32 = arith.constant 0 : i32
    %c0_i32_0 = arith.constant 0 : i32
    %c0_i32_1 = arith.constant 0 : i32
    return %c0_i32, %c0_i32_0 : i32, i32
  }
  func.func @transform_5(%arg0: i32) -> (i32, i32) {
    %c0_i32 = arith.constant 0 : i32
    %c0_i32_0 = arith.constant 0 : i32
    return %arg0, %c0_i32 : i32, i32
  }
}

</mosaic_0001>

<sc_bundles>
// kernel: kernel.10.cloned.1.call-start
scs
__scs_entry_jumppad:
0x0: {  	(pc) =	sbr.rel $0x88, $3  }
0x1: {  	(tag) =	ssettag $0x0;
	lr =	simm.s32 $0x1  }
0x2: {  	[smem:$0x3F8D] =	sst lr;
	_ =	strace $0xD0000000  }
0x3: {  	_ = 	snop  }
0x4: {  	_ = 	snop  }
0x5: {  	_ = 	snop  }
0x6: {  	_ = 	snop  }
0x7: {  	_ = 	snop  }
__scs_overlays_trampoline_lowered:
0x8: {  	[smem:$0x3F9C] =	sst s0  }
0x9: {  	[smem:$0x3F9D] =	sst s1  }
0xa: {  	[smem:$0x3F9E] =	sst s2  }
0xb: {  	[smem:$0x3F9F] =	sst s3  }
0xc: {  	[smem:$0x3FA0] =	sst s4  }
0xd: {  	[smem:$0x3FA1] =	sst s5  }
0xe: {  	[smem:$0x3FA2] =	sst s6  }
0xf: {  	[smem:$0x3FA3] =	sst s7  }
0x10: {  	[smem:$0x3FA4] =	sst s8  }
0x11: {  	[smem:$0x3FA5] =	sst s9;
	s0 =	simm.s32 @!p0 $0x0  }
0x12: {  	s1 =	sld [smem:$0x3F8B];
	s0 =	simm.s32 @p0 $0x1  }
0x13: {  	[smem:$0x3FA6] =	sst s0;
	s0 =	simm.s32 @!p1 $0x0  }
0x14: {  	s2 =	sld [smem:$0x3F8A];
	s0 =	simm.s32 @p1 $0x1  }
0x15: {  	[smem:$0x3FA7] =	sst s0;
	s0 =	simm.s32 @!p2 $0x0  }
0x16: {  	s3 =	sld [smem:$0x3FDB];
	s0 =	simm.s32 @p2 $0x1  }
0x17: {  	s4 =	simm.s32 $0x1BF5;
	[smem:$0x3FA9] =	sst s0  }
0x18: {  	s0 =	sld [smem:$0x3F8C];
	_ =	swait.ge [sflag:s4], $0x0  }
0x19: {  	s7 =	sld [smem:$0x3F8D]  }
0x1a: {  	s8 =	sadd.s32 $0xFFFFE003, lr  }
0x1b: {  	s9 =	sadd.s32 $0xFFFFFEF7, lr;
	s5 =	simm.s32 $0xFFFFFFFF;
	p2 =	slt.u32 s8, $0xFFFFF086  }
0x1c: {  	p1 =	slt.u32 s9, $0xF7A;
	s5 =	simm.s32 @!p2 $0x0  }
0x1d: {  	s5 =	simm.s32 @p1 $0x1;
	p0 =	seq.s32 s7, s2  }
0x1e: {  	s7 =	smul.u32 @!p0 $0xF7A, s2;
	p2 =	seq.s32 @!p0 s5, $0x0  }
0x1f: {  	s9 =	smul.u32 $0xF7A, s1;
	s8 =	simm.s32 @!p0 $0x1BF5;
	p2 =	por !p2, p0  }
0x20: {  	[sflag:s8] =	ssyncset.s32 @!p0 $0xFFFFF086;
	s6 =	sadd.s32 @!p0 s3, s7;
	s7 =	simm.s32 @!p0 $0x108  }
0x21: {  	s3 =	sadd.s32 s3, s9;
	s6 =	sadd.s32 @!p0 $0x88, s6;
	s7 =	simm.s32 @p2 $0x1082  }
0x22: {  	[simem:s7], [sflag:s8] =	dma.local @!p0 [hbm:s6], $0xF7A  }
0x23: {  	s9 =	sor.u32 $0xD0000000, s2;
	s6 =	simm.s32 $0x108;
	_ =	swait.ge @!p0 [sflag:s8], $0x0  }
0x24: {  	s3 =	sadd.s32 $0x88, s3;
	s6 =	simm.s32 @!p1 $0x1082;
	[sflag:s4] =	ssyncset.s32 $0xFFFFF086  }
0x25: {  	[simem:s6], [sflag:s4] =	dma.local [hbm:s3], $0xF7A  }
0x26: {  	[smem:$0x3F8D] =	sst s1;
	(tag) =	ssettag s2;
	_ =	strace s9  }
0x27: {  	s1 =	sld [smem:$0x3F9D]  }
0x28: {  	s2 =	sld [smem:$0x3F9E]  }
0x29: {  	s4 =	sld [smem:$0x3FA0]  }
0x2a: {  	p0 =	seq.s32 s5, $0x0;
	s5 =	sld [smem:$0x3FA1]  }
0x2b: {  	s6 =	sld [smem:$0x3FA2]  }
0x2c: {  	s7 =	sld [smem:$0x3FA3]  }
0x2d: {  	s3 =	simm.s32 $0x108;
	s8 =	sld [smem:$0x3FA4]  }
0x2e: {  	s3 =	simm.s32 @!p0 $0x1082;
	s9 =	sld [smem:$0x3FA5]  }
0x2f: {  	lr =	sadd.s32 s0, s3;
	s0 =	sld [smem:$0x3F9C]  }
0x30: {  	s3 =	sld [smem:$0x3F9F]  }
0x31: {  	[smem:$0x3FA8] =	sst s10  }
0x32: {  	s10 =	sld [smem:$0x3FA6];
	_ =	sdelay $0x3  }
0x33: {  	p0 =	seq.s32 s10, $0x1;
	s10 =	sld [smem:$0x3FA8];
	_ =	sdelay $0x3  }
0x34: {  	[smem:$0x3FA8] =	sst s10  }
0x35: {  	s10 =	sld [smem:$0x3FA7];
	_ =	sdelay $0x3  }
0x36: {  	p1 =	seq.s32 s10, $0x1;
	s10 =	sld [smem:$0x3FA8];
	_ =	sdelay $0x3  }
0x37: {  	[smem:$0x3FA8] =	sst s10  }
0x38: {  	s10 =	sld [smem:$0x3FA9]  }
0x39: {  	_ = 	snop;
	(pc) =	sbr.ind lr, $3  }
0x3a: {  	_ = 	snop  }
0x3b: {  	_ = 	snop  }
0x3c: {  	p2 =	seq.s32 s10, $0x1;
	s10 =	sld [smem:$0x3FA8]  }
0x3d: {  	_ =	shalt  }
0x3e: {  	_ =	shalt  }
0x3f: {  	_ =	shalt  }
0x40: {  	_ =	shalt  }
0x41: {  	_ =	shalt  }
0x42: {  	_ =	shalt  }
0x43: {  	_ =	shalt  }
0x44: {  	_ =	shalt  }
0x45: {  	_ =	shalt  }
0x46: {  	_ =	shalt  }
0x47: {  	_ =	shalt  }
0x48: {  	_ =	shalt  }
0x49: {  	_ =	shalt  }
0x4a: {  	_ =	shalt  }
0x4b: {  	_ =	shalt  }
0x4c: {  	_ =	shalt  }
0x4d: {  	_ =	shalt  }
0x4e: {  	_ =	shalt  }
0x4f: {  	_ =	shalt  }
0x50: {  	_ =	shalt  }
0x51: {  	_ =	shalt  }
0x52: {  	_ =	shalt  }
0x53: {  	_ =	shalt  }
0x54: {  	_ =	shalt  }
0x55: {  	_ =	shalt  }
0x56: {  	_ =	shalt  }
0x57: {  	_ =	shalt  }
0x58: {  	_ =	shalt  }
0x59: {  	_ =	shalt  }
0x5a: {  	_ =	shalt  }
0x5b: {  	_ =	shalt  }
0x5c: {  	_ =	shalt  }
0x5d: {  	_ =	shalt  }
0x5e: {  	_ =	shalt  }
0x5f: {  	_ =	shalt  }
0x60: {  	_ =	shalt  }
0x61: {  	_ =	shalt  }
0x62: {  	_ =	shalt  }
0x63: {  	_ =	shalt  }
0x64: {  	_ =	shalt  }
0x65: {  	_ =	shalt  }
0x66: {  	_ =	shalt  }
0x67: {  	_ =	shalt  }
0x68: {  	_ =	shalt  }
0x69: {  	_ =	shalt  }
0x6a: {  	_ =	shalt  }
0x6b: {  	_ =	shalt  }
0x6c: {  	_ =	shalt  }
0x6d: {  	_ =	shalt  }
0x6e: {  	_ =	shalt  }
0x6f: {  	_ =	shalt  }
0x70: {  	_ =	shalt  }
0x71: {  	_ =	shalt  }
0x72: {  	_ =	shalt  }
0x73: {  	_ =	shalt  }
0x74: {  	_ =	shalt  }
0x75: {  	_ =	shalt  }
0x76: {  	_ =	shalt  }
0x77: {  	_ =	shalt  }
0x78: {  	_ =	shalt  }
0x79: {  	_ =	shalt  }
0x7a: {  	_ =	shalt  }
0x7b: {  	_ =	shalt  }
0x7c: {  	_ =	shalt  }
0x7d: {  	_ =	shalt  }
0x7e: {  	_ =	shalt  }
0x7f: {  	_ =	shalt  }
0x80: {  	_ =	shalt  }
0x81: {  	_ =	shalt  }
0x82: {  	_ =	shalt  }
0x83: {  	_ =	shalt  }
0x84: {  	_ =	shalt  }
0x85: {  	_ =	shalt  }
0x86: {  	_ =	shalt  }
0x87: {  	_ =	shalt  }
.Lfunc_end0:
.L_simem_size_0:
called_computation_lowered:
.L_overlay_start_0:
0x88: {  	s2 =	sld [smem:$0x3FD9]  }
0x89: {  	s3 =	sld [smem:$0x3FFE];
	_ =	sdelay $0x1  }
0x8a: {  	s1 =	srdreg.scid  }
0x8b: {  	s0 =	sand.u32 $0x1, s1  }
0x8c: {  	s16 =	sshll.u32 s0, $0xA;
	s2 =	sadd.s32 s3, s2  }
0x8d: {  	s2 =	sadd.s32 s2, s16  }
0x8e: {  	[smem:$0x3FB4] =	sst s2  }
0x8f: {  	_ = 	snop  }
0x90: {  	(tm) =	ssettm $0x1  }
0x91: {  	s17 =	sld [smem:$0x3FFB];
	_ =	sdelay $0x3  }
0x92: {  	_ =	strace s17  }
0x93: {  	s2 =	sld [smem:$0x3FFC];
	_ =	sdelay $0x3  }
0x94: {  	_ =	strace s2  }
0x95: {  	s2 =	sld [smem:$0x3FFD];
	_ =	sdelay $0x3  }
0x96: {  	_ =	strace s2  }
0x97: {  	_ =	strace $0x8FFFFFFF  }
0x98: {  	s18 =	sld [smem:$0x3FDB];
	_ =	sdelay $0x1  }
0x99: {  	s19 =	simm.s32 $_scs_section_size  }
0x9a: {  	s4 =	simm.s32 $_size__tile_overlayer_lowered;
	s5 =	simm.s32 $_tile_overlayer_lowered  }
0x9b: {  	s22 =	simm.s32 $0x1BFF;
	s21 =	sshll.u32 s5, $0x1;
	s2 =	sadd.s32 s19, s18  }
0x9c: {  	s6 =	simm.s32 $0x0;
	s20 =	sshll.u32 s4, $0x1;
	s4 =	sadd.s32 s21, s2  }
0x9d: {  	[timem:s6], [sflag:s22] =	dma.local [hbm:s4], s20  }
0x9e: {  	_ =	swait.ge [sflag:s22], s20  }
0x9f: {  	s3 =	ssub.s32 $0x0, s20;
	[sflag:s22] =	ssyncset.done $0x0  }
0xa0: {  	[sflag:s22] =	ssyncadd.s32 s3;
	_ =	sdelay $0x1  }
0xa1: {  	s23 =	simm.s32 $0x1B8B  }
0xa2: {  	_ =	swait.ge [sflag:s23], $0x1  }
0xa3: {  	[sflag:s23] =	ssyncset.done $0x0  }
0xa4: {  	s25 =	simm.s32 $0x1B8E;
	s24 =	sld [smem:$0x3FFE];
	[sflag:s23] =	ssyncadd.s32 $0xFFFFFFFF  }
0xa5: {  	s26 =	simm.s32 $execute0_lowered;
	[smem:$0x3FD2] =	sst s25  }
0xa6: {  	s4 =	sshll.u32 s26, $0x1;
	_ =	strace $0x80000046;
	[dreg:$0x1] =	wrdreg $0xFFFFFFFF  }
0xa7: {  	s28 =	simm.s32 $_size_execute0_lowered;
	s2 =	sadd.s32 s2, s4;
	[dreg:$0x0] =	wrdreg $0x0  }
0xa8: {  	s4 =	sshll.u32 s28, $0x1;
	[dreg:$0x2] =	wrdreg s2  }
0xa9: {  	[dreg:$0x3] =	wrdreg s4  }
0xaa: {  	[dreg:$0x4] =	wrdreg $0xC0  }
0xab: {  	_ =	task [dreg:s6], $0x5FFFF  }
0xac: {  	[dreg:$0x1] =	wrdreg $0xFFFFFFFF  }
0xad: {  	[dreg:$0x0] =	wrdreg $0x60  }
0xae: {  	[dreg:$0x2] =	wrdreg s24  }
0xaf: {  	[dreg:$0x3] =	wrdreg $0xA  }
0xb0: {  	_ =	task.clear_ibuf [dreg:s6], $0x4FFFF;
	_ =	strace $0x90000046  }
0xb1: {  	s29 =	simm.s32 $0xA;
	_ =	strace $0x80000048  }
0xb2: {  	_ =	swait.ge [sflag:s29], $0x1  }
0xb3: {  	[sflag:s29] =	ssyncadd.s32 $0xFFFFFFFF  }
0xb4: {  	_ =	strace $0x90000048  }
0xb5: {  	_ =	sfence  }
0xb6: {  	s30 =	sld [smem:$0x0];
	_ =	sdelay $0x2  }
0xb7: {  	s31 =	sshll.u32 s1, $0xD;
	s1 =	sshrl.u32 s1, $0x2  }
0xb8: {  	s3 =	sand.u32 $0x4000, s31;
	s1 =	sadd.s32 s1, s30  }
0xb9: {  	s0 =	sor.u32 s3, s0;
	s1 =	sshll.u32 s1, $0x11  }
0xba: {  	s0 =	sor.u32 s1, s0  }
0xbb: {  	s0 =	sadd.s32 $0x8F2B, s0  }
0xbc: {  	[sflag:s0] =	ssyncadd.remote.s32 $0x1  }
0xbd: {  	_ =	sfence.sel $0xFFFF  }
0xbe: {  	[dreg:$0x0] =	wrdreg $0xFFFFFFFF;
	(pc) =	sbr.abs _section_cstart, $3  }
0xbf: {  	[dreg:$0x1] =	wrdreg $0xFFFFFFFF  }
0xc0: {  	_ =	task.clear_ibuf [dreg:s6], $0x2FFFF;
	_ =	strace $0x9FFFFFFF  }
0xc1: {  	(tm) =	ssettm $0x7FFFFFFF  }
tec
execute0_lowered:
.L_overlay_start_1:
0x0: {  	(tag) =	ssettag $0x1  }
0x1: {  	s0 =	srdreg.scid  }
0x2: {  	s31 =	stileid.u32;
	s4 =	rddreg [dreg:$0x0];
	s2 =	simm.s32 $0x0  }
0x3: {  	s8 =	simm.s32 $0x80;
	s9 =	simm.s32 $0xA00;
	s10 =	simm.s32 $0x1200  }
0x4: {  	s11 =	simm.s32 $0x1A00;
	s12 =	simm.s32 $0x2200;
	s13 =	simm.s32 $0x2A00  }
0x5: {  	s14 =	simm.s32 $0x3200;
	s15 =	simm.s32 $0x3A00;
	s16 =	simm.s32 $0x4200  }
0x6: {  	s17 =	simm.s32 $0x4A00;
	s18 =	simm.s32 $0x5200;
	s3 =	sand.u32 $0x1, s0  }
0x7: {  	v0 =	vlaneseq.u32;
	s19 =	simm.s32 $0x1;
	s20 =	simm.s32 $0x5A00;
	s1 =	sshll.u32 s3, $0x4  }
0x8: {  	s21 =	simm.s32 $0x14000;
	s22 =	simm.s32 $0x0;
	v0 =	vmul.u32 $0xA00, v0;
	s5 =	sor.u32 s31, s1  }
0x9: {  	v1 =	vimm.s32 $0x0;
	vm0 =	vcmask $0x300;
	[smem:$0x7FF] =	sst s2;
	s6 =	ssub.s32 $0x2, s3;
	s5 =	smul.u32 $0x140, s5  }
0xa: {  	v1 =	vsel vm0, $0x3, v1;
	_ =	strace $0x80000047;
	s3 =	sadd.s32 $0x7E00, s4;
	s7 =	sshrl.u32 s6, $0x1;
	v2 =	vor.u32 $0x1, v0  }
0xb: {  	v3 =	vor.u32 $0x2, v0;
	v4 =	vor.u32 $0x3, v0;
	v5 =	vor.u32 $0x4, v0;
	s6 =	ssub.s32 s6, s7;
	s7 =	simm.s32 $0x2;
	s5 =	sadd.s32 s5, s4  }
0xc: {  	v6 =	vor.u32 $0x5, v0;
	v7 =	vor.u32 $0x6, v0;
	v8 =	vor.u32 $0x7, v0;
	s6 =	smax.u32 s6, $0x1;
	s4 =	sadd.s32 $0x2E00, s5;
	s5 =	sadd.s32 $0xCE00, s5  }
.LBB2_1:
0xd: {  	[tilespmem:s2], [sflag:$0x2] =	stream.linear.gather [hbm4b:s4+s2], $0xA00, $0x38;
	[tilespmem:$0xFA00] =	vst v63  }
0xe: {  	_ =	swait.ge [sflag:s7], $0xA00  }
0xf: {  	[sflag:s7] =	ssyncset.done $0x0  }
0x10: {  	p1 =	por $0x1, $0x1;
	s23 =	simm.s32 $0x0;
	[sflag:s7] =	ssyncadd.s32 $0xFFFFF600  }
.LBB2_2:
0x11: {  	s24 =	smul.u32 $0x1400, s23;
	_ =	sdelay $0x1  }
0x12: {  	s24 =	sshra.s32 s24, $0x2  }
0x13: {  	[tilespmem:s9], [sflag:$0x1] =	stream.indirect.gather [hbm4b:s3+s8], $0x10, s24, s8, $0xb8;
	[tilespmem:$0xFA00] =	vst v63  }
0x14: {  	s25 =	sor.u32 $0x80, s24  }
0x15: {  	[tilespmem:s10], [sflag:$0x1] =	stream.indirect.gather [hbm4b:s3+s8], $0x10, s25, s8, $0xb8;
	[tilespmem:$0xFA00] =	vst v63  }
0x16: {  	s29 =	sadd.s32 $0x100, s24  }
0x17: {  	[tilespmem:s11], [sflag:$0x1] =	stream.indirect.gather [hbm4b:s3+s8], $0x10, s29, s8, $0xb8;
	[tilespmem:$0xFA00] =	vst v63  }
0x18: {  	s30 =	sadd.s32 $0x180, s24  }
0x19: {  	[tilespmem:s12], [sflag:$0x1] =	stream.indirect.gather [hbm4b:s3+s8], $0x10, s30, s8, $0xb8;
	[tilespmem:$0xFA00] =	vst v63  }
0x1a: {  	s31 =	sadd.s32 $0x200, s24  }
0x1b: {  	[tilespmem:s13], [sflag:$0x1] =	stream.indirect.gather [hbm4b:s3+s8], $0x10, s31, s8, $0xb8;
	[tilespmem:$0xFA00] =	vst v63  }
0x1c: {  	s0 =	sadd.s32 $0x280, s24  }
0x1d: {  	[tilespmem:s14], [sflag:$0x1] =	stream.indirect.gather [hbm4b:s3+s8], $0x10, s0, s8, $0xb8;
	[tilespmem:$0xFA00] =	vst v63  }
0x1e: {  	s1 =	sadd.s32 $0x300, s24  }
0x1f: {  	[tilespmem:s15], [sflag:$0x1] =	stream.indirect.gather [hbm4b:s3+s8], $0x10, s1, s8, $0xb8;
	[tilespmem:$0xFA00] =	vst v63  }
0x20: {  	s26 =	sadd.s32 $0x380, s24  }
0x21: {  	[tilespmem:s16], [sflag:$0x1] =	stream.indirect.gather [hbm4b:s3+s8], $0x10, s26, s8, $0xb8;
	[tilespmem:$0xFA00] =	vst v63  }
0x22: {  	s28 =	sadd.s32 $0x400, s24  }
0x23: {  	[tilespmem:s17], [sflag:$0x1] =	stream.indirect.gather [hbm4b:s3+s8], $0x10, s28, s8, $0xb8;
	[tilespmem:$0xFA00] =	vst v63  }
0x24: {  	s24 =	sadd.s32 $0x480, s24  }
0x25: {  	[tilespmem:s18], [sflag:$0x1] =	stream.indirect.gather [hbm4b:s3+s8], $0x10, s24, s8, $0xb8;
	[tilespmem:$0xFA00] =	vst v63  }
0x26: {  	_ =	swait.ge [sflag:s19], $0x800  }
0x27: {  	[sflag:s19] =	ssyncset.done $0x0  }
0x28: {  	[sflag:s19] =	ssyncadd.s32 $0xFFFFF800  }
0x29: {  	_ =	swait.ge [sflag:s19], $0x800  }
0x2a: {  	[sflag:s19] =	ssyncset.done $0x0  }
0x2b: {  	[sflag:s19] =	ssyncadd.s32 $0xFFFFF800  }
0x2c: {  	_ =	swait.ge [sflag:s19], $0x800  }
0x2d: {  	[sflag:s19] =	ssyncset.done $0x0  }
0x2e: {  	[sflag:s19] =	ssyncadd.s32 $0xFFFFF800  }
0x2f: {  	_ =	swait.ge [sflag:s19], $0x800  }
0x30: {  	[sflag:s19] =	ssyncset.done $0x0  }
0x31: {  	[sflag:s19] =	ssyncadd.s32 $0xFFFFF800  }
0x32: {  	_ =	swait.ge [sflag:s19], $0x800  }
0x33: {  	[sflag:s19] =	ssyncset.done $0x0  }
0x34: {  	[sflag:s19] =	ssyncadd.s32 $0xFFFFF800  }
0x35: {  	_ =	swait.ge [sflag:s19], $0x800  }
0x36: {  	s23 =	smul.u32 $0x500, s23;
	[sflag:s19] =	ssyncset.done $0x0  }
0x37: {  	[sflag:s19] =	ssyncadd.s32 $0xFFFFF800  }
0x38: {  	s24 =	sadd.s32 $0xFFFFFFF0, s23;
	_ =	swait.ge [sflag:s19], $0x800  }
0x39: {  	s29 =	sadd.s32 $0x10, s24;
	[sflag:s19] =	ssyncset.done $0x0  }
0x3a: {  	s26 =	sadd.s32 $0x1F, s24;
	s28 =	sadd.s32 $0x11, s24;
	[sflag:s19] =	ssyncadd.s32 $0xFFFFF800  }
0x3b: {  	s30 =	sadd.s32 $0x12, s24;
	s31 =	sadd.s32 $0x14, s24;
	_ =	swait.ge [sflag:s19], $0x800  }
0x3c: {  	s0 =	sadd.s32 $0x15, s24;
	s1 =	sadd.s32 $0x16, s24;
	v9 =	vmov s29;
	v10 =	vmov s26;
	v11 =	vmov s28;
	[sflag:s19] =	ssyncset.done $0x0  }
0x3d: {  	s29 =	sadd.s32 $0x13, s24;
	v12 =	vmov s30;
	v14 =	vmov s31;
	s30 =	sadd.s32 $0x17, s24;
	v15 =	vmov s0;
	[sflag:s19] =	ssyncadd.s32 $0xFFFFF800  }
0x3e: {  	s26 =	sadd.s32 $0x18, s24;
	s31 =	sadd.s32 $0x19, s24;
	v16 =	vmov s1;
	v10 =	vshrl.u32 v10, $0x3;
	v13 =	vmov s29;
	_ =	swait.ge [sflag:s19], $0x800  }
0x3f: {  	s0 =	sadd.s32 $0x1A, s24;
	s1 =	sadd.s32 $0x1B, s24;
	v17 =	vmov s30;
	v18 =	vmov s26;
	v19 =	vmov s31;
	[sflag:s19] =	ssyncset.done $0x0  }
0x40: {  	v20 =	vmov s0;
	v21 =	vmov s1;
	v9 =	vshrl.u32 v9, $0x3;
	[sflag:s19] =	ssyncadd.s32 $0xFFFFF800  }
0x41: {  	s30 =	sadd.s32 $0x1C, s24;
	v25 =	vshrl.u32 v11, $0x3;
	v26 =	vshrl.u32 v12, $0x3;
	v27 =	vshrl.u32 v14, $0x3;
	_ =	swait.ge [sflag:s19], $0x800  }
0x42: {  	s31 =	sadd.s32 $0x1D, s24;
	s24 =	sadd.s32 $0x1E, s24;
	v28 =	vshrl.u32 v15, $0x3;
	v16 =	vshrl.u32 v16, $0x3;
	v10 =	vshll.u32 v10, v1;
	[sflag:s19] =	ssyncset.done $0x0  }
0x43: {  	v22 =	vmov s31;
	v24 =	vmov s24;
	s24 =	simm.s32 $0xA80;
	v13 =	vshrl.u32 v13, $0x3;
	[sflag:s19] =	ssyncadd.s32 $0xFFFFF800  }
0x44: {  	v17 =	vshrl.u32 v17, $0x3;
	v18 =	vshrl.u32 v18, $0x3;
	v10 =	vbroadcast v10, $0x0;
	v30 =	vld [tilespmem:s24+$0x70]  }
0x45: {  	v19 =	vshrl.u32 v19, $0x3;
	v20 =	vshrl.u32 v20, $0x3;
	v21 =	vshrl.u32 v21, $0x3;
	v11 =	vld [tilespmem:s24+$0xFFFFFF90]  }
0x46: {  	v31 =	vshll.u32 v9, v1;
	v23 =	vadd.s32 v8, v10;
	v10 =	vmov s30;
	v14 =	vld [tilespmem:s24+$0xFFFFFFA0]  }
0x47: {  	v25 =	vshll.u32 v25, v1;
	v26 =	vshll.u32 v26, v1;
	v29 =	vshrl.u32 v10, $0x3;
	v10 =	vld [tilespmem:s24+$0xFFFFFFB0]  }
0x48: {  	v27 =	vshll.u32 v27, v1;
	v28 =	vshll.u32 v28, v1;
	v33 =	vshll.u32 v16, v1;
	v12 =	vld [tilespmem:s24+$0xFFFFFFC0]  }
0x49: {  	v22 =	vshrl.u32 v22, $0x3;
	v24 =	vshrl.u32 v24, $0x3;
	v32 =	vshll.u32 v13, v1;
	v15 =	vld [tilespmem:s24+$0xFFFFFFD0]  }
0x4a: {  	v34 =	vshll.u32 v17, v1;
	v35 =	vshll.u32 v18, v1;
	v36 =	vshll.u32 v19, v1;
	v9 =	vld [tilespmem:s24+$0xFFFFFFE0]  }
0x4b: {  	v38 =	vshll.u32 v21, v1;
	v19 =	vbroadcast v31, $0x0;
	v21 =	vbroadcast v25, $0x0;
	v16 =	vld [tilespmem:s24+$0xFFFFFFF0]  }
0x4c: {  	v42 =	vbroadcast v28, $0x0;
	v43 =	vbroadcast v33, $0x0;
	v40 =	vshll.u32 v22, v1;
	v17 =	vld [tilespmem:s24+$0x0]  }
0x4d: {  	v41 =	vshll.u32 v24, v1;
	v22 =	vbroadcast v26, $0x0;
	v24 =	vbroadcast v32, $0x0;
	v13 =	vld [tilespmem:s24+$0x10]  }
0x4e: {  	v20 =	vshll.u32 v20, v1;
	v32 =	vbroadcast v34, $0x0;
	v37 =	vbroadcast v35, $0x0;
	v18 =	vld [tilespmem:s24+$0x20]  }
0x4f: {  	v35 =	vbroadcast v36, $0x0;
	v36 =	vbroadcast v20, $0x0;
	v25 =	vadd.s32 v0, v19;
	v19 =	vld [tilespmem:s24+$0x30]  }
0x50: {  	v39 =	vshll.u32 v29, v1;
	v29 =	vbroadcast v27, $0x0;
	v27 =	vadd.s32 v2, v21;
	v21 =	vld [tilespmem:s24+$0x40]  }
0x51: {  	v34 =	vbroadcast v38, $0x0;
	v33 =	vbroadcast v40, $0x0;
	v28 =	vadd.s32 v3, v22;
	v31 =	vld [tilespmem:s24+$0xFFFFFF80]  }
0x52: {  	v26 =	vadd.s32 v4, v24;
	v24 =	vadd.s32 v7, v43;
	v38 =	vbroadcast v39, $0x0;
	v22 =	vld [tilespmem:s24+$0x50]  }
0x53: {  	p0 =	por p1, p1;
	s25 =	simm.s32 $0x0;
	v29 =	vadd.s32 v5, v29;
	v20 =	vld [tilespmem:s24+$0x60];
	[tilespmem:v23+s20+$0x0] =	vst.idx.msk $0xffff, v30;
	v30 =	vadd.s32 v6, v42;
	v23 =	vbroadcast v41, $0x0  }
.LBB2_3:
0x54: {  	s26 =	sadd.s32 s25, s23;
	s25 =	sadd.s32 $0x10, s25;
	v32 =	vadd.s32 v8, v32;
	v37 =	vadd.s32 v0, v37;
	v35 =	vadd.s32 v2, v35  }
0x55: {  	v36 =	vadd.s32 v3, v36;
	v34 =	vadd.s32 v4, v34;
	v38 =	vadd.s32 v5, v38;
	s28 =	sadd.s32 $0x10, s26;
	s29 =	sadd.s32 $0x1F, s26;
	p1 =	slt.u32 s25, $0x4F0  }
0x56: {  	v33 =	vadd.s32 v6, v33;
	s30 =	sadd.s32 $0x12, s26;
	s31 =	sadd.s32 $0x13, s26;
	v39 =	vmov s28;
	s28 =	sadd.s32 $0x11, s26;
	v40 =	vmov s29;
	[tilespmem:v25+s20+$0x0] =	vst.idx.msk $0xffff, v31  }
0x57: {  	v31 =	vmov s30;
	s29 =	sadd.s32 $0x15, s26;
	s30 =	sadd.s32 $0x16, s26;
	v25 =	vmov s28;
	s28 =	sadd.s32 $0x14, s26;
	v40 =	vshrl.u32 v40, $0x3;
	[tilespmem:v27+s20+$0x0] =	vst.idx.msk $0xffff, v11  }
0x58: {  	s1 =	sadd.s32 $0x19, s26;
	v27 =	vmov s31;
	s31 =	sadd.s32 $0x18, s26;
	v41 =	vmov s28;
	s28 =	sadd.s32 $0x17, s26;
	v11 =	vshll.u32 v40, v1;
	[tilespmem:v28+s20+$0x0] =	vst.idx.msk $0xffff, v14  }
0x59: {  	s0 =	sadd.s32 $0x1C, s26;
	v28 =	vmov s29;
	v40 =	vmov s30;
	s29 =	sadd.s32 $0x1A, s26;
	s30 =	sadd.s32 $0x1B, s26;
	v11 =	vbroadcast v11, $0x0;
	[tilespmem:v26+s20+$0x0] =	vst.idx.msk $0xffff, v10  }
0x5a: {  	s24 =	sadd.s32 $0x100, s24;
	v43 =	vmov s1;
	s1 =	sadd.s32 $0x1D, s26;
	v42 =	vmov s31;
	s26 =	sadd.s32 $0x1E, s26;
	v26 =	vmov s28;
	[tilespmem:v29+s20+$0x0] =	vst.idx.msk $0xffff, v12  }
0x5b: {  	v44 =	vmov s30;
	v29 =	vmov s29;
	v45 =	vld [tilespmem:s24+$0x70];
	v46 =	vadd.s32 v8, v11;
	[tilespmem:v30+s20+$0x0] =	vst.idx.msk $0xffff, v15  }
0x5c: {  	v47 =	vmov s1;
	v48 =	vmov s26;
	v30 =	vmov s0;
	v11 =	vld [tilespmem:s24+$0xFFFFFF90]  }
0x5d: {  	v39 =	vshrl.u32 v39, $0x3;
	v31 =	vshrl.u32 v31, $0x3;
	v25 =	vshrl.u32 v25, $0x3;
	v14 =	vld [tilespmem:s24+$0xFFFFFFA0];
	[tilespmem:v24+s20+$0x0] =	vst.idx.msk $0xffff, v9  }
0x5e: {  	v28 =	vshrl.u32 v28, $0x3;
	v24 =	vshrl.u32 v27, $0x3;
	v27 =	vshrl.u32 v41, $0x3;
	v10 =	vld [tilespmem:s24+$0xFFFFFFB0];
	[tilespmem:v32+s20+$0x0] =	vst.idx.msk $0xffff, v16  }
0x5f: {  	v26 =	vshrl.u32 v26, $0x3;
	v32 =	vshrl.u32 v40, $0x3;
	v40 =	vshrl.u32 v42, $0x3;
	v12 =	vld [tilespmem:s24+$0xFFFFFFC0];
	[tilespmem:v37+s20+$0x0] =	vst.idx.msk $0xffff, v17  }
0x60: {  	v29 =	vshrl.u32 v29, $0x3;
	v41 =	vshrl.u32 v44, $0x3;
	v37 =	vshrl.u32 v43, $0x3;
	v15 =	vld [tilespmem:s24+$0xFFFFFFD0];
	[tilespmem:v46+s20+$0x0] =	vst.idx.msk $0xffff, v45  }
0x61: {  	v30 =	vshrl.u32 v30, $0x3;
	v42 =	vshrl.u32 v47, $0x3;
	v43 =	vshrl.u32 v48, $0x3;
	v9 =	vld [tilespmem:s24+$0xFFFFFFE0];
	[tilespmem:v35+s20+$0x0] =	vst.idx.msk $0xffff, v13  }
0x62: {  	v31 =	vshll.u32 v31, v1;
	v25 =	vshll.u32 v25, v1;
	v35 =	vshll.u32 v39, v1;
	v16 =	vld [tilespmem:s24+$0xFFFFFFF0]  }
0x63: {  	v28 =	vshll.u32 v28, v1;
	v24 =	vshll.u32 v24, v1;
	v27 =	vshll.u32 v27, v1;
	v17 =	vld [tilespmem:s24+$0x0]  }
0x64: {  	v26 =	vshll.u32 v26, v1;
	v32 =	vshll.u32 v32, v1;
	v39 =	vshll.u32 v40, v1;
	v13 =	vld [tilespmem:s24+$0x10]  }
0x65: {  	v29 =	vshll.u32 v29, v1;
	v41 =	vshll.u32 v41, v1;
	v40 =	vshll.u32 v37, v1;
	v37 =	vld [tilespmem:s24+$0x20]  }
0x66: {  	v30 =	vshll.u32 v30, v1;
	v42 =	vshll.u32 v42, v1;
	v43 =	vshll.u32 v43, v1;
	v44 =	vld [tilespmem:s24+$0x30]  }
0x67: {  	v23 =	vadd.s32 v7, v23;
	v45 =	vbroadcast v25, $0x0;
	v35 =	vbroadcast v35, $0x0;
	v46 =	vld [tilespmem:s24+$0x40];
	[tilespmem:v36+s20+$0x0] =	vst.idx.msk $0xffff, v18  }
0x68: {  	v24 =	vbroadcast v24, $0x0;
	v36 =	vbroadcast v31, $0x0;
	v47 =	vld [tilespmem:s24+$0x50];
	[tilespmem:v34+s20+$0x0] =	vst.idx.msk $0xffff, v19  }
0x69: {  	v49 =	vbroadcast v28, $0x0;
	v48 =	vbroadcast v27, $0x0;
	v25 =	vadd.s32 v0, v35;
	v50 =	vld [tilespmem:s24+$0x60];
	[tilespmem:v38+s20+$0x0] =	vst.idx.msk $0xffff, v21  }
.Ltmp0:
0x6a: {  	v27 =	vadd.s32 v2, v45;
	v45 =	vbroadcast v32, $0x0;
	v32 =	vbroadcast v26, $0x0;
	v31 =	vld [tilespmem:s24+$0xFFFFFF80];
	[tilespmem:v33+s20+$0x0] =	vst.idx.msk $0xffff, v22;
	v18 =	vmovc v37;
	(pc) =	sbr.rel @p1 .LBB2_3-.Ltmp0, $4  }
0x6b: {  	v35 =	vbroadcast v40, $0x0;
	v28 =	vadd.s32 v3, v36;
	v37 =	vbroadcast v39, $0x0;
	v19 =	vmovc v44  }
0x6c: {  	v26 =	vadd.s32 v4, v24;
	v34 =	vbroadcast v41, $0x0;
	v36 =	vbroadcast v29, $0x0;
	[tilespmem:v23+s20+$0x0] =	vst.idx.msk $0xffff, v20;
	v21 =	vmovc v46  }
0x6d: {  	v29 =	vadd.s32 v5, v48;
	v38 =	vbroadcast v30, $0x0;
	v33 =	vbroadcast v42, $0x0;
	v22 =	vmovc v47  }
0x6e: {  	v24 =	vadd.s32 v7, v45;
	v30 =	vadd.s32 v6, v49;
	v23 =	vbroadcast v43, $0x0;
	v20 =	vmovc v50  }
0x6f: {  	_ =	sdelay $0x3  }
0x70: {  	[tilespmem:v25+s20+$0x0] =	vst.idx.msk $0xffff, v31  }
0x71: {  	[tilespmem:v27+s20+$0x0] =	vst.idx.msk $0xffff, v11  }
0x72: {  	v11 =	vadd.s32 v8, v32;
	[tilespmem:v28+s20+$0x0] =	vst.idx.msk $0xffff, v14  }
0x73: {  	v61 =	vadd.s32 v0, v37;
	[tilespmem:v26+s20+$0x0] =	vst.idx.msk $0xffff, v10  }
0x74: {  	v10 =	vadd.s32 v2, v35;
	[tilespmem:v29+s20+$0x0] =	vst.idx.msk $0xffff, v12  }
0x75: {  	v62 =	vadd.s32 v3, v36;
	[tilespmem:v30+s20+$0x0] =	vst.idx.msk $0xffff, v15  }
0x76: {  	v63 =	vadd.s32 v4, v34;
	[tilespmem:v24+s20+$0x0] =	vst.idx.msk $0xffff, v9  }
0x77: {  	v9 =	vadd.s32 v5, v38;
	[tilespmem:v11+s20+$0x0] =	vst.idx.msk $0xffff, v16  }
0x78: {  	v11 =	vadd.s32 v6, v33;
	[tilespmem:v61+s20+$0x0] =	vst.idx.msk $0xffff, v17  }
0x79: {  	[tilespmem:v10+s20+$0x0] =	vst.idx.msk $0xffff, v13;
	v10 =	vadd.s32 v7, v23  }
.Ltmp1:
0x7a: {  	[tilespmem:v62+s20+$0x0] =	vst.idx.msk $0xffff, v18;
	(pc) =	sbr.rel @p0 .LBB2_2-.Ltmp1, $4  }
0x7b: {  	[tilespmem:v63+s20+$0x0] =	vst.idx.msk $0xffff, v19  }
0x7c: {  	[tilespmem:v9+s20+$0x0] =	vst.idx.msk $0xffff, v21  }
0x7d: {  	[tilespmem:v11+s20+$0x0] =	vst.idx.msk $0xffff, v22  }
0x7e: {  	s23 =	simm.s32 $0x1;
	p1 =	por $0x0, $0x0;
	[tilespmem:v10+s20+$0x0] =	vst.idx.msk $0xffff, v20  }
0x7f: {  	s22 =	sadd.s32 $0x1, s22  }
0x80: {  	p0 =	sne.s32 s22, s6  }
.Ltmp2:
0x81: {  	_ = 	snop;
	(pc) =	sbr.rel @p0 .LBB2_1-.Ltmp2, $4  }
0x82: {  	[hbm4b:s5+s9] =	stream.strided.scatter [tilespmem:s20], [sflag:$0x2], $0xA000, s21, s9, $0x38;
	[tilespmem:$0xFA00] =	vst v63  }
0x83: {  	_ =	swait.ge [sflag:s7], $0xA000  }
0x84: {  	[sflag:s7] =	ssyncset.done $0x0  }
0x85: {  	[sflag:s7] =	ssyncadd.s32 $0xFFFF6000  }
0x86: {  	_ =	sfence.sel $0x180000  }
0x87: {  	[bflag:$0x0] =	sbarrier.arrive $0xFFFF  }
0x88: {  	_ =	strace $0x90000047  }
0x89: {  	s0 =	stileid.u32;
	[bflag:$0x2] =	sbarrier.arrive $0xFFFF  }
0x8a: {  	p0 =	sne.s32 s0, $0x0;
	s0 =	rddreg [dreg:$0x1]  }
0x8b: {  	s0 =	sadd.s32 @!p0 $0x100000, s0  }
0x8c: {  	[sflag:s0] =	ssyncadd.tile.s32 @!p0 $0x1;
	_ =	shalt  }
.Lfunc_end2:
_tile_overlayer_lowered:
.L_overlay_start_2:
0x8d: {  	(tag) =	ssettag $0x2  }
0x8e: {  	s0 =	rddreg [dreg:$0x0];
	s2 =	stileid.u32  }
0x8f: {  	s1 =	rddreg [dreg:$0x1];
	p0 =	sne.s32 s2, $0x0  }
0x90: {  	s3 =	rddreg [dreg:$0x2];
	[bflag:$0x3] =	sbarrier.arrive $0xFFFF;
	s2 =	simm.s32 @!p0 $0x1C02  }
0x91: {  	[timem:s3], [sflag:s2] =	dma.local @!p0 [hbm:s0], s1  }
0x92: {  	s0 =	simm.s32 @!p0 $0x2  }
0x93: {  	_ =	swait.ge @!p0 [sflag:s0], s1  }
0x94: {  	s1 =	ssub.s32 @!p0 $0x0, s1;
	[sflag:s0] =	ssyncset.done @!p0 $0x0  }
0x95: {  	[sflag:s0] =	ssyncadd.s32 @!p0 s1  }
0x96: {  	[bflag:$0x3] =	sbarrier.arrive $0xFFFF  }
0x97: {  	_ =	shalt  }

// kernel: kernel.13.cloned.1.call-start
scs
__scs_entry_jumppad:
0x0: {  	(pc) =	sbr.rel $0x88, $3  }
0x1: {  	(tag) =	ssettag $0x0;
	lr =	simm.s32 $0x1  }
0x2: {  	[smem:$0x3F8D] =	sst lr;
	_ =	strace $0xD0000000  }
0x3: {  	_ = 	snop  }
0x4: {  	_ = 	snop  }
0x5: {  	_ = 	snop  }
0x6: {  	_ = 	snop  }
0x7: {  	_ = 	snop  }
__scs_overlays_trampoline_lowered:
0x8: {  	[smem:$0x3F9C] =	sst s0  }
0x9: {  	[smem:$0x3F9D] =	sst s1  }
0xa: {  	[smem:$0x3F9E] =	sst s2  }
0xb: {  	[smem:$0x3F9F] =	sst s3  }
0xc: {  	[smem:$0x3FA0] =	sst s4  }
0xd: {  	[smem:$0x3FA1] =	sst s5  }
0xe: {  	[smem:$0x3FA2] =	sst s6  }
0xf: {  	[smem:$0x3FA3] =	sst s7  }
0x10: {  	[smem:$0x3FA4] =	sst s8  }
0x11: {  	[smem:$0x3FA5] =	sst s9;
	s0 =	simm.s32 @!p0 $0x0  }
0x12: {  	s1 =	sld [smem:$0x3F8B];
	s0 =	simm.s32 @p0 $0x1  }
0x13: {  	[smem:$0x3FA6] =	sst s0;
	s0 =	simm.s32 @!p1 $0x0  }
0x14: {  	s2 =	sld [smem:$0x3F8A];
	s0 =	simm.s32 @p1 $0x1  }
0x15: {  	[smem:$0x3FA7] =	sst s0;
	s0 =	simm.s32 @!p2 $0x0  }
0x16: {  	s3 =	sld [smem:$0x3FDB];
	s0 =	simm.s32 @p2 $0x1  }
0x17: {  	s4 =	simm.s32 $0x1BF5;
	[smem:$0x3FA9] =	sst s0  }
0x18: {  	s0 =	sld [smem:$0x3F8C];
	_ =	swait.ge [sflag:s4], $0x0  }
0x19: {  	s7 =	sld [smem:$0x3F8D]  }
0x1a: {  	s8 =	sadd.s32 $0xFFFFE003, lr  }
0x1b: {  	s9 =	sadd.s32 $0xFFFFFEF7, lr;
	s5 =	simm.s32 $0xFFFFFFFF;
	p2 =	slt.u32 s8, $0xFFFFF086  }
0x1c: {  	p1 =	slt.u32 s9, $0xF7A;
	s5 =	simm.s32 @!p2 $0x0  }
0x1d: {  	s5 =	simm.s32 @p1 $0x1;
	p0 =	seq.s32 s7, s2  }
0x1e: {  	s7 =	smul.u32 @!p0 $0xF7A, s2;
	p2 =	seq.s32 @!p0 s5, $0x0  }
0x1f: {  	s9 =	smul.u32 $0xF7A, s1;
	s8 =	simm.s32 @!p0 $0x1BF5;
	p2 =	por !p2, p0  }
0x20: {  	[sflag:s8] =	ssyncset.s32 @!p0 $0xFFFFF086;
	s6 =	sadd.s32 @!p0 s3, s7;
	s7 =	simm.s32 @!p0 $0x108  }
0x21: {  	s3 =	sadd.s32 s3, s9;
	s6 =	sadd.s32 @!p0 $0x88, s6;
	s7 =	simm.s32 @p2 $0x1082  }
0x22: {  	[simem:s7], [sflag:s8] =	dma.local @!p0 [hbm:s6], $0xF7A  }
0x23: {  	s9 =	sor.u32 $0xD0000000, s2;
	s6 =	simm.s32 $0x108;
	_ =	swait.ge @!p0 [sflag:s8], $0x0  }
0x24: {  	s3 =	sadd.s32 $0x88, s3;
	s6 =	simm.s32 @!p1 $0x1082;
	[sflag:s4] =	ssyncset.s32 $0xFFFFF086  }
0x25: {  	[simem:s6], [sflag:s4] =	dma.local [hbm:s3], $0xF7A  }
0x26: {  	[smem:$0x3F8D] =	sst s1;
	(tag) =	ssettag s2;
	_ =	strace s9  }
0x27: {  	s1 =	sld [smem:$0x3F9D]  }
0x28: {  	s2 =	sld [smem:$0x3F9E]  }
0x29: {  	s4 =	sld [smem:$0x3FA0]  }
0x2a: {  	p0 =	seq.s32 s5, $0x0;
	s5 =	sld [smem:$0x3FA1]  }
0x2b: {  	s6 =	sld [smem:$0x3FA2]  }
0x2c: {  	s7 =	sld [smem:$0x3FA3]  }
0x2d: {  	s3 =	simm.s32 $0x108;
	s8 =	sld [smem:$0x3FA4]  }
0x2e: {  	s3 =	simm.s32 @!p0 $0x1082;
	s9 =	sld [smem:$0x3FA5]  }
0x2f: {  	lr =	sadd.s32 s0, s3;
	s0 =	sld [smem:$0x3F9C]  }
0x30: {  	s3 =	sld [smem:$0x3F9F]  }
0x31: {  	[smem:$0x3FA8] =	sst s10  }
0x32: {  	s10 =	sld [smem:$0x3FA6];
	_ =	sdelay $0x3  }
0x33: {  	p0 =	seq.s32 s10, $0x1;
	s10 =	sld [smem:$0x3FA8];
	_ =	sdelay $0x3  }
0x34: {  	[smem:$0x3FA8] =	sst s10  }
0x35: {  	s10 =	sld [smem:$0x3FA7];
	_ =	sdelay $0x3  }
0x36: {  	p1 =	seq.s32 s10, $0x1;
	s10 =	sld [smem:$0x3FA8];
	_ =	sdelay $0x3  }
0x37: {  	[smem:$0x3FA8] =	sst s10  }
0x38: {  	s10 =	sld [smem:$0x3FA9]  }
0x39: {  	_ = 	snop;
	(pc) =	sbr.ind lr, $3  }
0x3a: {  	_ = 	snop  }
0x3b: {  	_ = 	snop  }
0x3c: {  	p2 =	seq.s32 s10, $0x1;
	s10 =	sld [smem:$0x3FA8]  }
0x3d: {  	_ =	shalt  }
0x3e: {  	_ =	shalt  }
0x3f: {  	_ =	shalt  }
0x40: {  	_ =	shalt  }
0x41: {  	_ =	shalt  }
0x42: {  	_ =	shalt  }
0x43: {  	_ =	shalt  }
0x44: {  	_ =	shalt  }
0x45: {  	_ =	shalt  }
0x46: {  	_ =	shalt  }
0x47: {  	_ =	shalt  }
0x48: {  	_ =	shalt  }
0x49: {  	_ =	shalt  }
0x4a: {  	_ =	shalt  }
0x4b: {  	_ =	shalt  }
0x4c: {  	_ =	shalt  }
0x4d: {  	_ =	shalt  }
0x4e: {  	_ =	shalt  }
0x4f: {  	_ =	shalt  }
0x50: {  	_ =	shalt  }
0x51: {  	_ =	shalt  }
0x52: {  	_ =	shalt  }
0x53: {  	_ =	shalt  }
0x54: {  	_ =	shalt  }
0x55: {  	_ =	shalt  }
0x56: {  	_ =	shalt  }
0x57: {  	_ =	shalt  }
0x58: {  	_ =	shalt  }
0x59: {  	_ =	shalt  }
0x5a: {  	_ =	shalt  }
0x5b: {  	_ =	shalt  }
0x5c: {  	_ =	shalt  }
0x5d: {  	_ =	shalt  }
0x5e: {  	_ =	shalt  }
0x5f: {  	_ =	shalt  }
0x60: {  	_ =	shalt  }
0x61: {  	_ =	shalt  }
0x62: {  	_ =	shalt  }
0x63: {  	_ =	shalt  }
0x64: {  	_ =	shalt  }
0x65: {  	_ =	shalt  }
0x66: {  	_ =	shalt  }
0x67: {  	_ =	shalt  }
0x68: {  	_ =	shalt  }
0x69: {  	_ =	shalt  }
0x6a: {  	_ =	shalt  }
0x6b: {  	_ =	shalt  }
0x6c: {  	_ =	shalt  }
0x6d: {  	_ =	shalt  }
0x6e: {  	_ =	shalt  }
0x6f: {  	_ =	shalt  }
0x70: {  	_ =	shalt  }
0x71: {  	_ =	shalt  }
0x72: {  	_ =	shalt  }
0x73: {  	_ =	shalt  }
0x74: {  	_ =	shalt  }
0x75: {  	_ =	shalt  }
0x76: {  	_ =	shalt  }
0x77: {  	_ =	shalt  }
0x78: {  	_ =	shalt  }
0x79: {  	_ =	shalt  }
0x7a: {  	_ =	shalt  }
0x7b: {  	_ =	shalt  }
0x7c: {  	_ =	shalt  }
0x7d: {  	_ =	shalt  }
0x7e: {  	_ =	shalt  }
0x7f: {  	_ =	shalt  }
0x80: {  	_ =	shalt  }
0x81: {  	_ =	shalt  }
0x82: {  	_ =	shalt  }
0x83: {  	_ =	shalt  }
0x84: {  	_ =	shalt  }
0x85: {  	_ =	shalt  }
0x86: {  	_ =	shalt  }
0x87: {  	_ =	shalt  }
.Lfunc_end0:
.L_simem_size_0:
called_computation.1_lowered:
.L_overlay_start_0:
0x88: {  	s2 =	sld [smem:$0x3FD9]  }
0x89: {  	s3 =	sld [smem:$0x3FFE];
	_ =	sdelay $0x1  }
0x8a: {  	s1 =	srdreg.scid  }
0x8b: {  	s0 =	sand.u32 $0x1, s1  }
0x8c: {  	s17 =	sshll.u32 s0, $0xA;
	s2 =	sadd.s32 s3, s2  }
0x8d: {  	s2 =	sadd.s32 s2, s17  }
0x8e: {  	[smem:$0x3FB4] =	sst s2  }
0x8f: {  	_ = 	snop  }
0x90: {  	(tm) =	ssettm $0x1  }
0x91: {  	s18 =	sld [smem:$0x3FFB];
	_ =	sdelay $0x3  }
0x92: {  	_ =	strace s18  }
0x93: {  	s2 =	sld [smem:$0x3FFC];
	_ =	sdelay $0x3  }
0x94: {  	_ =	strace s2  }
0x95: {  	s2 =	sld [smem:$0x3FFD];
	_ =	sdelay $0x3  }
0x96: {  	_ =	strace s2  }
0x97: {  	_ =	strace $0x8FFFFFFF  }
0x98: {  	s19 =	sld [smem:$0x3FDB];
	_ =	sdelay $0x1  }
0x99: {  	s20 =	simm.s32 $_scs_section_size  }
0x9a: {  	s4 =	simm.s32 $_size__tile_overlayer_lowered;
	s5 =	simm.s32 $_tile_overlayer_lowered  }
0x9b: {  	s6 =	simm.s32 $0x1BFF;
	s21 =	sshll.u32 s5, $0x1;
	s3 =	sadd.s32 s20, s19  }
0x9c: {  	s22 =	simm.s32 $0x0;
	s4 =	sshll.u32 s4, $0x1;
	s5 =	sadd.s32 s21, s3  }
0x9d: {  	[timem:s22], [sflag:s6] =	dma.local [hbm:s5], s4  }
0x9e: {  	_ =	swait.ge [sflag:s6], s4  }
0x9f: {  	s4 =	ssub.s32 $0x0, s4;
	[sflag:s6] =	ssyncset.done $0x0  }
0xa0: {  	[sflag:s6] =	ssyncadd.s32 s4;
	_ =	sdelay $0x1  }
0xa1: {  	s23 =	simm.s32 $0x1B8B  }
0xa2: {  	_ =	swait.ge [sflag:s23], $0x1  }
0xa3: {  	[sflag:s23] =	ssyncset.done $0x0  }
0xa4: {  	[sflag:s23] =	ssyncadd.s32 $0xFFFFFFFF  }
0xa5: {  	s4 =	sld [smem:$0x0]  }
0xa6: {  	s5 =	sand.u32 $0xFFFFFFFE, s1  }
0xa7: {  	p0 =	sne.s32 s1, s5  }
0xa8: {  	s5 =	sshll.u32 @p0 s5, $0xE  }
0xa9: {  	s5 =	sadd.s32 @p0 $0x11B8D, s5;
	s6 =	sshll.u32 @p0 s4, $0x11  }
0xaa: {  	s5 =	sor.u32 @p0 s6, s5  }
0xab: {  	[sflag:s5] =	ssyncadd.remote.s32 @p0 $0x1;
	_ =	sdelay $0x1  }
0xac: {  	s5 =	simm.s32 @p0 $0x1B8D  }
0xad: {  	_ =	swait.eq @p0 [sflag:s5], $0x1  }
0xae: {  	[sflag:s5] =	ssyncadd.s32 @p0 $0xFFFFFFFF  }
0xaf: {  	s6 =	sshll.u32 @!p0 s1, $0xE  }
0xb0: {  	s6 =	sor.u32 @!p0 $0x4000, s6;
	s5 =	simm.s32 @!p0 $0x1B8D  }
0xb1: {  	s4 =	sshll.u32 @!p0 s4, $0x11;
	s6 =	sadd.s32 @!p0 $0x11B8D, s6;
	_ =	swait.eq @!p0 [sflag:s5], $0x1  }
0xb2: {  	s4 =	sor.u32 @!p0 s4, s6;
	[sflag:s5] =	ssyncadd.s32 @!p0 $0xFFFFFFFF  }
0xb3: {  	s25 =	simm.s32 $0x1B8E;
	s24 =	sld [smem:$0x3FFE];
	[sflag:s4] =	ssyncadd.remote.s32 @!p0 $0x1  }
0xb4: {  	s26 =	simm.s32 $execute0_lowered;
	[smem:$0x3FD2] =	sst s25  }
0xb5: {  	s5 =	sshll.u32 s26, $0x1;
	_ =	strace $0x80000049;
	[dreg:$0x1] =	wrdreg $0xFFFFFFFF  }
0xb6: {  	s28 =	simm.s32 $_size_execute0_lowered;
	s3 =	sadd.s32 s3, s5;
	[dreg:$0x0] =	wrdreg $0x0  }
0xb7: {  	s5 =	sshll.u32 s28, $0x1;
	[dreg:$0x2] =	wrdreg s3  }
0xb8: {  	[dreg:$0x3] =	wrdreg s5  }
0xb9: {  	[dreg:$0x4] =	wrdreg $0xC0  }
0xba: {  	_ =	task [dreg:s22], $0x5FFFF  }
0xbb: {  	[dreg:$0x1] =	wrdreg $0xFFFFFFFF  }
0xbc: {  	[dreg:$0x0] =	wrdreg $0x60  }
0xbd: {  	[dreg:$0x2] =	wrdreg s24  }
0xbe: {  	[dreg:$0x3] =	wrdreg $0x9  }
0xbf: {  	_ =	task.clear_ibuf [dreg:s22], $0x4FFFF;
	_ =	strace $0x90000049  }
0xc0: {  	s29 =	simm.s32 $0x9;
	_ =	strace $0x8000004B  }
0xc1: {  	_ =	swait.ge [sflag:s29], $0x1  }
0xc2: {  	[sflag:s29] =	ssyncadd.s32 $0xFFFFFFFF  }
0xc3: {  	_ =	strace $0x9000004B  }
0xc4: {  	_ =	sfence  }
0xc5: {  	s30 =	sld [smem:$0x0];
	_ =	sdelay $0x2  }
0xc6: {  	s31 =	sshll.u32 s1, $0xD;
	s1 =	sshrl.u32 s1, $0x2  }
0xc7: {  	s4 =	sand.u32 $0x4000, s31;
	s1 =	sadd.s32 s1, s30  }
0xc8: {  	s0 =	sor.u32 s4, s0;
	s1 =	sshll.u32 s1, $0x11  }
0xc9: {  	s0 =	sor.u32 s1, s0  }
0xca: {  	s0 =	sadd.s32 $0x8F2B, s0  }
0xcb: {  	[sflag:s0] =	ssyncadd.remote.s32 $0x1  }
0xcc: {  	_ =	sfence.sel $0xFFFF  }
0xcd: {  	[dreg:$0x0] =	wrdreg $0xFFFFFFFF;
	(pc) =	sbr.abs _section_cstart, $3  }
0xce: {  	[dreg:$0x1] =	wrdreg $0xFFFFFFFF  }
0xcf: {  	_ =	task.clear_ibuf [dreg:s22], $0x2FFFF;
	_ =	strace $0x9FFFFFFF  }
0xd0: {  	(tm) =	ssettm $0x7FFFFFFF  }
0xd1: {  	_ =	shalt  }
tec
execute0_lowered:
.L_overlay_start_1:
0x0: {  	(tag) =	ssettag $0x1  }
0x1: {  	s0 =	srdreg.scid  }
0x2: {  	s31 =	stileid.u32;
	s4 =	rddreg [dreg:$0x0];
	s2 =	simm.s32 $0x0  }
0x3: {  	s8 =	simm.s32 $0x80;
	s9 =	simm.s32 $0xA00;
	s10 =	simm.s32 $0x1200  }
0x4: {  	s11 =	simm.s32 $0x1A00;
	s12 =	simm.s32 $0x2200;
	s13 =	simm.s32 $0x2A00  }
0x5: {  	s14 =	simm.s32 $0x3200;
	s15 =	simm.s32 $0x3A00;
	s16 =	simm.s32 $0x4200  }
0x6: {  	s17 =	simm.s32 $0x4A00;
	s18 =	simm.s32 $0x5200;
	s3 =	sand.u32 $0x1, s0  }
0x7: {  	v0 =	vlaneseq.u32;
	s19 =	simm.s32 $0x1;
	s20 =	simm.s32 $0x5A00;
	s1 =	sshll.u32 s3, $0x4  }
0x8: {  	s21 =	simm.s32 $0x14000;
	s22 =	simm.s32 $0x0;
	v0 =	vmul.u32 $0xA00, v0;
	s5 =	sor.u32 s31, s1  }
0x9: {  	v1 =	vimm.s32 $0x0;
	vm0 =	vcmask $0x300;
	[smem:$0x7FF] =	sst s2;
	s6 =	ssub.s32 $0x2, s3;
	s5 =	smul.u32 $0x140, s5  }
0xa: {  	v1 =	vsel vm0, $0x3, v1;
	_ =	strace $0x8000004A;
	s3 =	sadd.s32 $0x7E00, s4;
	s7 =	sshrl.u32 s6, $0x1;
	v2 =	vor.u32 $0x1, v0  }
0xb: {  	v3 =	vor.u32 $0x2, v0;
	v4 =	vor.u32 $0x3, v0;
	v5 =	vor.u32 $0x4, v0;
	s6 =	ssub.s32 s6, s7;
	s7 =	simm.s32 $0x2;
	s5 =	sadd.s32 s5, s4  }
0xc: {  	v6 =	vor.u32 $0x5, v0;
	v7 =	vor.u32 $0x6, v0;
	v8 =	vor.u32 $0x7, v0;
	s6 =	smax.u32 s6, $0x1;
	s4 =	sadd.s32 $0x34E00, s5;
	s5 =	sadd.s32 $0x37600, s5  }
.LBB2_1:
0xd: {  	[tilespmem:s2], [sflag:$0x2] =	stream.linear.gather [hbm4b:s4+s2], $0xA00, $0x38;
	[tilespmem:$0xFA00] =	vst v63  }
0xe: {  	_ =	swait.ge [sflag:s7], $0xA00  }
0xf: {  	[sflag:s7] =	ssyncset.done $0x0  }
0x10: {  	p1 =	por $0x1, $0x1;
	s23 =	simm.s32 $0x0;
	[sflag:s7] =	ssyncadd.s32 $0xFFFFF600  }
.LBB2_2:
0x11: {  	s24 =	smul.u32 $0x1400, s23;
	_ =	sdelay $0x1  }
0x12: {  	s24 =	sshra.s32 s24, $0x2  }
0x13: {  	[tilespmem:s9], [sflag:$0x1] =	stream.indirect.gather [hbm4b:s3+s8], $0x10, s24, s8, $0xb8;
	[tilespmem:$0xFA00] =	vst v63  }
0x14: {  	s25 =	sor.u32 $0x80, s24  }
0x15: {  	[tilespmem:s10], [sflag:$0x1] =	stream.indirect.gather [hbm4b:s3+s8], $0x10, s25, s8, $0xb8;
	[tilespmem:$0xFA00] =	vst v63  }
0x16: {  	s29 =	sadd.s32 $0x100, s24  }
0x17: {  	[tilespmem:s11], [sflag:$0x1] =	stream.indirect.gather [hbm4b:s3+s8], $0x10, s29, s8, $0xb8;
	[tilespmem:$0xFA00] =	vst v63  }
0x18: {  	s30 =	sadd.s32 $0x180, s24  }
0x19: {  	[tilespmem:s12], [sflag:$0x1] =	stream.indirect.gather [hbm4b:s3+s8], $0x10, s30, s8, $0xb8;
	[tilespmem:$0xFA00] =	vst v63  }
0x1a: {  	s31 =	sadd.s32 $0x200, s24  }
0x1b: {  	[tilespmem:s13], [sflag:$0x1] =	stream.indirect.gather [hbm4b:s3+s8], $0x10, s31, s8, $0xb8;
	[tilespmem:$0xFA00] =	vst v63  }
0x1c: {  	s0 =	sadd.s32 $0x280, s24  }
0x1d: {  	[tilespmem:s14], [sflag:$0x1] =	stream.indirect.gather [hbm4b:s3+s8], $0x10, s0, s8, $0xb8;
	[tilespmem:$0xFA00] =	vst v63  }
0x1e: {  	s1 =	sadd.s32 $0x300, s24  }
0x1f: {  	[tilespmem:s15], [sflag:$0x1] =	stream.indirect.gather [hbm4b:s3+s8], $0x10, s1, s8, $0xb8;
	[tilespmem:$0xFA00] =	vst v63  }
0x20: {  	s26 =	sadd.s32 $0x380, s24  }
0x21: {  	[tilespmem:s16], [sflag:$0x1] =	stream.indirect.gather [hbm4b:s3+s8], $0x10, s26, s8, $0xb8;
	[tilespmem:$0xFA00] =	vst v63  }
0x22: {  	s28 =	sadd.s32 $0x400, s24  }
0x23: {  	[tilespmem:s17], [sflag:$0x1] =	stream.indirect.gather [hbm4b:s3+s8], $0x10, s28, s8, $0xb8;
	[tilespmem:$0xFA00] =	vst v63  }
0x24: {  	s24 =	sadd.s32 $0x480, s24  }
0x25: {  	[tilespmem:s18], [sflag:$0x1] =	stream.indirect.gather [hbm4b:s3+s8], $0x10, s24, s8, $0xb8;
	[tilespmem:$0xFA00] =	vst v63  }
0x26: {  	_ =	swait.ge [sflag:s19], $0x800  }
0x27: {  	[sflag:s19] =	ssyncset.done $0x0  }
0x28: {  	[sflag:s19] =	ssyncadd.s32 $0xFFFFF800  }
0x29: {  	_ =	swait.ge [sflag:s19], $0x800  }
0x2a: {  	[sflag:s19] =	ssyncset.done $0x0  }
0x2b: {  	[sflag:s19] =	ssyncadd.s32 $0xFFFFF800  }
0x2c: {  	_ =	swait.ge [sflag:s19], $0x800  }
0x2d: {  	[sflag:s19] =	ssyncset.done $0x0  }
0x2e: {  	[sflag:s19] =	ssyncadd.s32 $0xFFFFF800  }
0x2f: {  	_ =	swait.ge [sflag:s19], $0x800  }
0x30: {  	[sflag:s19] =	ssyncset.done $0x0  }
0x31: {  	[sflag:s19] =	ssyncadd.s32 $0xFFFFF800  }
0x32: {  	_ =	swait.ge [sflag:s19], $0x800  }
0x33: {  	[sflag:s19] =	ssyncset.done $0x0  }
0x34: {  	[sflag:s19] =	ssyncadd.s32 $0xFFFFF800  }
0x35: {  	_ =	swait.ge [sflag:s19], $0x800  }
0x36: {  	s23 =	smul.u32 $0x500, s23;
	[sflag:s19] =	ssyncset.done $0x0  }
0x37: {  	[sflag:s19] =	ssyncadd.s32 $0xFFFFF800  }
0x38: {  	s24 =	sadd.s32 $0xFFFFFFF0, s23;
	_ =	swait.ge [sflag:s19], $0x800  }
0x39: {  	s29 =	sadd.s32 $0x10, s24;
	[sflag:s19] =	ssyncset.done $0x0  }
0x3a: {  	s26 =	sadd.s32 $0x1F, s24;
	s28 =	sadd.s32 $0x11, s24;
	[sflag:s19] =	ssyncadd.s32 $0xFFFFF800  }
0x3b: {  	s30 =	sadd.s32 $0x12, s24;
	s31 =	sadd.s32 $0x14, s24;
	_ =	swait.ge [sflag:s19], $0x800  }
0x3c: {  	s0 =	sadd.s32 $0x15, s24;
	s1 =	sadd.s32 $0x16, s24;
	v9 =	vmov s29;
	v10 =	vmov s26;
	v11 =	vmov s28;
	[sflag:s19] =	ssyncset.done $0x0  }
0x3d: {  	s29 =	sadd.s32 $0x13, s24;
	v12 =	vmov s30;
	v14 =	vmov s31;
	s30 =	sadd.s32 $0x17, s24;
	v15 =	vmov s0;
	[sflag:s19] =	ssyncadd.s32 $0xFFFFF800  }
0x3e: {  	s26 =	sadd.s32 $0x18, s24;
	s31 =	sadd.s32 $0x19, s24;
	v16 =	vmov s1;
	v10 =	vshrl.u32 v10, $0x3;
	v13 =	vmov s29;
	_ =	swait.ge [sflag:s19], $0x800  }
0x3f: {  	s0 =	sadd.s32 $0x1A, s24;
	s1 =	sadd.s32 $0x1B, s24;
	v17 =	vmov s30;
	v18 =	vmov s26;
	v19 =	vmov s31;
	[sflag:s19] =	ssyncset.done $0x0  }
0x40: {  	v20 =	vmov s0;
	v21 =	vmov s1;
	v9 =	vshrl.u32 v9, $0x3;
	[sflag:s19] =	ssyncadd.s32 $0xFFFFF800  }
0x41: {  	s30 =	sadd.s32 $0x1C, s24;
	v25 =	vshrl.u32 v11, $0x3;
	v26 =	vshrl.u32 v12, $0x3;
	v27 =	vshrl.u32 v14, $0x3;
	_ =	swait.ge [sflag:s19], $0x800  }
0x42: {  	s31 =	sadd.s32 $0x1D, s24;
	s24 =	sadd.s32 $0x1E, s24;
	v28 =	vshrl.u32 v15, $0x3;
	v16 =	vshrl.u32 v16, $0x3;
	v10 =	vshll.u32 v10, v1;
	[sflag:s19] =	ssyncset.done $0x0  }
0x43: {  	v22 =	vmov s31;
	v24 =	vmov s24;
	s24 =	simm.s32 $0xA80;
	v13 =	vshrl.u32 v13, $0x3;
	[sflag:s19] =	ssyncadd.s32 $0xFFFFF800  }
0x44: {  	v17 =	vshrl.u32 v17, $0x3;
	v18 =	vshrl.u32 v18, $0x3;
	v10 =	vbroadcast v10, $0x0;
	v30 =	vld [tilespmem:s24+$0x70]  }
0x45: {  	v19 =	vshrl.u32 v19, $0x3;
	v20 =	vshrl.u32 v20, $0x3;
	v21 =	vshrl.u32 v21, $0x3;
	v11 =	vld [tilespmem:s24+$0xFFFFFF90]  }
0x46: {  	v31 =	vshll.u32 v9, v1;
	v23 =	vadd.s32 v8, v10;
	v10 =	vmov s30;
	v14 =	vld [tilespmem:s24+$0xFFFFFFA0]  }
0x47: {  	v25 =	vshll.u32 v25, v1;
	v26 =	vshll.u32 v26, v1;
	v29 =	vshrl.u32 v10, $0x3;
	v10 =	vld [tilespmem:s24+$0xFFFFFFB0]  }
0x48: {  	v27 =	vshll.u32 v27, v1;
	v28 =	vshll.u32 v28, v1;
	v33 =	vshll.u32 v16, v1;
	v12 =	vld [tilespmem:s24+$0xFFFFFFC0]  }
0x49: {  	v22 =	vshrl.u32 v22, $0x3;
	v24 =	vshrl.u32 v24, $0x3;
	v32 =	vshll.u32 v13, v1;
	v15 =	vld [tilespmem:s24+$0xFFFFFFD0]  }
0x4a: {  	v34 =	vshll.u32 v17, v1;
	v35 =	vshll.u32 v18, v1;
	v36 =	vshll.u32 v19, v1;
	v9 =	vld [tilespmem:s24+$0xFFFFFFE0]  }
0x4b: {  	v38 =	vshll.u32 v21, v1;
	v19 =	vbroadcast v31, $0x0;
	v21 =	vbroadcast v25, $0x0;
	v16 =	vld [tilespmem:s24+$0xFFFFFFF0]  }
0x4c: {  	v42 =	vbroadcast v28, $0x0;
	v43 =	vbroadcast v33, $0x0;
	v40 =	vshll.u32 v22, v1;
	v17 =	vld [tilespmem:s24+$0x0]  }
0x4d: {  	v41 =	vshll.u32 v24, v1;
	v22 =	vbroadcast v26, $0x0;
	v24 =	vbroadcast v32, $0x0;
	v13 =	vld [tilespmem:s24+$0x10]  }
0x4e: {  	v20 =	vshll.u32 v20, v1;
	v32 =	vbroadcast v34, $0x0;
	v37 =	vbroadcast v35, $0x0;
	v18 =	vld [tilespmem:s24+$0x20]  }
0x4f: {  	v35 =	vbroadcast v36, $0x0;
	v36 =	vbroadcast v20, $0x0;
	v25 =	vadd.s32 v0, v19;
	v19 =	vld [tilespmem:s24+$0x30]  }
0x50: {  	v39 =	vshll.u32 v29, v1;
	v29 =	vbroadcast v27, $0x0;
	v27 =	vadd.s32 v2, v21;
	v21 =	vld [tilespmem:s24+$0x40]  }
0x51: {  	v34 =	vbroadcast v38, $0x0;
	v33 =	vbroadcast v40, $0x0;
	v28 =	vadd.s32 v3, v22;
	v31 =	vld [tilespmem:s24+$0xFFFFFF80]  }
0x52: {  	v26 =	vadd.s32 v4, v24;
	v24 =	vadd.s32 v7, v43;
	v38 =	vbroadcast v39, $0x0;
	v22 =	vld [tilespmem:s24+$0x50]  }
0x53: {  	p0 =	por p1, p1;
	s25 =	simm.s32 $0x0;
	v29 =	vadd.s32 v5, v29;
	v20 =	vld [tilespmem:s24+$0x60];
	[tilespmem:v23+s20+$0x0] =	vst.idx.msk $0xffff, v30;
	v30 =	vadd.s32 v6, v42;
	v23 =	vbroadcast v41, $0x0  }
.LBB2_3:
0x54: {  	s26 =	sadd.s32 s25, s23;
	s25 =	sadd.s32 $0x10, s25;
	v32 =	vadd.s32 v8, v32;
	v37 =	vadd.s32 v0, v37;
	v35 =	vadd.s32 v2, v35  }
0x55: {  	v36 =	vadd.s32 v3, v36;
	v34 =	vadd.s32 v4, v34;
	v38 =	vadd.s32 v5, v38;
	s28 =	sadd.s32 $0x10, s26;
	s29 =	sadd.s32 $0x1F, s26;
	p1 =	slt.u32 s25, $0x4F0  }
0x56: {  	v33 =	vadd.s32 v6, v33;
	s30 =	sadd.s32 $0x12, s26;
	s31 =	sadd.s32 $0x13, s26;
	v39 =	vmov s28;
	s28 =	sadd.s32 $0x11, s26;
	v40 =	vmov s29;
	[tilespmem:v25+s20+$0x0] =	vst.idx.msk $0xffff, v31  }
0x57: {  	v31 =	vmov s30;
	s29 =	sadd.s32 $0x15, s26;
	s30 =	sadd.s32 $0x16, s26;
	v25 =	vmov s28;
	s28 =	sadd.s32 $0x14, s26;
	v40 =	vshrl.u32 v40, $0x3;
	[tilespmem:v27+s20+$0x0] =	vst.idx.msk $0xffff, v11  }
0x58: {  	s1 =	sadd.s32 $0x19, s26;
	v27 =	vmov s31;
	s31 =	sadd.s32 $0x18, s26;
	v41 =	vmov s28;
	s28 =	sadd.s32 $0x17, s26;
	v11 =	vshll.u32 v40, v1;
	[tilespmem:v28+s20+$0x0] =	vst.idx.msk $0xffff, v14  }
0x59: {  	s0 =	sadd.s32 $0x1C, s26;
	v28 =	vmov s29;
	v40 =	vmov s30;
	s29 =	sadd.s32 $0x1A, s26;
	s30 =	sadd.s32 $0x1B, s26;
	v11 =	vbroadcast v11, $0x0;
	[tilespmem:v26+s20+$0x0] =	vst.idx.msk $0xffff, v10  }
0x5a: {  	s24 =	sadd.s32 $0x100, s24;
	v43 =	vmov s1;
	s1 =	sadd.s32 $0x1D, s26;
	v42 =	vmov s31;
	s26 =	sadd.s32 $0x1E, s26;
	v26 =	vmov s28;
	[tilespmem:v29+s20+$0x0] =	vst.idx.msk $0xffff, v12  }
0x5b: {  	v44 =	vmov s30;
	v29 =	vmov s29;
	v45 =	vld [tilespmem:s24+$0x70];
	v46 =	vadd.s32 v8, v11;
	[tilespmem:v30+s20+$0x0] =	vst.idx.msk $0xffff, v15  }
0x5c: {  	v47 =	vmov s1;
	v48 =	vmov s26;
	v30 =	vmov s0;
	v11 =	vld [tilespmem:s24+$0xFFFFFF90]  }
0x5d: {  	v39 =	vshrl.u32 v39, $0x3;
	v31 =	vshrl.u32 v31, $0x3;
	v25 =	vshrl.u32 v25, $0x3;
	v14 =	vld [tilespmem:s24+$0xFFFFFFA0];
	[tilespmem:v24+s20+$0x0] =	vst.idx.msk $0xffff, v9  }
0x5e: {  	v28 =	vshrl.u32 v28, $0x3;
	v24 =	vshrl.u32 v27, $0x3;
	v27 =	vshrl.u32 v41, $0x3;
	v10 =	vld [tilespmem:s24+$0xFFFFFFB0];
	[tilespmem:v32+s20+$0x0] =	vst.idx.msk $0xffff, v16  }
0x5f: {  	v26 =	vshrl.u32 v26, $0x3;
	v32 =	vshrl.u32 v40, $0x3;
	v40 =	vshrl.u32 v42, $0x3;
	v12 =	vld [tilespmem:s24+$0xFFFFFFC0];
	[tilespmem:v37+s20+$0x0] =	vst.idx.msk $0xffff, v17  }
0x60: {  	v29 =	vshrl.u32 v29, $0x3;
	v41 =	vshrl.u32 v44, $0x3;
	v37 =	vshrl.u32 v43, $0x3;
	v15 =	vld [tilespmem:s24+$0xFFFFFFD0];
	[tilespmem:v46+s20+$0x0] =	vst.idx.msk $0xffff, v45  }
0x61: {  	v30 =	vshrl.u32 v30, $0x3;
	v42 =	vshrl.u32 v47, $0x3;
	v43 =	vshrl.u32 v48, $0x3;
	v9 =	vld [tilespmem:s24+$0xFFFFFFE0];
	[tilespmem:v35+s20+$0x0] =	vst.idx.msk $0xffff, v13  }
0x62: {  	v31 =	vshll.u32 v31, v1;
	v25 =	vshll.u32 v25, v1;
	v35 =	vshll.u32 v39, v1;
	v16 =	vld [tilespmem:s24+$0xFFFFFFF0]  }
0x63: {  	v28 =	vshll.u32 v28, v1;
	v24 =	vshll.u32 v24, v1;
	v27 =	vshll.u32 v27, v1;
	v17 =	vld [tilespmem:s24+$0x0]  }
0x64: {  	v26 =	vshll.u32 v26, v1;
	v32 =	vshll.u32 v32, v1;
	v39 =	vshll.u32 v40, v1;
	v13 =	vld [tilespmem:s24+$0x10]  }
0x65: {  	v29 =	vshll.u32 v29, v1;
	v41 =	vshll.u32 v41, v1;
	v40 =	vshll.u32 v37, v1;
	v37 =	vld [tilespmem:s24+$0x20]  }
0x66: {  	v30 =	vshll.u32 v30, v1;
	v42 =	vshll.u32 v42, v1;
	v43 =	vshll.u32 v43, v1;
	v44 =	vld [tilespmem:s24+$0x30]  }
0x67: {  	v23 =	vadd.s32 v7, v23;
	v45 =	vbroadcast v25, $0x0;
	v35 =	vbroadcast v35, $0x0;
	v46 =	vld [tilespmem:s24+$0x40];
	[tilespmem:v36+s20+$0x0] =	vst.idx.msk $0xffff, v18  }
0x68: {  	v24 =	vbroadcast v24, $0x0;
	v36 =	vbroadcast v31, $0x0;
	v47 =	vld [tilespmem:s24+$0x50];
	[tilespmem:v34+s20+$0x0] =	vst.idx.msk $0xffff, v19  }
0x69: {  	v49 =	vbroadcast v28, $0x0;
	v48 =	vbroadcast v27, $0x0;
	v25 =	vadd.s32 v0, v35;
	v50 =	vld [tilespmem:s24+$0x60];
	[tilespmem:v38+s20+$0x0] =	vst.idx.msk $0xffff, v21  }
.Ltmp0:
0x6a: {  	v27 =	vadd.s32 v2, v45;
	v45 =	vbroadcast v32, $0x0;
	v32 =	vbroadcast v26, $0x0;
	v31 =	vld [tilespmem:s24+$0xFFFFFF80];
	[tilespmem:v33+s20+$0x0] =	vst.idx.msk $0xffff, v22;
	v18 =	vmovc v37;
	(pc) =	sbr.rel @p1 .LBB2_3-.Ltmp0, $4  }
0x6b: {  	v35 =	vbroadcast v40, $0x0;
	v28 =	vadd.s32 v3, v36;
	v37 =	vbroadcast v39, $0x0;
	v19 =	vmovc v44  }
0x6c: {  	v26 =	vadd.s32 v4, v24;
	v34 =	vbroadcast v41, $0x0;
	v36 =	vbroadcast v29, $0x0;
	[tilespmem:v23+s20+$0x0] =	vst.idx.msk $0xffff, v20;
	v21 =	vmovc v46  }
0x6d: {  	v29 =	vadd.s32 v5, v48;
	v38 =	vbroadcast v30, $0x0;
	v33 =	vbroadcast v42, $0x0;
	v22 =	vmovc v47  }
0x6e: {  	v24 =	vadd.s32 v7, v45;
	v30 =	vadd.s32 v6, v49;
	v23 =	vbroadcast v43, $0x0;
	v20 =	vmovc v50  }
0x6f: {  	_ =	sdelay $0x3  }
0x70: {  	[tilespmem:v25+s20+$0x0] =	vst.idx.msk $0xffff, v31  }
0x71: {  	[tilespmem:v27+s20+$0x0] =	vst.idx.msk $0xffff, v11  }
0x72: {  	v11 =	vadd.s32 v8, v32;
	[tilespmem:v28+s20+$0x0] =	vst.idx.msk $0xffff, v14  }
0x73: {  	v61 =	vadd.s32 v0, v37;
	[tilespmem:v26+s20+$0x0] =	vst.idx.msk $0xffff, v10  }
0x74: {  	v10 =	vadd.s32 v2, v35;
	[tilespmem:v29+s20+$0x0] =	vst.idx.msk $0xffff, v12  }
0x75: {  	v62 =	vadd.s32 v3, v36;
	[tilespmem:v30+s20+$0x0] =	vst.idx.msk $0xffff, v15  }
0x76: {  	v63 =	vadd.s32 v4, v34;
	[tilespmem:v24+s20+$0x0] =	vst.idx.msk $0xffff, v9  }
0x77: {  	v9 =	vadd.s32 v5, v38;
	[tilespmem:v11+s20+$0x0] =	vst.idx.msk $0xffff, v16  }
0x78: {  	v11 =	vadd.s32 v6, v33;
	[tilespmem:v61+s20+$0x0] =	vst.idx.msk $0xffff, v17  }
0x79: {  	[tilespmem:v10+s20+$0x0] =	vst.idx.msk $0xffff, v13;
	v10 =	vadd.s32 v7, v23  }
.Ltmp1:
0x7a: {  	[tilespmem:v62+s20+$0x0] =	vst.idx.msk $0xffff, v18;
	(pc) =	sbr.rel @p0 .LBB2_2-.Ltmp1, $4  }
0x7b: {  	[tilespmem:v63+s20+$0x0] =	vst.idx.msk $0xffff, v19  }
0x7c: {  	[tilespmem:v9+s20+$0x0] =	vst.idx.msk $0xffff, v21  }
0x7d: {  	[tilespmem:v11+s20+$0x0] =	vst.idx.msk $0xffff, v22  }
0x7e: {  	s23 =	simm.s32 $0x1;
	p1 =	por $0x0, $0x0;
	[tilespmem:v10+s20+$0x0] =	vst.idx.msk $0xffff, v20  }
0x7f: {  	s22 =	sadd.s32 $0x1, s22  }
0x80: {  	p0 =	sne.s32 s22, s6  }
.Ltmp2:
0x81: {  	_ = 	snop;
	(pc) =	sbr.rel @p0 .LBB2_1-.Ltmp2, $4  }
0x82: {  	[hbm4b:s5+s9] =	stream.strided.scatter [tilespmem:s20], [sflag:$0x2], $0xA000, s21, s9, $0x38;
	[tilespmem:$0xFA00] =	vst v63  }
0x83: {  	_ =	swait.ge [sflag:s7], $0xA000  }
0x84: {  	[sflag:s7] =	ssyncset.done $0x0  }
0x85: {  	[sflag:s7] =	ssyncadd.s32 $0xFFFF6000  }
0x86: {  	_ =	sfence.sel $0x180000  }
0x87: {  	[bflag:$0x0] =	sbarrier.arrive $0xFFFF  }
0x88: {  	_ =	strace $0x9000004A  }
0x89: {  	s0 =	stileid.u32;
	[bflag:$0x2] =	sbarrier.arrive $0xFFFF  }
0x8a: {  	p0 =	sne.s32 s0, $0x0;
	s0 =	rddreg [dreg:$0x1]  }
0x8b: {  	s0 =	sadd.s32 @!p0 $0x100000, s0  }
0x8c: {  	[sflag:s0] =	ssyncadd.tile.s32 @!p0 $0x1;
	_ =	shalt  }
.Lfunc_end2:
_tile_overlayer_lowered:
.L_overlay_start_2:
0x8d: {  	(tag) =	ssettag $0x2  }
0x8e: {  	s0 =	rddreg [dreg:$0x0];
	s2 =	stileid.u32  }
0x8f: {  	s1 =	rddreg [dreg:$0x1];
	p0 =	sne.s32 s2, $0x0  }
0x90: {  	s3 =	rddreg [dreg:$0x2];
	[bflag:$0x3] =	sbarrier.arrive $0xFFFF;
	s2 =	simm.s32 @!p0 $0x1C02  }
0x91: {  	[timem:s3], [sflag:s2] =	dma.local @!p0 [hbm:s0], s1  }
0x92: {  	s0 =	simm.s32 @!p0 $0x2  }
0x93: {  	_ =	swait.ge @!p0 [sflag:s0], s1  }
0x94: {  	s1 =	ssub.s32 @!p0 $0x0, s1;
	[sflag:s0] =	ssyncset.done @!p0 $0x0  }
0x95: {  	[sflag:s0] =	ssyncadd.s32 @!p0 s1  }
0x96: {  	[bflag:$0x3] =	sbarrier.arrive $0xFFFF  }
0x97: {  	_ =	shalt  }

// kernel: kernel.16.cloned.1.call-start
scs
__scs_entry_jumppad:
0x0: {  	(pc) =	sbr.rel $0x88, $3  }
0x1: {  	(tag) =	ssettag $0x0;
	lr =	simm.s32 $0x1  }
0x2: {  	[smem:$0x3F8D] =	sst lr;
	_ =	strace $0xD0000000  }
0x3: {  	_ = 	snop  }
0x4: {  	_ = 	snop  }
0x5: {  	_ = 	snop  }
0x6: {  	_ = 	snop  }
0x7: {  	_ = 	snop  }
__scs_overlays_trampoline_lowered:
0x8: {  	[smem:$0x3F9C] =	sst s0  }
0x9: {  	[smem:$0x3F9D] =	sst s1  }
0xa: {  	[smem:$0x3F9E] =	sst s2  }
0xb: {  	[smem:$0x3F9F] =	sst s3  }
0xc: {  	[smem:$0x3FA0] =	sst s4  }
0xd: {  	[smem:$0x3FA1] =	sst s5  }
0xe: {  	[smem:$0x3FA2] =	sst s6  }
0xf: {  	[smem:$0x3FA3] =	sst s7  }
0x10: {  	[smem:$0x3FA4] =	sst s8  }
0x11: {  	[smem:$0x3FA5] =	sst s9;
	s0 =	simm.s32 @!p0 $0x0  }
0x12: {  	s1 =	sld [smem:$0x3F8B];
	s0 =	simm.s32 @p0 $0x1  }
0x13: {  	[smem:$0x3FA6] =	sst s0;
	s0 =	simm.s32 @!p1 $0x0  }
0x14: {  	s2 =	sld [smem:$0x3F8A];
	s0 =	simm.s32 @p1 $0x1  }
0x15: {  	[smem:$0x3FA7] =	sst s0;
	s0 =	simm.s32 @!p2 $0x0  }
0x16: {  	s3 =	sld [smem:$0x3FDB];
	s0 =	simm.s32 @p2 $0x1  }
0x17: {  	s4 =	simm.s32 $0x1BF5;
	[smem:$0x3FA9] =	sst s0  }
0x18: {  	s0 =	sld [smem:$0x3F8C];
	_ =	swait.ge [sflag:s4], $0x0  }
0x19: {  	s7 =	sld [smem:$0x3F8D]  }
0x1a: {  	s8 =	sadd.s32 $0xFFFFE003, lr  }
0x1b: {  	s9 =	sadd.s32 $0xFFFFFEF7, lr;
	s5 =	simm.s32 $0xFFFFFFFF;
	p2 =	slt.u32 s8, $0xFFFFF086  }
0x1c: {  	p1 =	slt.u32 s9, $0xF7A;
	s5 =	simm.s32 @!p2 $0x0  }
0x1d: {  	s5 =	simm.s32 @p1 $0x1;
	p0 =	seq.s32 s7, s2  }
0x1e: {  	s7 =	smul.u32 @!p0 $0xF7A, s2;
	p2 =	seq.s32 @!p0 s5, $0x0  }
0x1f: {  	s9 =	smul.u32 $0xF7A, s1;
	s8 =	simm.s32 @!p0 $0x1BF5;
	p2 =	por !p2, p0  }
0x20: {  	[sflag:s8] =	ssyncset.s32 @!p0 $0xFFFFF086;
	s6 =	sadd.s32 @!p0 s3, s7;
	s7 =	simm.s32 @!p0 $0x108  }
0x21: {  	s3 =	sadd.s32 s3, s9;
	s6 =	sadd.s32 @!p0 $0x88, s6;
	s7 =	simm.s32 @p2 $0x1082  }
0x22: {  	[simem:s7], [sflag:s8] =	dma.local @!p0 [hbm:s6], $0xF7A  }
0x23: {  	s9 =	sor.u32 $0xD0000000, s2;
	s6 =	simm.s32 $0x108;
	_ =	swait.ge @!p0 [sflag:s8], $0x0  }
0x24: {  	s3 =	sadd.s32 $0x88, s3;
	s6 =	simm.s32 @!p1 $0x1082;
	[sflag:s4] =	ssyncset.s32 $0xFFFFF086  }
0x25: {  	[simem:s6], [sflag:s4] =	dma.local [hbm:s3], $0xF7A  }
0x26: {  	[smem:$0x3F8D] =	sst s1;
	(tag) =	ssettag s2;
	_ =	strace s9  }
0x27: {  	s1 =	sld [smem:$0x3F9D]  }
0x28: {  	s2 =	sld [smem:$0x3F9E]  }
0x29: {  	s4 =	sld [smem:$0x3FA0]  }
0x2a: {  	p0 =	seq.s32 s5, $0x0;
	s5 =	sld [smem:$0x3FA1]  }
0x2b: {  	s6 =	sld [smem:$0x3FA2]  }
0x2c: {  	s7 =	sld [smem:$0x3FA3]  }
0x2d: {  	s3 =	simm.s32 $0x108;
	s8 =	sld [smem:$0x3FA4]  }
0x2e: {  	s3 =	simm.s32 @!p0 $0x1082;
	s9 =	sld [smem:$0x3FA5]  }
0x2f: {  	lr =	sadd.s32 s0, s3;
	s0 =	sld [smem:$0x3F9C]  }
0x30: {  	s3 =	sld [smem:$0x3F9F]  }
0x31: {  	[smem:$0x3FA8] =	sst s10  }
0x32: {  	s10 =	sld [smem:$0x3FA6];
	_ =	sdelay $0x3  }
0x33: {  	p0 =	seq.s32 s10, $0x1;
	s10 =	sld [smem:$0x3FA8];
	_ =	sdelay $0x3  }
0x34: {  	[smem:$0x3FA8] =	sst s10  }
0x35: {  	s10 =	sld [smem:$0x3FA7];
	_ =	sdelay $0x3  }
0x36: {  	p1 =	seq.s32 s10, $0x1;
	s10 =	sld [smem:$0x3FA8];
	_ =	sdelay $0x3  }
0x37: {  	[smem:$0x3FA8] =	sst s10  }
0x38: {  	s10 =	sld [smem:$0x3FA9]  }
0x39: {  	_ = 	snop;
	(pc) =	sbr.ind lr, $3  }
0x3a: {  	_ = 	snop  }
0x3b: {  	_ = 	snop  }
0x3c: {  	p2 =	seq.s32 s10, $0x1;
	s10 =	sld [smem:$0x3FA8]  }
0x3d: {  	_ =	shalt  }
0x3e: {  	_ =	shalt  }
0x3f: {  	_ =	shalt  }
0x40: {  	_ =	shalt  }
0x41: {  	_ =	shalt  }
0x42: {  	_ =	shalt  }
0x43: {  	_ =	shalt  }
0x44: {  	_ =	shalt  }
0x45: {  	_ =	shalt  }
0x46: {  	_ =	shalt  }
0x47: {  	_ =	shalt  }
0x48: {  	_ =	shalt  }
0x49: {  	_ =	shalt  }
0x4a: {  	_ =	shalt  }
0x4b: {  	_ =	shalt  }
0x4c: {  	_ =	shalt  }
0x4d: {  	_ =	shalt  }
0x4e: {  	_ =	shalt  }
0x4f: {  	_ =	shalt  }
0x50: {  	_ =	shalt  }
0x51: {  	_ =	shalt  }
0x52: {  	_ =	shalt  }
0x53: {  	_ =	shalt  }
0x54: {  	_ =	shalt  }
0x55: {  	_ =	shalt  }
0x56: {  	_ =	shalt  }
0x57: {  	_ =	shalt  }
0x58: {  	_ =	shalt  }
0x59: {  	_ =	shalt  }
0x5a: {  	_ =	shalt  }
0x5b: {  	_ =	shalt  }
0x5c: {  	_ =	shalt  }
0x5d: {  	_ =	shalt  }
0x5e: {  	_ =	shalt  }
0x5f: {  	_ =	shalt  }
0x60: {  	_ =	shalt  }
0x61: {  	_ =	shalt  }
0x62: {  	_ =	shalt  }
0x63: {  	_ =	shalt  }
0x64: {  	_ =	shalt  }
0x65: {  	_ =	shalt  }
0x66: {  	_ =	shalt  }
0x67: {  	_ =	shalt  }
0x68: {  	_ =	shalt  }
0x69: {  	_ =	shalt  }
0x6a: {  	_ =	shalt  }
0x6b: {  	_ =	shalt  }
0x6c: {  	_ =	shalt  }
0x6d: {  	_ =	shalt  }
0x6e: {  	_ =	shalt  }
0x6f: {  	_ =	shalt  }
0x70: {  	_ =	shalt  }
0x71: {  	_ =	shalt  }
0x72: {  	_ =	shalt  }
0x73: {  	_ =	shalt  }
0x74: {  	_ =	shalt  }
0x75: {  	_ =	shalt  }
0x76: {  	_ =	shalt  }
0x77: {  	_ =	shalt  }
0x78: {  	_ =	shalt  }
0x79: {  	_ =	shalt  }
0x7a: {  	_ =	shalt  }
0x7b: {  	_ =	shalt  }
0x7c: {  	_ =	shalt  }
0x7d: {  	_ =	shalt  }
0x7e: {  	_ =	shalt  }
0x7f: {  	_ =	shalt  }
0x80: {  	_ =	shalt  }
0x81: {  	_ =	shalt  }
0x82: {  	_ =	shalt  }
0x83: {  	_ =	shalt  }
0x84: {  	_ =	shalt  }
0x85: {  	_ =	shalt  }
0x86: {  	_ =	shalt  }
0x87: {  	_ =	shalt  }
.Lfunc_end0:
.L_simem_size_0:
called_computation.2_lowered:
.L_overlay_start_0:
0x88: {  	s2 =	sld [smem:$0x3FD9]  }
0x89: {  	s3 =	sld [smem:$0x3FFE];
	_ =	sdelay $0x1  }
0x8a: {  	s1 =	srdreg.scid  }
0x8b: {  	s0 =	sand.u32 $0x1, s1  }
0x8c: {  	s17 =	sshll.u32 s0, $0xA;
	s2 =	sadd.s32 s3, s2  }
0x8d: {  	s2 =	sadd.s32 s2, s17  }
0x8e: {  	[smem:$0x3FB4] =	sst s2  }
0x8f: {  	_ = 	snop  }
0x90: {  	(tm) =	ssettm $0x1  }
0x91: {  	s18 =	sld [smem:$0x3FFB];
	_ =	sdelay $0x3  }
0x92: {  	_ =	strace s18  }
0x93: {  	s2 =	sld [smem:$0x3FFC];
	_ =	sdelay $0x3  }
0x94: {  	_ =	strace s2  }
0x95: {  	s2 =	sld [smem:$0x3FFD];
	_ =	sdelay $0x3  }
0x96: {  	_ =	strace s2  }
0x97: {  	_ =	strace $0x8FFFFFFF  }
0x98: {  	s19 =	sld [smem:$0x3FDB];
	_ =	sdelay $0x1  }
0x99: {  	s20 =	simm.s32 $_scs_section_size  }
0x9a: {  	s4 =	simm.s32 $_size__tile_overlayer_lowered;
	s5 =	simm.s32 $_tile_overlayer_lowered  }
0x9b: {  	s6 =	simm.s32 $0x1BFF;
	s21 =	sshll.u32 s5, $0x1;
	s3 =	sadd.s32 s20, s19  }
0x9c: {  	s22 =	simm.s32 $0x0;
	s4 =	sshll.u32 s4, $0x1;
	s5 =	sadd.s32 s21, s3  }
0x9d: {  	[timem:s22], [sflag:s6] =	dma.local [hbm:s5], s4  }
0x9e: {  	_ =	swait.ge [sflag:s6], s4  }
0x9f: {  	s4 =	ssub.s32 $0x0, s4;
	[sflag:s6] =	ssyncset.done $0x0  }
0xa0: {  	[sflag:s6] =	ssyncadd.s32 s4;
	_ =	sdelay $0x1  }
0xa1: {  	s23 =	simm.s32 $0x1B8B  }
0xa2: {  	_ =	swait.ge [sflag:s23], $0x1  }
0xa3: {  	[sflag:s23] =	ssyncset.done $0x0  }
0xa4: {  	[sflag:s23] =	ssyncadd.s32 $0xFFFFFFFF  }
0xa5: {  	s4 =	sld [smem:$0x0]  }
0xa6: {  	s5 =	sand.u32 $0xFFFFFFFE, s1  }
0xa7: {  	p0 =	sne.s32 s1, s5  }
0xa8: {  	s5 =	sshll.u32 @p0 s5, $0xE  }
0xa9: {  	s5 =	sadd.s32 @p0 $0x11B8D, s5;
	s6 =	sshll.u32 @p0 s4, $0x11  }
0xaa: {  	s5 =	sor.u32 @p0 s6, s5  }
0xab: {  	[sflag:s5] =	ssyncadd.remote.s32 @p0 $0x1;
	_ =	sdelay $0x1  }
0xac: {  	s5 =	simm.s32 @p0 $0x1B8D  }
0xad: {  	_ =	swait.eq @p0 [sflag:s5], $0x1  }
0xae: {  	[sflag:s5] =	ssyncadd.s32 @p0 $0xFFFFFFFF  }
0xaf: {  	s6 =	sshll.u32 @!p0 s1, $0xE  }
0xb0: {  	s6 =	sor.u32 @!p0 $0x4000, s6;
	s5 =	simm.s32 @!p0 $0x1B8D  }
0xb1: {  	s4 =	sshll.u32 @!p0 s4, $0x11;
	s6 =	sadd.s32 @!p0 $0x11B8D, s6;
	_ =	swait.eq @!p0 [sflag:s5], $0x1  }
0xb2: {  	s4 =	sor.u32 @!p0 s4, s6;
	[sflag:s5] =	ssyncadd.s32 @!p0 $0xFFFFFFFF  }
0xb3: {  	s25 =	simm.s32 $0x1B8E;
	s24 =	sld [smem:$0x3FFE];
	[sflag:s4] =	ssyncadd.remote.s32 @!p0 $0x1  }
0xb4: {  	s26 =	simm.s32 $execute0_lowered;
	[smem:$0x3FD2] =	sst s25  }
0xb5: {  	s5 =	sshll.u32 s26, $0x1;
	_ =	strace $0x8000004C;
	[dreg:$0x1] =	wrdreg $0xFFFFFFFF  }
0xb6: {  	s28 =	simm.s32 $_size_execute0_lowered;
	s3 =	sadd.s32 s3, s5;
	[dreg:$0x0] =	wrdreg $0x0  }
0xb7: {  	s5 =	sshll.u32 s28, $0x1;
	[dreg:$0x2] =	wrdreg s3  }
0xb8: {  	[dreg:$0x3] =	wrdreg s5  }
0xb9: {  	[dreg:$0x4] =	wrdreg $0xC0  }
0xba: {  	_ =	task [dreg:s22], $0x5FFFF  }
0xbb: {  	[dreg:$0x1] =	wrdreg $0xFFFFFFFF  }
0xbc: {  	[dreg:$0x0] =	wrdreg $0x60  }
0xbd: {  	[dreg:$0x2] =	wrdreg s24  }
0xbe: {  	[dreg:$0x3] =	wrdreg $0x198200  }
0xbf: {  	[dreg:$0x4] =	wrdreg $0xA  }
0xc0: {  	_ =	task.clear_ibuf [dreg:s22], $0x5FFFF;
	_ =	strace $0x9000004C  }
0xc1: {  	s29 =	simm.s32 $0xA;
	_ =	strace $0x8000004E  }
0xc2: {  	_ =	swait.ge [sflag:s29], $0x1  }
0xc3: {  	[sflag:s29] =	ssyncadd.s32 $0xFFFFFFFF  }
0xc4: {  	_ =	strace $0x9000004E  }
0xc5: {  	_ =	sfence  }
0xc6: {  	s30 =	sld [smem:$0x0];
	_ =	sdelay $0x2  }
0xc7: {  	s31 =	sshll.u32 s1, $0xD;
	s1 =	sshrl.u32 s1, $0x2  }
0xc8: {  	s4 =	sand.u32 $0x4000, s31;
	s1 =	sadd.s32 s1, s30  }
0xc9: {  	s0 =	sor.u32 s4, s0;
	s1 =	sshll.u32 s1, $0x11  }
0xca: {  	s0 =	sor.u32 s1, s0  }
0xcb: {  	s0 =	sadd.s32 $0x8F2B, s0  }
0xcc: {  	[sflag:s0] =	ssyncadd.remote.s32 $0x1  }
0xcd: {  	_ =	sfence.sel $0xFFFF  }
0xce: {  	[dreg:$0x0] =	wrdreg $0xFFFFFFFF;
	(pc) =	sbr.abs _section_cstart, $3  }
0xcf: {  	[dreg:$0x1] =	wrdreg $0xFFFFFFFF  }
0xd0: {  	_ =	task.clear_ibuf [dreg:s22], $0x2FFFF;
	_ =	strace $0x9FFFFFFF  }
0xd1: {  	(tm) =	ssettm $0x7FFFFFFF  }
tec
execute0_lowered:
.L_overlay_start_1:
0x0: {  	(tag) =	ssettag $0x1  }
0x1: {  	s0 =	srdreg.scid;
	s6 =	rddreg [dreg:$0x0]  }
0x2: {  	s3 =	rddreg [dreg:$0x1];
	s4 =	simm.s32 $0x0;
	s11 =	simm.s32 $0x2  }
0x3: {  	s12 =	simm.s32 $0x500;
	s13 =	simm.s32 $0x14000;
	s14 =	simm.s32 $0xA00  }
0x4: {  	s15 =	simm.s32 $0x80;
	s16 =	simm.s32 $0xAA00;
	s17 =	simm.s32 $0xBA00  }
0x5: {  	s18 =	simm.s32 $0xCA00;
	s19 =	simm.s32 $0xDA00;
	s20 =	simm.s32 $0xEA00  }
0x6: {  	s21 =	simm.s32 $0xFA00;
	s22 =	simm.s32 $0x10A00;
	s23 =	simm.s32 $0x11A00  }
0x7: {  	v0 =	vlaneseq.u32;
	s24 =	simm.s32 $0x12A00;
	s1 =	sand.u32 $0x1, s0;
	s0 =	stileid.u32  }
0x8: {  	v2 =	vimm.s32 $0x0;
	vm0 =	vcmask $0x300;
	s25 =	simm.s32 $0x13A00;
	v0 =	vmul.u32 $0x500, v0;
	s2 =	sshll.u32 s1, $0x4;
	s7 =	smul.u32 $0x4E20, s0  }
0x9: {  	v1 =	vimm.f32 $0.0e+00;
	v2 =	vsel vm0, $0x3, v2;
	s5 =	smul.u32 $0x4E200, s1;
	s1 =	ssub.s32 $0x2, s1;
	s2 =	sor.u32 s0, s2  }
0xa: {  	[smem:$0x7FF] =	sst s4;
	s31 =	sshrl.u32 s1, $0x1;
	v3 =	vadd.s32 $0x5000, v0;
	v4 =	vor.u32 $0x1, v0;
	v5 =	vadd.s32 $0x5001, v0;
	s2 =	smul.u32 $0xA00, s2  }
0xb: {  	_ =	strace $0x8000004D;
	v6 =	vor.u32 $0x2, v0;
	v7 =	vadd.s32 $0x5002, v0;
	v8 =	vor.u32 $0x3, v0;
	s5 =	sadd.s32 s7, s5;
	s1 =	ssub.s32 s1, s31  }
0xc: {  	v9 =	vadd.s32 $0x5003, v0;
	v10 =	vor.u32 $0x4, v0;
	v11 =	vadd.s32 $0x5004, v0;
	s9 =	sshrl.u32 s5, $0x3;
	s5 =	sadd.s32 $0x5F600, s6;
	s8 =	sshrl.u32 s2, $0x3  }
0xd: {  	v12 =	vor.u32 $0x5, v0;
	v13 =	vadd.s32 $0x5005, v0;
	v14 =	vor.u32 $0x6, v0;
	s9 =	sadd.s32 s9, s6;
	s8 =	sadd.s32 s8, s6;
	s6 =	sadd.s32 s7, s3  }
0xe: {  	v15 =	vadd.s32 $0x5006, v0;
	v16 =	vor.u32 $0x7, v0;
	v17 =	vadd.s32 $0x5007, v0;
	s7 =	sadd.s32 $0x5600, s8;
	s8 =	sadd.s32 $0xCE00, s9;
	s9 =	smax.u32 s1, $0x1  }
.LBB2_1:
0xf: {  	s26 =	simm.s32 $0x14A80  }
0x10: {  	[tilespmem:s26+$0xFFFFFF80] =	vst v1  }
0x11: {  	[tilespmem:s26+$0x70] =	vst v1  }
0x12: {  	[tilespmem:s26+$0x60] =	vst v1  }
0x13: {  	[tilespmem:s26+$0x50] =	vst v1  }
0x14: {  	[tilespmem:s26+$0x40] =	vst v1  }
0x15: {  	[tilespmem:s26+$0x30] =	vst v1  }
0x16: {  	[tilespmem:s26+$0x20] =	vst v1  }
0x17: {  	[tilespmem:s26+$0x10] =	vst v1  }
0x18: {  	[tilespmem:s26+$0x0] =	vst v1  }
0x19: {  	[tilespmem:s26+$0xFFFFFFF0] =	vst v1  }
0x1a: {  	[tilespmem:s26+$0xFFFFFFE0] =	vst v1  }
0x1b: {  	[tilespmem:s26+$0xFFFFFFD0] =	vst v1  }
0x1c: {  	[tilespmem:s26+$0xFFFFFFC0] =	vst v1  }
0x1d: {  	[tilespmem:s26+$0xFFFFFFB0] =	vst v1  }
0x1e: {  	s28 =	simm.s32 $0x0;
	[tilespmem:s26+$0xFFFFFFA0] =	vst v1  }
.LBB2_2:
0x1f: {  	s28 =	sadd.s32 $0x8, s28;
	[tilespmem:s26+$0xFFFFFF90] =	vst v1;
	s26 =	sadd.s32 $0x100, s26  }
0x20: {  	[tilespmem:s26+$0xFFFFFF80] =	vst v1;
	p0 =	slt.u32 s28, $0x268  }
0x21: {  	[tilespmem:s26+$0x70] =	vst v1  }
0x22: {  	[tilespmem:s26+$0x60] =	vst v1  }
0x23: {  	[tilespmem:s26+$0x50] =	vst v1  }
0x24: {  	[tilespmem:s26+$0x40] =	vst v1  }
0x25: {  	[tilespmem:s26+$0x30] =	vst v1  }
0x26: {  	[tilespmem:s26+$0x20] =	vst v1  }
0x27: {  	[tilespmem:s26+$0x10] =	vst v1  }
0x28: {  	[tilespmem:s26+$0x0] =	vst v1  }
0x29: {  	[tilespmem:s26+$0xFFFFFFF0] =	vst v1  }
.Ltmp0:
0x2a: {  	[tilespmem:s26+$0xFFFFFFE0] =	vst v1;
	(pc) =	sbr.rel @p0 .LBB2_2-.Ltmp0, $4  }
0x2b: {  	[tilespmem:s26+$0xFFFFFFD0] =	vst v1  }
0x2c: {  	[tilespmem:s26+$0xFFFFFFC0] =	vst v1  }
0x2d: {  	[tilespmem:s26+$0xFFFFFFB0] =	vst v1  }
0x2e: {  	[tilespmem:s26+$0xFFFFFFA0] =	vst v1  }
0x2f: {  	[tilespmem:s26+$0xFFFFFF90] =	vst v1  }
0x30: {  	[tilespmem:$0x19800] =	vst v1  }
0x31: {  	s1 =	simm.s32 $0x14A00;
	[tilespmem:$0x19810] =	vst v1  }
0x32: {  	[spmem:s6] =	stream.linear.scatter [tilespmem:s1], [sflag:$0x2], $0x4E20, $0x38;
	[tilespmem:$0x1E640] =	vst v63  }
0x33: {  	_ =	swait.ge [sflag:s11], $0x4E20  }
0x34: {  	[sflag:s11] =	ssyncset.done $0x0  }
0x35: {  	s26 =	simm.s32 $0x0;
	[sflag:s11] =	ssyncadd.s32 $0xFFFFB1E0  }
0x36: {  	[tilespmem:s26], [sflag:$0x2] =	stream.linear.gather [hbm4b:s7+s26], $0xA00, $0x38;
	[tilespmem:$0x1E640] =	vst v63  }
0x37: {  	_ =	swait.ge [sflag:s11], $0xA00  }
0x38: {  	[sflag:s11] =	ssyncset.done $0x0  }
0x39: {  	[sflag:s11] =	ssyncadd.s32 $0xFFFFF600  }
0x3a: {  	p1 =	por $0x1, $0x1;
	s28 =	simm.s32 $0x0;
	[bflag:$0x0] =	sbarrier.arrive $0xFFFF  }
.LBB2_4:
0x3b: {  	v18 =	vmov s26;
	s10 =	simm.s32 $0x1  }
0x3c: {  	s30 =	simm.s32 $0x2;
	s31 =	simm.s32 $0x3;
	v18 =	vshrl.u32 v18, $0x3;
	v19 =	vmov s10;
	s10 =	simm.s32 $0x4  }
0x3d: {  	v20 =	vmov s30;
	v21 =	vmov s31;
	s30 =	simm.s32 $0x5;
	s31 =	simm.s32 $0x6;
	v22 =	vmov s10  }
0x3e: {  	v23 =	vmov s30;
	v24 =	vmov s31;
	v18 =	vshll.u32 v18, v2  }
0x3f: {  	s10 =	simm.s32 $0x7;
	s30 =	simm.s32 $0x8;
	s31 =	simm.s32 $0x9;
	v19 =	vshrl.u32 v19, $0x3;
	v20 =	vshrl.u32 v20, $0x3;
	v21 =	vshrl.u32 v21, $0x3  }
0x40: {  	v25 =	vmov s10;
	v26 =	vmov s30;
	v27 =	vmov s31  }
0x41: {  	v22 =	vshrl.u32 v22, $0x3;
	v23 =	vshrl.u32 v23, $0x3;
	v24 =	vshrl.u32 v24, $0x3  }
0x42: {  	s10 =	simm.s32 $0xA;
	s30 =	simm.s32 $0xB;
	v19 =	vshll.u32 v19, v2;
	v32 =	vshll.u32 v20, v2;
	v20 =	vbroadcast v18, $0x0  }
0x43: {  	s31 =	simm.s32 $0xC;
	v18 =	vshll.u32 v21, v2;
	v28 =	vmov s10;
	v29 =	vmov s30  }
0x44: {  	s1 =	smul.u32 $0x500, s28;
	v30 =	vmov s31;
	v25 =	vshrl.u32 v25, $0x3;
	v26 =	vshrl.u32 v26, $0x3  }
0x45: {  	v27 =	vshrl.u32 v27, $0x3;
	v19 =	vbroadcast v19, $0x0;
	v21 =	vshll.u32 v22, v2  }
0x46: {  	s1 =	sadd.s32 s2, s1;
	s10 =	simm.s32 $0xD;
	v32 =	vbroadcast v32, $0x0;
	v23 =	vshll.u32 v23, v2;
	v34 =	vbroadcast v18, $0x0  }
0x47: {  	s1 =	sshrl.u32 s1, $0x3;
	v18 =	vshll.u32 v24, v2;
	v31 =	vmov s10;
	v28 =	vshrl.u32 v28, $0x3  }
0x48: {  	s1 =	sadd.s32 s5, s1;
	v29 =	vshrl.u32 v29, $0x3;
	v30 =	vshrl.u32 v30, $0x3;
	v22 =	vadd.s32 v0, v20  }
0x49: {  	[tilespmem:s14], [sflag:$0x2] =	stream.strided.gather [hbm4b:s1+s12], $0xA000, s13, s12, $0x38;
	v21 =	vbroadcast v21, $0x0;
	v25 =	vshll.u32 v25, v2;
	v33 =	vadd.s32 v4, v19;
	[tilespmem:$0x1E640] =	vst v63  }
0x4a: {  	v23 =	vbroadcast v23, $0x0;
	v38 =	vbroadcast v18, $0x0;
	_ =	swait.ge [sflag:s11], $0xA000;
	v24 =	vadd.s32 v6, v32  }
0x4b: {  	s10 =	simm.s32 $0xF;
	v26 =	vshll.u32 v26, v2;
	v27 =	vshll.u32 v27, v2;
	v35 =	vadd.s32 v8, v34;
	[sflag:s11] =	ssyncset.done $0x0  }
0x4c: {  	v36 =	vmov s10;
	v25 =	vbroadcast v25, $0x0;
	v37 =	vadd.s32 v10, v21;
	[sflag:s11] =	ssyncadd.s32 $0xFFFF6000  }
0x4d: {  	v26 =	vbroadcast v26, $0x0;
	v27 =	vbroadcast v27, $0x0;
	v39 =	vadd.s32 v14, v38;
	v18 =	vld.idx.msk [tilespmem:v22+s14+$0x0], $0xffff  }
0x4e: {  	v28 =	vshll.u32 v28, v2;
	v36 =	vshrl.u32 v36, $0x3;
	v40 =	vadd.s32 v16, v25;
	v33 =	vld.idx.msk [tilespmem:v33+s14+$0x0], $0xffff  }
0x4f: {  	v43 =	vbroadcast v28, $0x0;
	v28 =	vshll.u32 v29, v2;
	v42 =	vadd.s32 v0, v26;
	v24 =	vld.idx.msk [tilespmem:v24+s14+$0x0], $0xffff  }
0x50: {  	v36 =	vshll.u32 v36, v2;
	v29 =	vadd.s32 v4, v27;
	v44 =	vbroadcast v28, $0x0;
	v35 =	vld.idx.msk [tilespmem:v35+s14+$0x0], $0xffff  }
0x51: {  	v28 =	vshll.u32 v30, v2;
	v36 =	vbroadcast v36, $0x0;
	v30 =	vadd.s32 v6, v43;
	v37 =	vld.idx.msk [tilespmem:v37+s14+$0x0], $0xffff  }
0x52: {  	v31 =	vshrl.u32 v31, $0x3;
	v22 =	vadd.s32 v12, v23;
	v39 =	vld.idx.msk [tilespmem:v39+s14+$0x0], $0xffff  }
0x53: {  	s31 =	simm.s32 $0x13;
	v45 =	vbroadcast v28, $0x0;
	v28 =	vshll.u32 v31, v2;
	v41 =	vadd.s32 v16, v36;
	v40 =	vld.idx.msk [tilespmem:v40+s14+$0x0], $0xffff  }
0x54: {  	v50 =	vmov s31;
	s31 =	simm.s32 $0x15;
	v46 =	vadd.s32 v8, v44;
	v47 =	vbroadcast v28, $0x0;
	v42 =	vld.idx.msk [tilespmem:v42+s14+$0x0], $0xffff  }
0x55: {  	v53 =	vmov s31;
	v19 =	vadd.s32 v5, v19;
	v28 =	vadd.s32 v10, v45;
	v54 =	vld.idx.msk [tilespmem:v29+s14+$0x0], $0xffff  }
0x56: {  	s10 =	simm.s32 $0x11;
	s31 =	simm.s32 $0x17;
	v34 =	vadd.s32 v9, v34;
	v50 =	vshrl.u32 v50, $0x3;
	v51 =	vadd.s32 v12, v47;
	v56 =	vld.idx.msk [tilespmem:v30+s14+$0x0], $0xffff  }
0x57: {  	v48 =	vmov s10;
	s10 =	simm.s32 $0x12;
	v55 =	vmov s31;
	s31 =	simm.s32 $0xE;
	v21 =	vadd.s32 v11, v21;
	v22 =	vld.idx.msk [tilespmem:v22+s14+$0x0], $0xffff  }
0x58: {  	s29 =	simm.s32 $0xAB00;
	s30 =	simm.s32 $0x10;
	v49 =	vmov s10;
	s10 =	simm.s32 $0x14;
	v60 =	vmov s31;
	v25 =	vadd.s32 v17, v25;
	v41 =	vld.idx.msk [tilespmem:v41+s14+$0x0], $0xffff  }
0x59: {  	s31 =	simm.s32 $0x1D;
	v31 =	vmov s30;
	v52 =	vmov s10;
	v29 =	vadd.s32 v17, v36;
	v46 =	vld.idx.msk [tilespmem:v46+s14+$0x0], $0xffff;
	[tilespmem:s29+$0xFFFFFF20] =	vst v33  }
0x5a: {  	v63 =	vmov s31;
	v30 =	vadd.s32 v7, v32;
	v59 =	vld.idx.msk [tilespmem:v28+s14+$0x0], $0xffff;
	v28 =	vshrl.u32 v60, $0x3;
	[tilespmem:s29+$0xFFFFFF40] =	vst v24  }
0x5b: {  	s10 =	simm.s32 $0x16;
	v49 =	vshrl.u32 v49, $0x3;
	v31 =	vshrl.u32 v31, $0x3;
	v51 =	vld.idx.msk [tilespmem:v51+s14+$0x0], $0xffff;
	v28 =	vshll.u32 v28, v2;
	[tilespmem:s29+$0xFFFFFF80] =	vst v37  }
0x5c: {  	v23 =	vadd.s32 v13, v23;
	v36 =	vmov s10;
	s10 =	simm.s32 $0x18;
	[tilespmem:s29+$0xFFFFFFC0] =	vst v39;
	v60 =	vbroadcast v28, $0x0;
	v28 =	vld.idx.msk [tilespmem:v19+s14+$0x0], $0xffff  }
0x5d: {  	v57 =	vmov s10;
	v37 =	vshrl.u32 v52, $0x3;
	v39 =	vadd.s32 v5, v27;
	v33 =	vld.idx.msk [tilespmem:v21+s14+$0x0], $0xffff;
	[tilespmem:s29+$0xE0] =	vst v41  }
0x5e: {  	s10 =	simm.s32 $0x19;
	[tilespmem:s29+$0xFFFFFF60] =	vst v35;
	v52 =	vshrl.u32 v53, $0x3;
	v53 =	vshrl.u32 v55, $0x3;
	v55 =	vadd.s32 v7, v43;
	v61 =	vld.idx.msk [tilespmem:v29+s14+$0x0], $0xffff  }
0x5f: {  	v49 =	vshll.u32 v49, v2;
	v58 =	vmov s10;
	s10 =	simm.s32 $0x1A;
	v19 =	vadd.s32 v15, v38;
	[tilespmem:s29+$0xFFFFFFE0] =	vst v40;
	v29 =	vld.idx.msk [tilespmem:v30+s14+$0x0], $0xffff  }
0x60: {  	v32 =	vmov s10;
	v38 =	vshrl.u32 v48, $0x3;
	v48 =	vadd.s32 v14, v60;
	[tilespmem:s29+$0xFFFFFFA0] =	vst v22;
	v30 =	vld.idx.msk [tilespmem:v34+s14+$0x0], $0xffff  }
0x61: {  	s10 =	simm.s32 $0x1B;
	v24 =	vshll.u32 v31, v2;
	v31 =	vshrl.u32 v58, $0x3;
	v32 =	vshrl.u32 v32, $0x3;
	[tilespmem:s29+$0x20] =	vst v54;
	v34 =	vld.idx.msk [tilespmem:v23+s14+$0x0], $0xffff  }
0x62: {  	v21 =	vadd.s32 v3, v26;
	v40 =	vadd.s32 v9, v44;
	[tilespmem:s29+$0x40] =	vst v56;
	v41 =	vmov s10;
	s10 =	simm.s32 $0x1C;
	v43 =	vld.idx.msk [tilespmem:v39+s14+$0x0], $0xffff  }
0x63: {  	v22 =	vshrl.u32 v36, $0x3;
	v36 =	vshrl.u32 v57, $0x3;
	v62 =	vmov s10;
	v44 =	vld.idx.msk [tilespmem:v55+s14+$0x0], $0xffff  }
0x64: {  	v27 =	vshrl.u32 v41, $0x3;
	v35 =	vld.idx.msk [tilespmem:v19+s14+$0x0], $0xffff;
	v26 =	vshrl.u32 v62, $0x3;
	v62 =	vadd.s32 v13, v47  }
0x65: {  	v23 =	vbroadcast v24, $0x0;
	v24 =	vshll.u32 v52, v2;
	v57 =	vld.idx.msk [tilespmem:v48+s14+$0x0], $0xffff;
	[tilespmem:s29+$0xF0] =	vst v61;
	v61 =	vadd.s32 v11, v45  }
0x66: {  	[tilespmem:s29+$0x0] =	vst v42;
	v19 =	vshll.u32 v38, v2;
	v38 =	vld.idx.msk [tilespmem:v25+s14+$0x0], $0xffff;
	v25 =	vshrl.u32 v63, $0x3;
	v48 =	vadd.s32 v15, v60  }
0x67: {  	[tilespmem:s29+$0x60] =	vst v46;
	v42 =	vld.idx.msk [tilespmem:v21+s14+$0x0], $0xffff;
	v21 =	vshll.u32 v50, v2;
	v19 =	vbroadcast v19, $0x0;
	v45 =	vadd.s32 v3, v20  }
0x68: {  	[tilespmem:s29+$0xA0] =	vst v51;
	v63 =	vshll.u32 v37, v2;
	v40 =	vld.idx.msk [tilespmem:v40+s14+$0x0], $0xffff;
	v37 =	vadd.s32 v0, v23;
	v20 =	vbroadcast v49, $0x0  }
0x69: {  	[tilespmem:s29+$0x80] =	vst v59;
	v50 =	vshll.u32 v53, v2;
	v21 =	vbroadcast v21, $0x0;
	v46 =	vadd.s32 v4, v19;
	v41 =	vld.idx.msk [tilespmem:v62+s14+$0x0], $0xffff  }
0x6a: {  	p0 =	por p1, p1;
	s1 =	simm.s32 $0x1F;
	s31 =	simm.s32 $0x20;
	v49 =	vshll.u32 v22, v2;
	v22 =	vbroadcast v63, $0x0;
	v47 =	vadd.s32 v6, v20;
	[tilespmem:s29+$0xC0] =	vst v57;
	v39 =	vld.idx.msk [tilespmem:v61+s14+$0x0], $0xffff  }
.LBB2_5:
0x6b: {  	p1 =	slt.u32 s31, $0x4F0;
	v51 =	vadd.s32 v8, v21;
	v52 =	vbroadcast v24, $0x0;
	v53 =	vmov s1;
	[tilespmem:s29+$0xFFFFFF00] =	vst v18;
	v48 =	vld.idx.msk [tilespmem:v48+s14+$0x0], $0xffff;
	v24 =	vmovc v23  }
0x6c: {  	v49 =	vbroadcast v49, $0x0;
	v23 =	vadd.s32 v10, v22;
	v53 =	vshrl.u32 v53, $0x3;
	v45 =	vld.idx.msk [tilespmem:v45+s14+$0x0], $0xffff;
	[tilespmem:s29+$0xFFFFFF30] =	vst v28  }
0x6d: {  	v18 =	vld.idx.msk [tilespmem:v37+s14+$0x0], $0xffff;
	v28 =	vadd.s32 v12, v52;
	v37 =	vbroadcast v50, $0x0;
	v50 =	vshll.u32 v53, v2;
	[tilespmem:s29+$0xFFFFFF50] =	vst v29  }
0x6e: {  	v36 =	vshll.u32 v36, v2;
	v29 =	vld.idx.msk [tilespmem:v46+s14+$0x0], $0xffff;
	v46 =	vadd.s32 v14, v49;
	v50 =	vbroadcast v50, $0x0;
	[tilespmem:s29+$0xFFFFFF70] =	vst v30  }
0x6f: {  	v31 =	vshll.u32 v31, v2;
	v36 =	vbroadcast v36, $0x0;
	v30 =	vld.idx.msk [tilespmem:v47+s14+$0x0], $0xffff;
	v47 =	vadd.s32 v16, v37;
	[tilespmem:s29+$0xFFFFFF90] =	vst v33  }
0x70: {  	v32 =	vshll.u32 v32, v2;
	v31 =	vbroadcast v31, $0x0;
	v33 =	vld.idx.msk [tilespmem:v51+s14+$0x0], $0xffff;
	v51 =	vadd.s32 v16, v50;
	[tilespmem:s29+$0xFFFFFFB0] =	vst v34  }
0x71: {  	v27 =	vshll.u32 v27, v2;
	v32 =	vbroadcast v32, $0x0;
	v34 =	vadd.s32 v0, v36;
	v23 =	vld.idx.msk [tilespmem:v23+s14+$0x0], $0xffff;
	[tilespmem:s29+$0xFFFFFFD0] =	vst v35  }
0x72: {  	v26 =	vshll.u32 v26, v2;
	v53 =	vbroadcast v27, $0x0;
	v35 =	vld.idx.msk [tilespmem:v28+s14+$0x0], $0xffff;
	v28 =	vadd.s32 v4, v31;
	[tilespmem:s29+$0xFFFFFFF0] =	vst v38  }
0x73: {  	v25 =	vshll.u32 v25, v2;
	v38 =	vadd.s32 v6, v32;
	v27 =	vld.idx.msk [tilespmem:v46+s14+$0x0], $0xffff;
	v46 =	vbroadcast v26, $0x0;
	[tilespmem:s29+$0x10] =	vst v42  }
0x74: {  	s1 =	sadd.s32 $0x1, s31;
	v54 =	vbroadcast v25, $0x0;
	v26 =	vmov s31;
	v42 =	vld.idx.msk [tilespmem:v47+s14+$0x0], $0xffff;
	v47 =	vadd.s32 v8, v53;
	[tilespmem:s29+$0x30] =	vst v43  }
0x75: {  	s10 =	sadd.s32 $0x3, s31;
	v25 =	vshrl.u32 v26, $0x3;
	v26 =	vmov s1;
	s1 =	sadd.s32 $0x2, s31;
	v43 =	vadd.s32 v10, v46;
	v51 =	vld.idx.msk [tilespmem:v51+s14+$0x0], $0xffff;
	[tilespmem:s29+$0x50] =	vst v44  }
0x76: {  	v55 =	vmov s10;
	s10 =	sadd.s32 $0x5, s31;
	v44 =	vmov s1;
	s1 =	sadd.s32 $0x4, s31;
	v56 =	vld.idx.msk [tilespmem:v34+s14+$0x0], $0xffff;
	v34 =	vadd.s32 v12, v54;
	[tilespmem:s29+$0x70] =	vst v40  }
0x77: {  	v57 =	vmov s10;
	s10 =	sadd.s32 $0x7, s31;
	v40 =	vmov s1;
	s1 =	sadd.s32 $0x6, s31;
	v58 =	vld.idx.msk [tilespmem:v28+s14+$0x0], $0xffff;
	v28 =	vadd.s32 v17, v50;
	[tilespmem:s29+$0x90] =	vst v39  }
0x78: {  	v19 =	vadd.s32 v5, v19;
	v39 =	vmov s1;
	v50 =	vmov s10;
	s1 =	sadd.s32 $0x8, s31;
	s10 =	sadd.s32 $0xE, s30;
	s30 =	smov.u32 s31;
	v59 =	vld.idx.msk [tilespmem:v38+s14+$0x0], $0xffff;
	[tilespmem:s29+$0xB0] =	vst v41  }
0x79: {  	v20 =	vadd.s32 v7, v20;
	v38 =	vmov s1;
	s1 =	sadd.s32 $0x9, s31;
	v41 =	vld.idx.msk [tilespmem:v47+s14+$0x0], $0xffff;
	v47 =	vmov s10;
	[tilespmem:s29+$0xD0] =	vst v48  }
0x7a: {  	v21 =	vadd.s32 v9, v21;
	v48 =	vmov s1;
	s1 =	sadd.s32 $0xA, s31;
	v60 =	vld.idx.msk [tilespmem:v43+s14+$0x0], $0xffff;
	v43 =	vshrl.u32 v47, $0x3;
	[tilespmem:s29+$0xFFFFFF10] =	vst v45;
	s29 =	sadd.s32 $0x200, s29  }
0x7b: {  	v22 =	vadd.s32 v11, v22;
	v45 =	vmov s1;
	s1 =	sadd.s32 $0xB, s31;
	v47 =	vld.idx.msk [tilespmem:v34+s14+$0x0], $0xffff;
	v34 =	vshll.u32 v43, v2;
	[tilespmem:s29+$0xE0] =	vst v51  }
0x7c: {  	s10 =	sadd.s32 $0xD, s31;
	v43 =	vmov s1;
	s1 =	sadd.s32 $0xC, s31;
	v51 =	vadd.s32 v13, v52;
	[tilespmem:s29+$0xFFFFFF20] =	vst v29;
	v52 =	vbroadcast v34, $0x0;
	v61 =	vld.idx.msk [tilespmem:v28+s14+$0x0], $0xffff  }
0x7d: {  	v63 =	vmov s10;
	v62 =	vmov s1;
	v28 =	vld.idx.msk [tilespmem:v19+s14+$0x0], $0xffff;
	[tilespmem:s29+$0xFFFFFF40] =	vst v30;
	v19 =	vadd.s32 v15, v49  }
0x7e: {  	v49 =	vshll.u32 v25, v2;
	v25 =	vshrl.u32 v26, $0x3;
	v29 =	vld.idx.msk [tilespmem:v20+s14+$0x0], $0xffff;
	[tilespmem:s29+$0xFFFFFF60] =	vst v33;
	v20 =	vadd.s32 v14, v52  }
0x7f: {  	v55 =	vshrl.u32 v55, $0x3;
	v44 =	vshrl.u32 v44, $0x3;
	v30 =	vld.idx.msk [tilespmem:v21+s14+$0x0], $0xffff;
	[tilespmem:s29+$0xFFFFFF80] =	vst v23;
	v21 =	vadd.s32 v17, v37  }
0x80: {  	v37 =	vshrl.u32 v40, $0x3;
	v40 =	vshrl.u32 v57, $0x3;
	v33 =	vld.idx.msk [tilespmem:v22+s14+$0x0], $0xffff;
	[tilespmem:s29+$0xFFFFFFA0] =	vst v35;
	v22 =	vadd.s32 v3, v36  }
0x81: {  	v39 =	vshrl.u32 v39, $0x3;
	v50 =	vshrl.u32 v50, $0x3;
	v34 =	vld.idx.msk [tilespmem:v51+s14+$0x0], $0xffff;
	[tilespmem:s29+$0xFFFFFFC0] =	vst v27;
	v51 =	vadd.s32 v5, v31  }
0x82: {  	v57 =	vadd.s32 v7, v32;
	v36 =	vshrl.u32 v38, $0x3;
	v31 =	vshrl.u32 v48, $0x3;
	v35 =	vld.idx.msk [tilespmem:v19+s14+$0x0], $0xffff;
	[tilespmem:s29+$0xF0] =	vst v61  }
0x83: {  	v53 =	vadd.s32 v9, v53;
	v32 =	vshrl.u32 v45, $0x3;
	v27 =	vshrl.u32 v43, $0x3;
	[tilespmem:s29+$0xFFFFFFE0] =	vst v42;
	v61 =	vld.idx.msk [tilespmem:v20+s14+$0x0], $0xffff  }
0x84: {  	v26 =	vshrl.u32 v62, $0x3;
	v19 =	vshll.u32 v25, v2;
	v38 =	vld.idx.msk [tilespmem:v21+s14+$0x0], $0xffff;
	[tilespmem:s29+$0x0] =	vst v56;
	v56 =	vadd.s32 v11, v46  }
0x85: {  	v54 =	vadd.s32 v13, v54;
	v25 =	vshrl.u32 v63, $0x3;
	v20 =	vshll.u32 v44, v2;
	v42 =	vld.idx.msk [tilespmem:v22+s14+$0x0], $0xffff;
	[tilespmem:s29+$0x20] =	vst v58  }
.Ltmp1:
0x86: {  	v23 =	vbroadcast v49, $0x0;
	v48 =	vadd.s32 v15, v52;
	v21 =	vshll.u32 v55, v2;
	v43 =	vld.idx.msk [tilespmem:v51+s14+$0x0], $0xffff;
	[tilespmem:s29+$0x40] =	vst v59;
	(pc) =	sbr.rel @p1 .LBB2_5-.Ltmp1, $4  }
0x87: {  	v45 =	vadd.s32 v3, v24;
	v19 =	vbroadcast v19, $0x0;
	v22 =	vshll.u32 v37, v2;
	v44 =	vld.idx.msk [tilespmem:v57+s14+$0x0], $0xffff;
	[tilespmem:s29+$0x60] =	vst v41  }
0x88: {  	v24 =	vshll.u32 v40, v2;
	v20 =	vbroadcast v20, $0x0;
	v37 =	vadd.s32 v0, v23;
	v40 =	vld.idx.msk [tilespmem:v53+s14+$0x0], $0xffff;
	[tilespmem:s29+$0x80] =	vst v60  }
0x89: {  	v49 =	vshll.u32 v39, v2;
	v46 =	vadd.s32 v4, v19;
	v21 =	vbroadcast v21, $0x0;
	v39 =	vld.idx.msk [tilespmem:v56+s14+$0x0], $0xffff;
	[tilespmem:s29+$0xA0] =	vst v47  }
0x8a: {  	v50 =	vshll.u32 v50, v2;
	s31 =	sadd.s32 $0x10, s31;
	s1 =	sadd.s32 $0xF, s30;
	v22 =	vbroadcast v22, $0x0;
	v47 =	vadd.s32 v6, v20;
	v41 =	vld.idx.msk [tilespmem:v54+s14+$0x0], $0xffff;
	[tilespmem:s29+$0xC0] =	vst v61  }
0x8b: {  	[tilespmem:s29+$0xFFFFFF00] =	vst v18  }
0x8c: {  	[tilespmem:s29+$0xFFFFFF30] =	vst v28  }
0x8d: {  	[tilespmem:s29+$0xFFFFFF50] =	vst v29  }
0x8e: {  	[tilespmem:s29+$0xFFFFFF70] =	vst v30  }
0x8f: {  	[tilespmem:s29+$0xFFFFFF90] =	vst v33  }
0x90: {  	[tilespmem:s29+$0xFFFFFFB0] =	vst v34  }
0x91: {  	v18 =	vmov s1;
	[tilespmem:s29+$0xFFFFFFD0] =	vst v35  }
0x92: {  	[tilespmem:s29+$0xFFFFFFF0] =	vst v38;
	v18 =	vshrl.u32 v18, $0x3  }
0x93: {  	[tilespmem:s29+$0x10] =	vst v42;
	v56 =	vadd.s32 v8, v21;
	v18 =	vshll.u32 v18, v2  }
0x94: {  	[tilespmem:s29+$0x30] =	vst v43;
	v61 =	vld.idx.msk [tilespmem:v46+s14+$0x0], $0xffff;
	v58 =	vadd.s32 v10, v22;
	v18 =	vbroadcast v18, $0x0  }
0x95: {  	v24 =	vbroadcast v24, $0x0;
	v57 =	vld.idx.msk [tilespmem:v48+s14+$0x0], $0xffff;
	v19 =	vadd.s32 v5, v19;
	[tilespmem:s29+$0x50] =	vst v44  }
0x96: {  	v42 =	vbroadcast v50, $0x0;
	v36 =	vshll.u32 v36, v2;
	v63 =	vld.idx.msk [tilespmem:v47+s14+$0x0], $0xffff;
	[tilespmem:s29+$0x70] =	vst v40;
	v55 =	vadd.s32 v16, v18  }
0x97: {  	v32 =	vshll.u32 v32, v2;
	v59 =	vld.idx.msk [tilespmem:v45+s14+$0x0], $0xffff;
	v36 =	vbroadcast v36, $0x0;
	v60 =	vadd.s32 v12, v24;
	[tilespmem:s29+$0x90] =	vst v39  }
0x98: {  	s10 =	sadd.s32 $0xE, s30;
	s30 =	sadd.s32 $0x200, s29;
	v32 =	vbroadcast v32, $0x0;
	v48 =	vadd.s32 v16, v42;
	[tilespmem:s29+$0xB0] =	vst v41;
	v29 =	vld.idx.msk [tilespmem:v56+s14+$0x0], $0xffff  }
0x99: {  	v34 =	vbroadcast v49, $0x0;
	v50 =	vadd.s32 v0, v36;
	[tilespmem:s30+$0xFFFFFF20] =	vst v61;
	v49 =	vld.idx.msk [tilespmem:v58+s14+$0x0], $0xffff  }
0x9a: {  	v31 =	vshll.u32 v31, v2;
	v53 =	vadd.s32 v6, v32;
	[tilespmem:s29+$0xD0] =	vst v57;
	v19 =	vld.idx.msk [tilespmem:v19+s14+$0x0], $0xffff  }
0x9b: {  	v27 =	vshll.u32 v27, v2;
	v31 =	vbroadcast v31, $0x0;
	v62 =	vadd.s32 v14, v34;
	[tilespmem:s30+$0xFFFFFF40] =	vst v63;
	v28 =	vld.idx.msk [tilespmem:v55+s14+$0x0], $0xffff  }
0x9c: {  	v25 =	vshll.u32 v25, v2;
	v27 =	vbroadcast v27, $0x0;
	v18 =	vadd.s32 v17, v18;
	[tilespmem:s29+$0xFFFFFF10] =	vst v59;
	v52 =	vld.idx.msk [tilespmem:v60+s14+$0x0], $0xffff  }
0x9d: {  	v25 =	vbroadcast v25, $0x0;
	v51 =	vadd.s32 v4, v31;
	v58 =	vld.idx.msk [tilespmem:v48+s14+$0x0], $0xffff;
	[tilespmem:s30+$0xFFFFFF60] =	vst v29  }
0x9e: {  	v26 =	vshll.u32 v26, v2;
	v57 =	vadd.s32 v8, v27;
	v60 =	vld.idx.msk [tilespmem:v50+s14+$0x0], $0xffff;
	[tilespmem:s30+$0xFFFFFF80] =	vst v49  }
0x9f: {  	v54 =	vmov s10;
	v26 =	vbroadcast v26, $0x0;
	v61 =	vadd.s32 v12, v25;
	v45 =	vld.idx.msk [tilespmem:v53+s14+$0x0], $0xffff;
	[tilespmem:s30+$0xFFFFFF30] =	vst v19  }
0xa0: {  	v56 =	vshrl.u32 v54, $0x3;
	v55 =	vld.idx.msk [tilespmem:v62+s14+$0x0], $0xffff;
	[tilespmem:s30+$0xE0] =	vst v28  }
0xa1: {  	v43 =	vshll.u32 v56, v2;
	v59 =	vadd.s32 v10, v26;
	[tilespmem:s30+$0xFFFFFFA0] =	vst v52;
	v18 =	vld.idx.msk [tilespmem:v18+s14+$0x0], $0xffff  }
0xa2: {  	v43 =	vbroadcast v43, $0x0;
	v48 =	vadd.s32 v9, v21;
	v62 =	vld.idx.msk [tilespmem:v51+s14+$0x0], $0xffff;
	[tilespmem:s30+$0xFFFFFFE0] =	vst v58  }
0xa3: {  	v24 =	vadd.s32 v13, v24;
	v46 =	vld.idx.msk [tilespmem:v57+s14+$0x0], $0xffff;
	[tilespmem:s30+$0x0] =	vst v60  }
0xa4: {  	v63 =	vadd.s32 v14, v43;
	v33 =	vld.idx.msk [tilespmem:v61+s14+$0x0], $0xffff;
	[tilespmem:s30+$0x40] =	vst v45  }
0xa5: {  	v51 =	vld.idx.msk [tilespmem:v37+s14+$0x0], $0xffff;
	v49 =	vadd.s32 v11, v22;
	[tilespmem:s30+$0xFFFFFFC0] =	vst v55  }
0xa6: {  	v47 =	vld.idx.msk [tilespmem:v59+s14+$0x0], $0xffff;
	[tilespmem:s30+$0xF0] =	vst v18;
	v18 =	vadd.s32 v7, v20  }
0xa7: {  	v34 =	vadd.s32 v15, v34;
	v53 =	vld.idx.msk [tilespmem:v48+s14+$0x0], $0xffff;
	[tilespmem:s30+$0x20] =	vst v62  }
0xa8: {  	v31 =	vadd.s32 v5, v31;
	v24 =	vld.idx.msk [tilespmem:v24+s14+$0x0], $0xffff;
	[tilespmem:s30+$0x60] =	vst v46  }
0xa9: {  	v27 =	vadd.s32 v9, v27;
	v50 =	vld.idx.msk [tilespmem:v63+s14+$0x0], $0xffff;
	[tilespmem:s30+$0xA0] =	vst v33  }
0xaa: {  	v52 =	vadd.s32 v17, v42;
	[tilespmem:s30+$0xFFFFFF00] =	vst v51;
	v22 =	vld.idx.msk [tilespmem:v49+s14+$0x0], $0xffff  }
0xab: {  	v54 =	vadd.s32 v3, v36;
	[tilespmem:s30+$0x80] =	vst v47;
	v18 =	vld.idx.msk [tilespmem:v18+s14+$0x0], $0xffff  }
0xac: {  	v26 =	vadd.s32 v11, v26;
	v56 =	vld.idx.msk [tilespmem:v34+s14+$0x0], $0xffff;
	[tilespmem:s30+$0xFFFFFF70] =	vst v53  }
0xad: {  	v60 =	vadd.s32 v3, v23;
	v58 =	vld.idx.msk [tilespmem:v31+s14+$0x0], $0xffff;
	[tilespmem:s30+$0xFFFFFFB0] =	vst v24  }
0xae: {  	v55 =	vadd.s32 v7, v32;
	v62 =	vld.idx.msk [tilespmem:v27+s14+$0x0], $0xffff;
	[tilespmem:s30+$0xC0] =	vst v50  }
0xaf: {  	v57 =	vadd.s32 v13, v25;
	v19 =	vld.idx.msk [tilespmem:v52+s14+$0x0], $0xffff;
	[tilespmem:s30+$0xFFFFFF90] =	vst v22  }
0xb0: {  	v59 =	vadd.s32 v15, v43;
	[tilespmem:s30+$0xFFFFFF50] =	vst v18;
	v18 =	vld.idx.msk [tilespmem:v54+s14+$0x0], $0xffff  }
0xb1: {  	v26 =	vld.idx.msk [tilespmem:v26+s14+$0x0], $0xffff;
	[tilespmem:s30+$0xFFFFFFD0] =	vst v56  }
0xb2: {  	v63 =	vld.idx.msk [tilespmem:v60+s14+$0x0], $0xffff;
	[tilespmem:s30+$0x30] =	vst v58  }
0xb3: {  	v61 =	vld.idx.msk [tilespmem:v55+s14+$0x0], $0xffff;
	[tilespmem:s30+$0x70] =	vst v62  }
0xb4: {  	[tilespmem:s30+$0xFFFFFFF0] =	vst v19;
	v19 =	vld.idx.msk [tilespmem:v57+s14+$0x0], $0xffff  }
0xb5: {  	[tilespmem:s30+$0x10] =	vst v18;
	v18 =	vld.idx.msk [tilespmem:v59+s14+$0x0], $0xffff  }
0xb6: {  	[tilespmem:s30+$0x90] =	vst v26  }
0xb7: {  	[tilespmem:s30+$0xFFFFFF10] =	vst v63  }
0xb8: {  	s31 =	smul.u32 $0x1400, s28;
	[tilespmem:s30+$0x50] =	vst v61  }
0xb9: {  	[tilespmem:s30+$0xB0] =	vst v19  }
0xba: {  	s1 =	sshra.s32 s31, $0x2;
	[tilespmem:s30+$0xD0] =	vst v18  }
0xbb: {  	[spmem:s3] =	stream.indirect.scatter.add.f32 [tilespmem:s16], [sflag:$0x1], $0x20, s1, s15, $0xb8;
	[tilespmem:$0x1E640] =	vst v63  }
0xbc: {  	s28 =	sor.u32 $0x80, s1  }
0xbd: {  	[spmem:s3] =	stream.indirect.scatter.add.f32 [tilespmem:s17], [sflag:$0x1], $0x20, s28, s15, $0xb8;
	[tilespmem:$0x1E640] =	vst v63  }
0xbe: {  	s28 =	sadd.s32 $0x100, s1  }
0xbf: {  	[spmem:s3] =	stream.indirect.scatter.add.f32 [tilespmem:s18], [sflag:$0x1], $0x20, s28, s15, $0xb8;
	[tilespmem:$0x1E640] =	vst v63  }
0xc0: {  	s28 =	sadd.s32 $0x180, s1  }
0xc1: {  	[spmem:s3] =	stream.indirect.scatter.add.f32 [tilespmem:s19], [sflag:$0x1], $0x20, s28, s15, $0xb8;
	[tilespmem:$0x1E640] =	vst v63  }
0xc2: {  	s28 =	sadd.s32 $0x200, s1  }
0xc3: {  	[spmem:s3] =	stream.indirect.scatter.add.f32 [tilespmem:s20], [sflag:$0x1], $0x20, s28, s15, $0xb8;
	[tilespmem:$0x1E640] =	vst v63  }
0xc4: {  	s28 =	sadd.s32 $0x280, s1  }
0xc5: {  	[spmem:s3] =	stream.indirect.scatter.add.f32 [tilespmem:s21], [sflag:$0x1], $0x20, s28, s15, $0xb8;
	[tilespmem:$0x1E640] =	vst v63  }
0xc6: {  	s28 =	sadd.s32 $0x300, s1  }
0xc7: {  	[spmem:s3] =	stream.indirect.scatter.add.f32 [tilespmem:s22], [sflag:$0x1], $0x20, s28, s15, $0xb8;
	[tilespmem:$0x1E640] =	vst v63  }
0xc8: {  	s28 =	sadd.s32 $0x380, s1  }
0xc9: {  	[spmem:s3] =	stream.indirect.scatter.add.f32 [tilespmem:s23], [sflag:$0x1], $0x20, s28, s15, $0xb8;
	[tilespmem:$0x1E640] =	vst v63  }
0xca: {  	s28 =	sadd.s32 $0x400, s1  }
0xcb: {  	[spmem:s3] =	stream.indirect.scatter.add.f32 [tilespmem:s24], [sflag:$0x1], $0x20, s28, s15, $0xb8;
	[tilespmem:$0x1E640] =	vst v63  }
0xcc: {  	s1 =	sadd.s32 $0x480, s1;
	s28 =	simm.s32 $0x1  }
0xcd: {  	[spmem:s3] =	stream.indirect.scatter.add.f32 [tilespmem:s25], [sflag:$0x1], $0x20, s1, s15, $0xb8;
	[tilespmem:$0x1E640] =	vst v63  }
0xce: {  	_ =	swait.ge [sflag:s28], $0x1000  }
0xcf: {  	[sflag:s28] =	ssyncset.done $0x0  }
0xd0: {  	[sflag:s28] =	ssyncadd.s32 $0xFFFFF000  }
0xd1: {  	_ =	swait.ge [sflag:s28], $0x1000  }
0xd2: {  	[sflag:s28] =	ssyncset.done $0x0  }
0xd3: {  	[sflag:s28] =	ssyncadd.s32 $0xFFFFF000  }
0xd4: {  	_ =	swait.ge [sflag:s28], $0x1000  }
0xd5: {  	[sflag:s28] =	ssyncset.done $0x0  }
0xd6: {  	[sflag:s28] =	ssyncadd.s32 $0xFFFFF000  }
0xd7: {  	_ =	swait.ge [sflag:s28], $0x1000  }
0xd8: {  	[sflag:s28] =	ssyncset.done $0x0  }
0xd9: {  	[sflag:s28] =	ssyncadd.s32 $0xFFFFF000  }
0xda: {  	_ =	swait.ge [sflag:s28], $0x1000  }
0xdb: {  	[sflag:s28] =	ssyncset.done $0x0  }
0xdc: {  	[sflag:s28] =	ssyncadd.s32 $0xFFFFF000  }
0xdd: {  	_ =	swait.ge [sflag:s28], $0x1000  }
0xde: {  	[sflag:s28] =	ssyncset.done $0x0  }
0xdf: {  	[sflag:s28] =	ssyncadd.s32 $0xFFFFF000  }
0xe0: {  	_ =	swait.ge [sflag:s28], $0x1000  }
0xe1: {  	[sflag:s28] =	ssyncset.done $0x0  }
0xe2: {  	[sflag:s28] =	ssyncadd.s32 $0xFFFFF000  }
0xe3: {  	_ =	swait.ge [sflag:s28], $0x1000  }
0xe4: {  	[sflag:s28] =	ssyncset.done $0x0  }
0xe5: {  	[sflag:s28] =	ssyncadd.s32 $0xFFFFF000  }
0xe6: {  	_ =	swait.ge [sflag:s28], $0x1000  }
.Ltmp2:
0xe7: {  	[sflag:s28] =	ssyncset.done $0x0;
	(pc) =	sbr.rel @p0 .LBB2_4-.Ltmp2, $4  }
0xe8: {  	[sflag:s28] =	ssyncadd.s32 $0xFFFFF000  }
0xe9: {  	_ =	swait.ge [sflag:s28], $0x1000  }
0xea: {  	[sflag:s28] =	ssyncset.done $0x0  }
0xeb: {  	p1 =	por $0x0, $0x0;
	[sflag:s28] =	ssyncadd.s32 $0xFFFFF000  }
0xec: {  	s4 =	sadd.s32 $0x1, s4  }
0xed: {  	s1 =	sshll.u32 s0, $0x6;
	[bflag:$0x0] =	sbarrier.arrive $0xFFFF;
	p0 =	sne.s32 s4, s9  }
.Ltmp3:
0xee: {  	s10 =	sshrl.u32 s6, $0x3;
	s1 =	sor.u32 $0x1C02, s1;
	(pc) =	sbr.rel @p0 .LBB2_1-.Ltmp3, $4  }
0xef: {  	[hbm:s8], [sflag:s1] =	dma.local [spmem:s10], $0x9C4  }
0xf0: {  	_ =	swait.ge [sflag:s11], $0x9C4  }
0xf1: {  	[sflag:s11] =	ssyncset.done $0x0  }
0xf2: {  	[sflag:s11] =	ssyncadd.s32 $0xFFFFF63C  }
0xf3: {  	_ =	sfence.sel $0x180000  }
0xf4: {  	[bflag:$0x0] =	sbarrier.arrive $0xFFFF  }
0xf5: {  	_ =	strace $0x9000004D  }
0xf6: {  	[bflag:$0x2] =	sbarrier.arrive $0xFFFF  }
0xf7: {  	p0 =	sne.s32 s0, $0x0;
	s0 =	rddreg [dreg:$0x2]  }
0xf8: {  	s0 =	sadd.s32 @!p0 $0x100000, s0  }
0xf9: {  	[sflag:s0] =	ssyncadd.tile.s32 @!p0 $0x1;
	_ =	shalt  }
.Lfunc_end2:
_tile_overlayer_lowered:
.L_overlay_start_2:
0xfa: {  	(tag) =	ssettag $0x2  }
0xfb: {  	s0 =	rddreg [dreg:$0x0];
	s2 =	stileid.u32  }
0xfc: {  	s1 =	rddreg [dreg:$0x1];
	p0 =	sne.s32 s2, $0x0  }
0xfd: {  	s3 =	rddreg [dreg:$0x2];
	[bflag:$0x3] =	sbarrier.arrive $0xFFFF;
	s2 =	simm.s32 @!p0 $0x1C02  }
0xfe: {  	[timem:s3], [sflag:s2] =	dma.local @!p0 [hbm:s0], s1  }
0xff: {  	s0 =	simm.s32 @!p0 $0x2  }
0x100: {  	_ =	swait.ge @!p0 [sflag:s0], s1  }
0x101: {  	s1 =	ssub.s32 @!p0 $0x0, s1;
	[sflag:s0] =	ssyncset.done @!p0 $0x0  }
0x102: {  	[sflag:s0] =	ssyncadd.s32 @!p0 s1  }
0x103: {  	[bflag:$0x3] =	sbarrier.arrive $0xFFFF  }
0x104: {  	_ =	shalt  }

// kernel: kernel.19.cloned.1.call-start
scs
__scs_entry_jumppad:
0x0: {  	(pc) =	sbr.rel $0x88, $3  }
0x1: {  	(tag) =	ssettag $0x0;
	lr =	simm.s32 $0x1  }
0x2: {  	[smem:$0x3F8D] =	sst lr;
	_ =	strace $0xD0000000  }
0x3: {  	_ = 	snop  }
0x4: {  	_ = 	snop  }
0x5: {  	_ = 	snop  }
0x6: {  	_ = 	snop  }
0x7: {  	_ = 	snop  }
__scs_overlays_trampoline_lowered:
0x8: {  	[smem:$0x3F9C] =	sst s0  }
0x9: {  	[smem:$0x3F9D] =	sst s1  }
0xa: {  	[smem:$0x3F9E] =	sst s2  }
0xb: {  	[smem:$0x3F9F] =	sst s3  }
0xc: {  	[smem:$0x3FA0] =	sst s4  }
0xd: {  	[smem:$0x3FA1] =	sst s5  }
0xe: {  	[smem:$0x3FA2] =	sst s6  }
0xf: {  	[smem:$0x3FA3] =	sst s7  }
0x10: {  	[smem:$0x3FA4] =	sst s8  }
0x11: {  	[smem:$0x3FA5] =	sst s9;
	s0 =	simm.s32 @!p0 $0x0  }
0x12: {  	s1 =	sld [smem:$0x3F8B];
	s0 =	simm.s32 @p0 $0x1  }
0x13: {  	[smem:$0x3FA6] =	sst s0;
	s0 =	simm.s32 @!p1 $0x0  }
0x14: {  	s2 =	sld [smem:$0x3F8A];
	s0 =	simm.s32 @p1 $0x1  }
0x15: {  	[smem:$0x3FA7] =	sst s0;
	s0 =	simm.s32 @!p2 $0x0  }
0x16: {  	s3 =	sld [smem:$0x3FDB];
	s0 =	simm.s32 @p2 $0x1  }
0x17: {  	s4 =	simm.s32 $0x1BF5;
	[smem:$0x3FA9] =	sst s0  }
0x18: {  	s0 =	sld [smem:$0x3F8C];
	_ =	swait.ge [sflag:s4], $0x0  }
0x19: {  	s7 =	sld [smem:$0x3F8D]  }
0x1a: {  	s8 =	sadd.s32 $0xFFFFE003, lr  }
0x1b: {  	s9 =	sadd.s32 $0xFFFFFEF7, lr;
	s5 =	simm.s32 $0xFFFFFFFF;
	p2 =	slt.u32 s8, $0xFFFFF086  }
0x1c: {  	p1 =	slt.u32 s9, $0xF7A;
	s5 =	simm.s32 @!p2 $0x0  }
0x1d: {  	s5 =	simm.s32 @p1 $0x1;
	p0 =	seq.s32 s7, s2  }
0x1e: {  	s7 =	smul.u32 @!p0 $0xF7A, s2;
	p2 =	seq.s32 @!p0 s5, $0x0  }
0x1f: {  	s9 =	smul.u32 $0xF7A, s1;
	s8 =	simm.s32 @!p0 $0x1BF5;
	p2 =	por !p2, p0  }
0x20: {  	[sflag:s8] =	ssyncset.s32 @!p0 $0xFFFFF086;
	s6 =	sadd.s32 @!p0 s3, s7;
	s7 =	simm.s32 @!p0 $0x108  }
0x21: {  	s3 =	sadd.s32 s3, s9;
	s6 =	sadd.s32 @!p0 $0x88, s6;
	s7 =	simm.s32 @p2 $0x1082  }
0x22: {  	[simem:s7], [sflag:s8] =	dma.local @!p0 [hbm:s6], $0xF7A  }
0x23: {  	s9 =	sor.u32 $0xD0000000, s2;
	s6 =	simm.s32 $0x108;
	_ =	swait.ge @!p0 [sflag:s8], $0x0  }
0x24: {  	s3 =	sadd.s32 $0x88, s3;
	s6 =	simm.s32 @!p1 $0x1082;
	[sflag:s4] =	ssyncset.s32 $0xFFFFF086  }
0x25: {  	[simem:s6], [sflag:s4] =	dma.local [hbm:s3], $0xF7A  }
0x26: {  	[smem:$0x3F8D] =	sst s1;
	(tag) =	ssettag s2;
	_ =	strace s9  }
0x27: {  	s1 =	sld [smem:$0x3F9D]  }
0x28: {  	s2 =	sld [smem:$0x3F9E]  }
0x29: {  	s4 =	sld [smem:$0x3FA0]  }
0x2a: {  	p0 =	seq.s32 s5, $0x0;
	s5 =	sld [smem:$0x3FA1]  }
0x2b: {  	s6 =	sld [smem:$0x3FA2]  }
0x2c: {  	s7 =	sld [smem:$0x3FA3]  }
0x2d: {  	s3 =	simm.s32 $0x108;
	s8 =	sld [smem:$0x3FA4]  }
0x2e: {  	s3 =	simm.s32 @!p0 $0x1082;
	s9 =	sld [smem:$0x3FA5]  }
0x2f: {  	lr =	sadd.s32 s0, s3;
	s0 =	sld [smem:$0x3F9C]  }
0x30: {  	s3 =	sld [smem:$0x3F9F]  }
0x31: {  	[smem:$0x3FA8] =	sst s10  }
0x32: {  	s10 =	sld [smem:$0x3FA6];
	_ =	sdelay $0x3  }
0x33: {  	p0 =	seq.s32 s10, $0x1;
	s10 =	sld [smem:$0x3FA8];
	_ =	sdelay $0x3  }
0x34: {  	[smem:$0x3FA8] =	sst s10  }
0x35: {  	s10 =	sld [smem:$0x3FA7];
	_ =	sdelay $0x3  }
0x36: {  	p1 =	seq.s32 s10, $0x1;
	s10 =	sld [smem:$0x3FA8];
	_ =	sdelay $0x3  }
0x37: {  	[smem:$0x3FA8] =	sst s10  }
0x38: {  	s10 =	sld [smem:$0x3FA9]  }
0x39: {  	_ = 	snop;
	(pc) =	sbr.ind lr, $3  }
0x3a: {  	_ = 	snop  }
0x3b: {  	_ = 	snop  }
0x3c: {  	p2 =	seq.s32 s10, $0x1;
	s10 =	sld [smem:$0x3FA8]  }
0x3d: {  	_ =	shalt  }
0x3e: {  	_ =	shalt  }
0x3f: {  	_ =	shalt  }
0x40: {  	_ =	shalt  }
0x41: {  	_ =	shalt  }
0x42: {  	_ =	shalt  }
0x43: {  	_ =	shalt  }
0x44: {  	_ =	shalt  }
0x45: {  	_ =	shalt  }
0x46: {  	_ =	shalt  }
0x47: {  	_ =	shalt  }
0x48: {  	_ =	shalt  }
0x49: {  	_ =	shalt  }
0x4a: {  	_ =	shalt  }
0x4b: {  	_ =	shalt  }
0x4c: {  	_ =	shalt  }
0x4d: {  	_ =	shalt  }
0x4e: {  	_ =	shalt  }
0x4f: {  	_ =	shalt  }
0x50: {  	_ =	shalt  }
0x51: {  	_ =	shalt  }
0x52: {  	_ =	shalt  }
0x53: {  	_ =	shalt  }
0x54: {  	_ =	shalt  }
0x55: {  	_ =	shalt  }
0x56: {  	_ =	shalt  }
0x57: {  	_ =	shalt  }
0x58: {  	_ =	shalt  }
0x59: {  	_ =	shalt  }
0x5a: {  	_ =	shalt  }
0x5b: {  	_ =	shalt  }
0x5c: {  	_ =	shalt  }
0x5d: {  	_ =	shalt  }
0x5e: {  	_ =	shalt  }
0x5f: {  	_ =	shalt  }
0x60: {  	_ =	shalt  }
0x61: {  	_ =	shalt  }
0x62: {  	_ =	shalt  }
0x63: {  	_ =	shalt  }
0x64: {  	_ =	shalt  }
0x65: {  	_ =	shalt  }
0x66: {  	_ =	shalt  }
0x67: {  	_ =	shalt  }
0x68: {  	_ =	shalt  }
0x69: {  	_ =	shalt  }
0x6a: {  	_ =	shalt  }
0x6b: {  	_ =	shalt  }
0x6c: {  	_ =	shalt  }
0x6d: {  	_ =	shalt  }
0x6e: {  	_ =	shalt  }
0x6f: {  	_ =	shalt  }
0x70: {  	_ =	shalt  }
0x71: {  	_ =	shalt  }
0x72: {  	_ =	shalt  }
0x73: {  	_ =	shalt  }
0x74: {  	_ =	shalt  }
0x75: {  	_ =	shalt  }
0x76: {  	_ =	shalt  }
0x77: {  	_ =	shalt  }
0x78: {  	_ =	shalt  }
0x79: {  	_ =	shalt  }
0x7a: {  	_ =	shalt  }
0x7b: {  	_ =	shalt  }
0x7c: {  	_ =	shalt  }
0x7d: {  	_ =	shalt  }
0x7e: {  	_ =	shalt  }
0x7f: {  	_ =	shalt  }
0x80: {  	_ =	shalt  }
0x81: {  	_ =	shalt  }
0x82: {  	_ =	shalt  }
0x83: {  	_ =	shalt  }
0x84: {  	_ =	shalt  }
0x85: {  	_ =	shalt  }
0x86: {  	_ =	shalt  }
0x87: {  	_ =	shalt  }
.Lfunc_end0:
.L_simem_size_0:
called_computation.3_lowered:
.L_overlay_start_0:
0x88: {  	s2 =	sld [smem:$0x3FD9]  }
0x89: {  	s3 =	sld [smem:$0x3FFE];
	_ =	sdelay $0x1  }
0x8a: {  	s1 =	srdreg.scid  }
0x8b: {  	s0 =	sand.u32 $0x1, s1  }
0x8c: {  	s17 =	sshll.u32 s0, $0xA;
	s2 =	sadd.s32 s3, s2  }
0x8d: {  	s2 =	sadd.s32 s2, s17  }
0x8e: {  	[smem:$0x3FB4] =	sst s2  }
0x8f: {  	_ = 	snop  }
0x90: {  	(tm) =	ssettm $0x1  }
0x91: {  	s18 =	sld [smem:$0x3FFB];
	_ =	sdelay $0x3  }
0x92: {  	_ =	strace s18  }
0x93: {  	s2 =	sld [smem:$0x3FFC];
	_ =	sdelay $0x3  }
0x94: {  	_ =	strace s2  }
0x95: {  	s2 =	sld [smem:$0x3FFD];
	_ =	sdelay $0x3  }
0x96: {  	_ =	strace s2  }
0x97: {  	_ =	strace $0x8FFFFFFF  }
0x98: {  	s19 =	sld [smem:$0x3FDB];
	_ =	sdelay $0x1  }
0x99: {  	s20 =	simm.s32 $_scs_section_size  }
0x9a: {  	s4 =	simm.s32 $_size__tile_overlayer_lowered;
	s5 =	simm.s32 $_tile_overlayer_lowered  }
0x9b: {  	s6 =	simm.s32 $0x1BFF;
	s21 =	sshll.u32 s5, $0x1;
	s3 =	sadd.s32 s20, s19  }
0x9c: {  	s22 =	simm.s32 $0x0;
	s4 =	sshll.u32 s4, $0x1;
	s5 =	sadd.s32 s21, s3  }
0x9d: {  	[timem:s22], [sflag:s6] =	dma.local [hbm:s5], s4  }
0x9e: {  	_ =	swait.ge [sflag:s6], s4  }
0x9f: {  	s4 =	ssub.s32 $0x0, s4;
	[sflag:s6] =	ssyncset.done $0x0  }
0xa0: {  	[sflag:s6] =	ssyncadd.s32 s4;
	_ =	sdelay $0x1  }
0xa1: {  	s23 =	simm.s32 $0x1B8B  }
0xa2: {  	_ =	swait.ge [sflag:s23], $0x1  }
0xa3: {  	[sflag:s23] =	ssyncset.done $0x0  }
0xa4: {  	[sflag:s23] =	ssyncadd.s32 $0xFFFFFFFF  }
0xa5: {  	s4 =	sld [smem:$0x0]  }
0xa6: {  	s5 =	sand.u32 $0xFFFFFFFE, s1  }
0xa7: {  	p0 =	sne.s32 s1, s5  }
0xa8: {  	s5 =	sshll.u32 @p0 s5, $0xE  }
0xa9: {  	s5 =	sadd.s32 @p0 $0x11B8D, s5;
	s6 =	sshll.u32 @p0 s4, $0x11  }
0xaa: {  	s5 =	sor.u32 @p0 s6, s5  }
0xab: {  	[sflag:s5] =	ssyncadd.remote.s32 @p0 $0x1;
	_ =	sdelay $0x1  }
0xac: {  	s5 =	simm.s32 @p0 $0x1B8D  }
0xad: {  	_ =	swait.eq @p0 [sflag:s5], $0x1  }
0xae: {  	[sflag:s5] =	ssyncadd.s32 @p0 $0xFFFFFFFF  }
0xaf: {  	s6 =	sshll.u32 @!p0 s1, $0xE  }
0xb0: {  	s6 =	sor.u32 @!p0 $0x4000, s6;
	s5 =	simm.s32 @!p0 $0x1B8D  }
0xb1: {  	s4 =	sshll.u32 @!p0 s4, $0x11;
	s6 =	sadd.s32 @!p0 $0x11B8D, s6;
	_ =	swait.eq @!p0 [sflag:s5], $0x1  }
0xb2: {  	s4 =	sor.u32 @!p0 s4, s6;
	[sflag:s5] =	ssyncadd.s32 @!p0 $0xFFFFFFFF  }
0xb3: {  	s25 =	simm.s32 $0x1B8E;
	s24 =	sld [smem:$0x3FFE];
	[sflag:s4] =	ssyncadd.remote.s32 @!p0 $0x1  }
0xb4: {  	s26 =	simm.s32 $execute0_lowered;
	[smem:$0x3FD2] =	sst s25  }
0xb5: {  	s5 =	sshll.u32 s26, $0x1;
	_ =	strace $0x8000004F;
	[dreg:$0x1] =	wrdreg $0xFFFFFFFF  }
0xb6: {  	s28 =	simm.s32 $_size_execute0_lowered;
	s3 =	sadd.s32 s3, s5;
	[dreg:$0x0] =	wrdreg $0x0  }
0xb7: {  	s5 =	sshll.u32 s28, $0x1;
	[dreg:$0x2] =	wrdreg s3  }
0xb8: {  	[dreg:$0x3] =	wrdreg s5  }
0xb9: {  	[dreg:$0x4] =	wrdreg $0xC0  }
0xba: {  	_ =	task [dreg:s22], $0x5FFFF  }
0xbb: {  	[dreg:$0x1] =	wrdreg $0xFFFFFFFF  }
0xbc: {  	[dreg:$0x0] =	wrdreg $0x60  }
0xbd: {  	[dreg:$0x2] =	wrdreg s24  }
0xbe: {  	[dreg:$0x3] =	wrdreg $0x198200  }
0xbf: {  	[dreg:$0x4] =	wrdreg $0x9  }
0xc0: {  	_ =	task.clear_ibuf [dreg:s22], $0x5FFFF;
	_ =	strace $0x9000004F  }
0xc1: {  	s29 =	simm.s32 $0x9;
	_ =	strace $0x80000051  }
0xc2: {  	_ =	swait.ge [sflag:s29], $0x1  }
0xc3: {  	[sflag:s29] =	ssyncadd.s32 $0xFFFFFFFF  }
0xc4: {  	_ =	strace $0x90000051  }
0xc5: {  	_ =	sfence  }
0xc6: {  	s30 =	sld [smem:$0x0];
	_ =	sdelay $0x2  }
0xc7: {  	s31 =	sshll.u32 s1, $0xD;
	s1 =	sshrl.u32 s1, $0x2  }
0xc8: {  	s4 =	sand.u32 $0x4000, s31;
	s1 =	sadd.s32 s1, s30  }
0xc9: {  	s0 =	sor.u32 s4, s0;
	s1 =	sshll.u32 s1, $0x11  }
0xca: {  	s0 =	sor.u32 s1, s0  }
0xcb: {  	s0 =	sadd.s32 $0x8F2B, s0  }
0xcc: {  	[sflag:s0] =	ssyncadd.remote.s32 $0x1  }
0xcd: {  	_ =	sfence.sel $0xFFFF  }
0xce: {  	[dreg:$0x0] =	wrdreg $0xFFFFFFFF;
	(pc) =	sbr.abs _section_cstart, $3  }
0xcf: {  	[dreg:$0x1] =	wrdreg $0xFFFFFFFF  }
0xd0: {  	_ =	task.clear_ibuf [dreg:s22], $0x2FFFF;
	_ =	strace $0x9FFFFFFF  }
0xd1: {  	(tm) =	ssettm $0x7FFFFFFF  }
tec
execute0_lowered:
.L_overlay_start_1:
0x0: {  	(tag) =	ssettag $0x1  }
0x1: {  	s0 =	srdreg.scid;
	s6 =	rddreg [dreg:$0x0]  }
0x2: {  	s3 =	rddreg [dreg:$0x1];
	s4 =	simm.s32 $0x0;
	s11 =	simm.s32 $0x2  }
0x3: {  	s12 =	simm.s32 $0x500;
	s13 =	simm.s32 $0x14000;
	s14 =	simm.s32 $0xA00  }
0x4: {  	s15 =	simm.s32 $0x80;
	s16 =	simm.s32 $0xAA00;
	s17 =	simm.s32 $0xBA00  }
0x5: {  	s18 =	simm.s32 $0xCA00;
	s19 =	simm.s32 $0xDA00;
	s20 =	simm.s32 $0xEA00  }
0x6: {  	s21 =	simm.s32 $0xFA00;
	s22 =	simm.s32 $0x10A00;
	s23 =	simm.s32 $0x11A00  }
0x7: {  	v0 =	vlaneseq.u32;
	s24 =	simm.s32 $0x12A00;
	s1 =	sand.u32 $0x1, s0;
	s0 =	stileid.u32  }
0x8: {  	v2 =	vimm.s32 $0x0;
	vm0 =	vcmask $0x300;
	s25 =	simm.s32 $0x13A00;
	v0 =	vmul.u32 $0x500, v0;
	s2 =	sshll.u32 s1, $0x4;
	s7 =	smul.u32 $0x4E20, s0  }
0x9: {  	v1 =	vimm.f32 $0.0e+00;
	v2 =	vsel vm0, $0x3, v2;
	s5 =	smul.u32 $0x4E200, s1;
	s1 =	ssub.s32 $0x2, s1;
	s2 =	sor.u32 s0, s2  }
0xa: {  	[smem:$0x7FF] =	sst s4;
	s31 =	sshrl.u32 s1, $0x1;
	v3 =	vadd.s32 $0x5000, v0;
	v4 =	vor.u32 $0x1, v0;
	v5 =	vadd.s32 $0x5001, v0;
	s2 =	smul.u32 $0xA00, s2  }
0xb: {  	_ =	strace $0x80000050;
	v6 =	vor.u32 $0x2, v0;
	v7 =	vadd.s32 $0x5002, v0;
	v8 =	vor.u32 $0x3, v0;
	s5 =	sadd.s32 s7, s5;
	s1 =	ssub.s32 s1, s31  }
0xc: {  	v9 =	vadd.s32 $0x5003, v0;
	v10 =	vor.u32 $0x4, v0;
	v11 =	vadd.s32 $0x5004, v0;
	s9 =	sshrl.u32 s5, $0x3;
	s5 =	sadd.s32 $0xAF600, s6;
	s8 =	sshrl.u32 s2, $0x3  }
0xd: {  	v12 =	vor.u32 $0x5, v0;
	v13 =	vadd.s32 $0x5005, v0;
	v14 =	vor.u32 $0x6, v0;
	s9 =	sadd.s32 s9, s6;
	s8 =	sadd.s32 s8, s6;
	s6 =	sadd.s32 s7, s3  }
0xe: {  	v15 =	vadd.s32 $0x5006, v0;
	v16 =	vor.u32 $0x7, v0;
	v17 =	vadd.s32 $0x5007, v0;
	s7 =	sadd.s32 $0x2E00, s8;
	s8 =	sadd.s32 $0x20800, s9;
	s9 =	smax.u32 s1, $0x1  }
.LBB2_1:
0xf: {  	s26 =	simm.s32 $0x14A80  }
0x10: {  	[tilespmem:s26+$0xFFFFFF80] =	vst v1  }
0x11: {  	[tilespmem:s26+$0x70] =	vst v1  }
0x12: {  	[tilespmem:s26+$0x60] =	vst v1  }
0x13: {  	[tilespmem:s26+$0x50] =	vst v1  }
0x14: {  	[tilespmem:s26+$0x40] =	vst v1  }
0x15: {  	[tilespmem:s26+$0x30] =	vst v1  }
0x16: {  	[tilespmem:s26+$0x20] =	vst v1  }
0x17: {  	[tilespmem:s26+$0x10] =	vst v1  }
0x18: {  	[tilespmem:s26+$0x0] =	vst v1  }
0x19: {  	[tilespmem:s26+$0xFFFFFFF0] =	vst v1  }
0x1a: {  	[tilespmem:s26+$0xFFFFFFE0] =	vst v1  }
0x1b: {  	[tilespmem:s26+$0xFFFFFFD0] =	vst v1  }
0x1c: {  	[tilespmem:s26+$0xFFFFFFC0] =	vst v1  }
0x1d: {  	[tilespmem:s26+$0xFFFFFFB0] =	vst v1  }
0x1e: {  	s28 =	simm.s32 $0x0;
	[tilespmem:s26+$0xFFFFFFA0] =	vst v1  }
.LBB2_2:
0x1f: {  	s28 =	sadd.s32 $0x8, s28;
	[tilespmem:s26+$0xFFFFFF90] =	vst v1;
	s26 =	sadd.s32 $0x100, s26  }
0x20: {  	[tilespmem:s26+$0xFFFFFF80] =	vst v1;
	p0 =	slt.u32 s28, $0x268  }
0x21: {  	[tilespmem:s26+$0x70] =	vst v1  }
0x22: {  	[tilespmem:s26+$0x60] =	vst v1  }
0x23: {  	[tilespmem:s26+$0x50] =	vst v1  }
0x24: {  	[tilespmem:s26+$0x40] =	vst v1  }
0x25: {  	[tilespmem:s26+$0x30] =	vst v1  }
0x26: {  	[tilespmem:s26+$0x20] =	vst v1  }
0x27: {  	[tilespmem:s26+$0x10] =	vst v1  }
0x28: {  	[tilespmem:s26+$0x0] =	vst v1  }
0x29: {  	[tilespmem:s26+$0xFFFFFFF0] =	vst v1  }
.Ltmp0:
0x2a: {  	[tilespmem:s26+$0xFFFFFFE0] =	vst v1;
	(pc) =	sbr.rel @p0 .LBB2_2-.Ltmp0, $4  }
0x2b: {  	[tilespmem:s26+$0xFFFFFFD0] =	vst v1  }
0x2c: {  	[tilespmem:s26+$0xFFFFFFC0] =	vst v1  }
0x2d: {  	[tilespmem:s26+$0xFFFFFFB0] =	vst v1  }
0x2e: {  	[tilespmem:s26+$0xFFFFFFA0] =	vst v1  }
0x2f: {  	[tilespmem:s26+$0xFFFFFF90] =	vst v1  }
0x30: {  	[tilespmem:$0x19800] =	vst v1  }
0x31: {  	s1 =	simm.s32 $0x14A00;
	[tilespmem:$0x19810] =	vst v1  }
0x32: {  	[spmem:s6] =	stream.linear.scatter [tilespmem:s1], [sflag:$0x2], $0x4E20, $0x38;
	[tilespmem:$0x1E640] =	vst v63  }
0x33: {  	_ =	swait.ge [sflag:s11], $0x4E20  }
0x34: {  	[sflag:s11] =	ssyncset.done $0x0  }
0x35: {  	s26 =	simm.s32 $0x0;
	[sflag:s11] =	ssyncadd.s32 $0xFFFFB1E0  }
0x36: {  	[tilespmem:s26], [sflag:$0x2] =	stream.linear.gather [hbm4b:s7+s26], $0xA00, $0x38;
	[tilespmem:$0x1E640] =	vst v63  }
0x37: {  	_ =	swait.ge [sflag:s11], $0xA00  }
0x38: {  	[sflag:s11] =	ssyncset.done $0x0  }
0x39: {  	[sflag:s11] =	ssyncadd.s32 $0xFFFFF600  }
0x3a: {  	p1 =	por $0x1, $0x1;
	s28 =	simm.s32 $0x0;
	[bflag:$0x0] =	sbarrier.arrive $0xFFFF  }
.LBB2_4:
0x3b: {  	v18 =	vmov s26;
	s10 =	simm.s32 $0x1  }
0x3c: {  	s30 =	simm.s32 $0x2;
	s31 =	simm.s32 $0x3;
	v18 =	vshrl.u32 v18, $0x3;
	v19 =	vmov s10;
	s10 =	simm.s32 $0x4  }
0x3d: {  	v20 =	vmov s30;
	v21 =	vmov s31;
	s30 =	simm.s32 $0x5;
	s31 =	simm.s32 $0x6;
	v22 =	vmov s10  }
0x3e: {  	v23 =	vmov s30;
	v24 =	vmov s31;
	v18 =	vshll.u32 v18, v2  }
0x3f: {  	s10 =	simm.s32 $0x7;
	s30 =	simm.s32 $0x8;
	s31 =	simm.s32 $0x9;
	v19 =	vshrl.u32 v19, $0x3;
	v20 =	vshrl.u32 v20, $0x3;
	v21 =	vshrl.u32 v21, $0x3  }
0x40: {  	v25 =	vmov s10;
	v26 =	vmov s30;
	v27 =	vmov s31  }
0x41: {  	v22 =	vshrl.u32 v22, $0x3;
	v23 =	vshrl.u32 v23, $0x3;
	v24 =	vshrl.u32 v24, $0x3  }
0x42: {  	s10 =	simm.s32 $0xA;
	s30 =	simm.s32 $0xB;
	v19 =	vshll.u32 v19, v2;
	v32 =	vshll.u32 v20, v2;
	v20 =	vbroadcast v18, $0x0  }
0x43: {  	s31 =	simm.s32 $0xC;
	v18 =	vshll.u32 v21, v2;
	v28 =	vmov s10;
	v29 =	vmov s30  }
0x44: {  	s1 =	smul.u32 $0x500, s28;
	v30 =	vmov s31;
	v25 =	vshrl.u32 v25, $0x3;
	v26 =	vshrl.u32 v26, $0x3  }
0x45: {  	v27 =	vshrl.u32 v27, $0x3;
	v19 =	vbroadcast v19, $0x0;
	v21 =	vshll.u32 v22, v2  }
0x46: {  	s1 =	sadd.s32 s2, s1;
	s10 =	simm.s32 $0xD;
	v32 =	vbroadcast v32, $0x0;
	v23 =	vshll.u32 v23, v2;
	v34 =	vbroadcast v18, $0x0  }
0x47: {  	s1 =	sshrl.u32 s1, $0x3;
	v18 =	vshll.u32 v24, v2;
	v31 =	vmov s10;
	v28 =	vshrl.u32 v28, $0x3  }
0x48: {  	s1 =	sadd.s32 s5, s1;
	v29 =	vshrl.u32 v29, $0x3;
	v30 =	vshrl.u32 v30, $0x3;
	v22 =	vadd.s32 v0, v20  }
0x49: {  	[tilespmem:s14], [sflag:$0x2] =	stream.strided.gather [hbm4b:s1+s12], $0xA000, s13, s12, $0x38;
	v21 =	vbroadcast v21, $0x0;
	v25 =	vshll.u32 v25, v2;
	v33 =	vadd.s32 v4, v19;
	[tilespmem:$0x1E640] =	vst v63  }
0x4a: {  	v23 =	vbroadcast v23, $0x0;
	v38 =	vbroadcast v18, $0x0;
	_ =	swait.ge [sflag:s11], $0xA000;
	v24 =	vadd.s32 v6, v32  }
0x4b: {  	s10 =	simm.s32 $0xF;
	v26 =	vshll.u32 v26, v2;
	v27 =	vshll.u32 v27, v2;
	v35 =	vadd.s32 v8, v34;
	[sflag:s11] =	ssyncset.done $0x0  }
0x4c: {  	v36 =	vmov s10;
	v25 =	vbroadcast v25, $0x0;
	v37 =	vadd.s32 v10, v21;
	[sflag:s11] =	ssyncadd.s32 $0xFFFF6000  }
0x4d: {  	v26 =	vbroadcast v26, $0x0;
	v27 =	vbroadcast v27, $0x0;
	v39 =	vadd.s32 v14, v38;
	v18 =	vld.idx.msk [tilespmem:v22+s14+$0x0], $0xffff  }
0x4e: {  	v28 =	vshll.u32 v28, v2;
	v36 =	vshrl.u32 v36, $0x3;
	v40 =	vadd.s32 v16, v25;
	v33 =	vld.idx.msk [tilespmem:v33+s14+$0x0], $0xffff  }
0x4f: {  	v43 =	vbroadcast v28, $0x0;
	v28 =	vshll.u32 v29, v2;
	v42 =	vadd.s32 v0, v26;
	v24 =	vld.idx.msk [tilespmem:v24+s14+$0x0], $0xffff  }
0x50: {  	v36 =	vshll.u32 v36, v2;
	v29 =	vadd.s32 v4, v27;
	v44 =	vbroadcast v28, $0x0;
	v35 =	vld.idx.msk [tilespmem:v35+s14+$0x0], $0xffff  }
0x51: {  	v28 =	vshll.u32 v30, v2;
	v36 =	vbroadcast v36, $0x0;
	v30 =	vadd.s32 v6, v43;
	v37 =	vld.idx.msk [tilespmem:v37+s14+$0x0], $0xffff  }
0x52: {  	v31 =	vshrl.u32 v31, $0x3;
	v22 =	vadd.s32 v12, v23;
	v39 =	vld.idx.msk [tilespmem:v39+s14+$0x0], $0xffff  }
0x53: {  	s31 =	simm.s32 $0x13;
	v45 =	vbroadcast v28, $0x0;
	v28 =	vshll.u32 v31, v2;
	v41 =	vadd.s32 v16, v36;
	v40 =	vld.idx.msk [tilespmem:v40+s14+$0x0], $0xffff  }
0x54: {  	v50 =	vmov s31;
	s31 =	simm.s32 $0x15;
	v46 =	vadd.s32 v8, v44;
	v47 =	vbroadcast v28, $0x0;
	v42 =	vld.idx.msk [tilespmem:v42+s14+$0x0], $0xffff  }
0x55: {  	v53 =	vmov s31;
	v19 =	vadd.s32 v5, v19;
	v28 =	vadd.s32 v10, v45;
	v54 =	vld.idx.msk [tilespmem:v29+s14+$0x0], $0xffff  }
0x56: {  	s10 =	simm.s32 $0x11;
	s31 =	simm.s32 $0x17;
	v34 =	vadd.s32 v9, v34;
	v50 =	vshrl.u32 v50, $0x3;
	v51 =	vadd.s32 v12, v47;
	v56 =	vld.idx.msk [tilespmem:v30+s14+$0x0], $0xffff  }
0x57: {  	v48 =	vmov s10;
	s10 =	simm.s32 $0x12;
	v55 =	vmov s31;
	s31 =	simm.s32 $0xE;
	v21 =	vadd.s32 v11, v21;
	v22 =	vld.idx.msk [tilespmem:v22+s14+$0x0], $0xffff  }
0x58: {  	s29 =	simm.s32 $0xAB00;
	s30 =	simm.s32 $0x10;
	v49 =	vmov s10;
	s10 =	simm.s32 $0x14;
	v60 =	vmov s31;
	v25 =	vadd.s32 v17, v25;
	v41 =	vld.idx.msk [tilespmem:v41+s14+$0x0], $0xffff  }
0x59: {  	s31 =	simm.s32 $0x1D;
	v31 =	vmov s30;
	v52 =	vmov s10;
	v29 =	vadd.s32 v17, v36;
	v46 =	vld.idx.msk [tilespmem:v46+s14+$0x0], $0xffff;
	[tilespmem:s29+$0xFFFFFF20] =	vst v33  }
0x5a: {  	v63 =	vmov s31;
	v30 =	vadd.s32 v7, v32;
	v59 =	vld.idx.msk [tilespmem:v28+s14+$0x0], $0xffff;
	v28 =	vshrl.u32 v60, $0x3;
	[tilespmem:s29+$0xFFFFFF40] =	vst v24  }
0x5b: {  	s10 =	simm.s32 $0x16;
	v49 =	vshrl.u32 v49, $0x3;
	v31 =	vshrl.u32 v31, $0x3;
	v51 =	vld.idx.msk [tilespmem:v51+s14+$0x0], $0xffff;
	v28 =	vshll.u32 v28, v2;
	[tilespmem:s29+$0xFFFFFF80] =	vst v37  }
0x5c: {  	v23 =	vadd.s32 v13, v23;
	v36 =	vmov s10;
	s10 =	simm.s32 $0x18;
	[tilespmem:s29+$0xFFFFFFC0] =	vst v39;
	v60 =	vbroadcast v28, $0x0;
	v28 =	vld.idx.msk [tilespmem:v19+s14+$0x0], $0xffff  }
0x5d: {  	v57 =	vmov s10;
	v37 =	vshrl.u32 v52, $0x3;
	v39 =	vadd.s32 v5, v27;
	v33 =	vld.idx.msk [tilespmem:v21+s14+$0x0], $0xffff;
	[tilespmem:s29+$0xE0] =	vst v41  }
0x5e: {  	s10 =	simm.s32 $0x19;
	[tilespmem:s29+$0xFFFFFF60] =	vst v35;
	v52 =	vshrl.u32 v53, $0x3;
	v53 =	vshrl.u32 v55, $0x3;
	v55 =	vadd.s32 v7, v43;
	v61 =	vld.idx.msk [tilespmem:v29+s14+$0x0], $0xffff  }
0x5f: {  	v49 =	vshll.u32 v49, v2;
	v58 =	vmov s10;
	s10 =	simm.s32 $0x1A;
	v19 =	vadd.s32 v15, v38;
	[tilespmem:s29+$0xFFFFFFE0] =	vst v40;
	v29 =	vld.idx.msk [tilespmem:v30+s14+$0x0], $0xffff  }
0x60: {  	v32 =	vmov s10;
	v38 =	vshrl.u32 v48, $0x3;
	v48 =	vadd.s32 v14, v60;
	[tilespmem:s29+$0xFFFFFFA0] =	vst v22;
	v30 =	vld.idx.msk [tilespmem:v34+s14+$0x0], $0xffff  }
0x61: {  	s10 =	simm.s32 $0x1B;
	v24 =	vshll.u32 v31, v2;
	v31 =	vshrl.u32 v58, $0x3;
	v32 =	vshrl.u32 v32, $0x3;
	[tilespmem:s29+$0x20] =	vst v54;
	v34 =	vld.idx.msk [tilespmem:v23+s14+$0x0], $0xffff  }
0x62: {  	v21 =	vadd.s32 v3, v26;
	v40 =	vadd.s32 v9, v44;
	[tilespmem:s29+$0x40] =	vst v56;
	v41 =	vmov s10;
	s10 =	simm.s32 $0x1C;
	v43 =	vld.idx.msk [tilespmem:v39+s14+$0x0], $0xffff  }
0x63: {  	v22 =	vshrl.u32 v36, $0x3;
	v36 =	vshrl.u32 v57, $0x3;
	v62 =	vmov s10;
	v44 =	vld.idx.msk [tilespmem:v55+s14+$0x0], $0xffff  }
0x64: {  	v27 =	vshrl.u32 v41, $0x3;
	v35 =	vld.idx.msk [tilespmem:v19+s14+$0x0], $0xffff;
	v26 =	vshrl.u32 v62, $0x3;
	v62 =	vadd.s32 v13, v47  }
0x65: {  	v23 =	vbroadcast v24, $0x0;
	v24 =	vshll.u32 v52, v2;
	v57 =	vld.idx.msk [tilespmem:v48+s14+$0x0], $0xffff;
	[tilespmem:s29+$0xF0] =	vst v61;
	v61 =	vadd.s32 v11, v45  }
0x66: {  	[tilespmem:s29+$0x0] =	vst v42;
	v19 =	vshll.u32 v38, v2;
	v38 =	vld.idx.msk [tilespmem:v25+s14+$0x0], $0xffff;
	v25 =	vshrl.u32 v63, $0x3;
	v48 =	vadd.s32 v15, v60  }
0x67: {  	[tilespmem:s29+$0x60] =	vst v46;
	v42 =	vld.idx.msk [tilespmem:v21+s14+$0x0], $0xffff;
	v21 =	vshll.u32 v50, v2;
	v19 =	vbroadcast v19, $0x0;
	v45 =	vadd.s32 v3, v20  }
0x68: {  	[tilespmem:s29+$0xA0] =	vst v51;
	v63 =	vshll.u32 v37, v2;
	v40 =	vld.idx.msk [tilespmem:v40+s14+$0x0], $0xffff;
	v37 =	vadd.s32 v0, v23;
	v20 =	vbroadcast v49, $0x0  }
0x69: {  	[tilespmem:s29+$0x80] =	vst v59;
	v50 =	vshll.u32 v53, v2;
	v21 =	vbroadcast v21, $0x0;
	v46 =	vadd.s32 v4, v19;
	v41 =	vld.idx.msk [tilespmem:v62+s14+$0x0], $0xffff  }
0x6a: {  	p0 =	por p1, p1;
	s1 =	simm.s32 $0x1F;
	s31 =	simm.s32 $0x20;
	v49 =	vshll.u32 v22, v2;
	v22 =	vbroadcast v63, $0x0;
	v47 =	vadd.s32 v6, v20;
	[tilespmem:s29+$0xC0] =	vst v57;
	v39 =	vld.idx.msk [tilespmem:v61+s14+$0x0], $0xffff  }
.LBB2_5:
0x6b: {  	p1 =	slt.u32 s31, $0x4F0;
	v51 =	vadd.s32 v8, v21;
	v52 =	vbroadcast v24, $0x0;
	v53 =	vmov s1;
	[tilespmem:s29+$0xFFFFFF00] =	vst v18;
	v48 =	vld.idx.msk [tilespmem:v48+s14+$0x0], $0xffff;
	v24 =	vmovc v23  }
0x6c: {  	v49 =	vbroadcast v49, $0x0;
	v23 =	vadd.s32 v10, v22;
	v53 =	vshrl.u32 v53, $0x3;
	v45 =	vld.idx.msk [tilespmem:v45+s14+$0x0], $0xffff;
	[tilespmem:s29+$0xFFFFFF30] =	vst v28  }
0x6d: {  	v18 =	vld.idx.msk [tilespmem:v37+s14+$0x0], $0xffff;
	v28 =	vadd.s32 v12, v52;
	v37 =	vbroadcast v50, $0x0;
	v50 =	vshll.u32 v53, v2;
	[tilespmem:s29+$0xFFFFFF50] =	vst v29  }
0x6e: {  	v36 =	vshll.u32 v36, v2;
	v29 =	vld.idx.msk [tilespmem:v46+s14+$0x0], $0xffff;
	v46 =	vadd.s32 v14, v49;
	v50 =	vbroadcast v50, $0x0;
	[tilespmem:s29+$0xFFFFFF70] =	vst v30  }
0x6f: {  	v31 =	vshll.u32 v31, v2;
	v36 =	vbroadcast v36, $0x0;
	v30 =	vld.idx.msk [tilespmem:v47+s14+$0x0], $0xffff;
	v47 =	vadd.s32 v16, v37;
	[tilespmem:s29+$0xFFFFFF90] =	vst v33  }
0x70: {  	v32 =	vshll.u32 v32, v2;
	v31 =	vbroadcast v31, $0x0;
	v33 =	vld.idx.msk [tilespmem:v51+s14+$0x0], $0xffff;
	v51 =	vadd.s32 v16, v50;
	[tilespmem:s29+$0xFFFFFFB0] =	vst v34  }
0x71: {  	v27 =	vshll.u32 v27, v2;
	v32 =	vbroadcast v32, $0x0;
	v34 =	vadd.s32 v0, v36;
	v23 =	vld.idx.msk [tilespmem:v23+s14+$0x0], $0xffff;
	[tilespmem:s29+$0xFFFFFFD0] =	vst v35  }
0x72: {  	v26 =	vshll.u32 v26, v2;
	v53 =	vbroadcast v27, $0x0;
	v35 =	vld.idx.msk [tilespmem:v28+s14+$0x0], $0xffff;
	v28 =	vadd.s32 v4, v31;
	[tilespmem:s29+$0xFFFFFFF0] =	vst v38  }
0x73: {  	v25 =	vshll.u32 v25, v2;
	v38 =	vadd.s32 v6, v32;
	v27 =	vld.idx.msk [tilespmem:v46+s14+$0x0], $0xffff;
	v46 =	vbroadcast v26, $0x0;
	[tilespmem:s29+$0x10] =	vst v42  }
0x74: {  	s1 =	sadd.s32 $0x1, s31;
	v54 =	vbroadcast v25, $0x0;
	v26 =	vmov s31;
	v42 =	vld.idx.msk [tilespmem:v47+s14+$0x0], $0xffff;
	v47 =	vadd.s32 v8, v53;
	[tilespmem:s29+$0x30] =	vst v43  }
0x75: {  	s10 =	sadd.s32 $0x3, s31;
	v25 =	vshrl.u32 v26, $0x3;
	v26 =	vmov s1;
	s1 =	sadd.s32 $0x2, s31;
	v43 =	vadd.s32 v10, v46;
	v51 =	vld.idx.msk [tilespmem:v51+s14+$0x0], $0xffff;
	[tilespmem:s29+$0x50] =	vst v44  }
0x76: {  	v55 =	vmov s10;
	s10 =	sadd.s32 $0x5, s31;
	v44 =	vmov s1;
	s1 =	sadd.s32 $0x4, s31;
	v56 =	vld.idx.msk [tilespmem:v34+s14+$0x0], $0xffff;
	v34 =	vadd.s32 v12, v54;
	[tilespmem:s29+$0x70] =	vst v40  }
0x77: {  	v57 =	vmov s10;
	s10 =	sadd.s32 $0x7, s31;
	v40 =	vmov s1;
	s1 =	sadd.s32 $0x6, s31;
	v58 =	vld.idx.msk [tilespmem:v28+s14+$0x0], $0xffff;
	v28 =	vadd.s32 v17, v50;
	[tilespmem:s29+$0x90] =	vst v39  }
0x78: {  	v19 =	vadd.s32 v5, v19;
	v39 =	vmov s1;
	v50 =	vmov s10;
	s1 =	sadd.s32 $0x8, s31;
	s10 =	sadd.s32 $0xE, s30;
	s30 =	smov.u32 s31;
	v59 =	vld.idx.msk [tilespmem:v38+s14+$0x0], $0xffff;
	[tilespmem:s29+$0xB0] =	vst v41  }
0x79: {  	v20 =	vadd.s32 v7, v20;
	v38 =	vmov s1;
	s1 =	sadd.s32 $0x9, s31;
	v41 =	vld.idx.msk [tilespmem:v47+s14+$0x0], $0xffff;
	v47 =	vmov s10;
	[tilespmem:s29+$0xD0] =	vst v48  }
0x7a: {  	v21 =	vadd.s32 v9, v21;
	v48 =	vmov s1;
	s1 =	sadd.s32 $0xA, s31;
	v60 =	vld.idx.msk [tilespmem:v43+s14+$0x0], $0xffff;
	v43 =	vshrl.u32 v47, $0x3;
	[tilespmem:s29+$0xFFFFFF10] =	vst v45;
	s29 =	sadd.s32 $0x200, s29  }
0x7b: {  	v22 =	vadd.s32 v11, v22;
	v45 =	vmov s1;
	s1 =	sadd.s32 $0xB, s31;
	v47 =	vld.idx.msk [tilespmem:v34+s14+$0x0], $0xffff;
	v34 =	vshll.u32 v43, v2;
	[tilespmem:s29+$0xE0] =	vst v51  }
0x7c: {  	s10 =	sadd.s32 $0xD, s31;
	v43 =	vmov s1;
	s1 =	sadd.s32 $0xC, s31;
	v51 =	vadd.s32 v13, v52;
	[tilespmem:s29+$0xFFFFFF20] =	vst v29;
	v52 =	vbroadcast v34, $0x0;
	v61 =	vld.idx.msk [tilespmem:v28+s14+$0x0], $0xffff  }
0x7d: {  	v63 =	vmov s10;
	v62 =	vmov s1;
	v28 =	vld.idx.msk [tilespmem:v19+s14+$0x0], $0xffff;
	[tilespmem:s29+$0xFFFFFF40] =	vst v30;
	v19 =	vadd.s32 v15, v49  }
0x7e: {  	v49 =	vshll.u32 v25, v2;
	v25 =	vshrl.u32 v26, $0x3;
	v29 =	vld.idx.msk [tilespmem:v20+s14+$0x0], $0xffff;
	[tilespmem:s29+$0xFFFFFF60] =	vst v33;
	v20 =	vadd.s32 v14, v52  }
0x7f: {  	v55 =	vshrl.u32 v55, $0x3;
	v44 =	vshrl.u32 v44, $0x3;
	v30 =	vld.idx.msk [tilespmem:v21+s14+$0x0], $0xffff;
	[tilespmem:s29+$0xFFFFFF80] =	vst v23;
	v21 =	vadd.s32 v17, v37  }
0x80: {  	v37 =	vshrl.u32 v40, $0x3;
	v40 =	vshrl.u32 v57, $0x3;
	v33 =	vld.idx.msk [tilespmem:v22+s14+$0x0], $0xffff;
	[tilespmem:s29+$0xFFFFFFA0] =	vst v35;
	v22 =	vadd.s32 v3, v36  }
0x81: {  	v39 =	vshrl.u32 v39, $0x3;
	v50 =	vshrl.u32 v50, $0x3;
	v34 =	vld.idx.msk [tilespmem:v51+s14+$0x0], $0xffff;
	[tilespmem:s29+$0xFFFFFFC0] =	vst v27;
	v51 =	vadd.s32 v5, v31  }
0x82: {  	v57 =	vadd.s32 v7, v32;
	v36 =	vshrl.u32 v38, $0x3;
	v31 =	vshrl.u32 v48, $0x3;
	v35 =	vld.idx.msk [tilespmem:v19+s14+$0x0], $0xffff;
	[tilespmem:s29+$0xF0] =	vst v61  }
0x83: {  	v53 =	vadd.s32 v9, v53;
	v32 =	vshrl.u32 v45, $0x3;
	v27 =	vshrl.u32 v43, $0x3;
	[tilespmem:s29+$0xFFFFFFE0] =	vst v42;
	v61 =	vld.idx.msk [tilespmem:v20+s14+$0x0], $0xffff  }
0x84: {  	v26 =	vshrl.u32 v62, $0x3;
	v19 =	vshll.u32 v25, v2;
	v38 =	vld.idx.msk [tilespmem:v21+s14+$0x0], $0xffff;
	[tilespmem:s29+$0x0] =	vst v56;
	v56 =	vadd.s32 v11, v46  }
0x85: {  	v54 =	vadd.s32 v13, v54;
	v25 =	vshrl.u32 v63, $0x3;
	v20 =	vshll.u32 v44, v2;
	v42 =	vld.idx.msk [tilespmem:v22+s14+$0x0], $0xffff;
	[tilespmem:s29+$0x20] =	vst v58  }
.Ltmp1:
0x86: {  	v23 =	vbroadcast v49, $0x0;
	v48 =	vadd.s32 v15, v52;
	v21 =	vshll.u32 v55, v2;
	v43 =	vld.idx.msk [tilespmem:v51+s14+$0x0], $0xffff;
	[tilespmem:s29+$0x40] =	vst v59;
	(pc) =	sbr.rel @p1 .LBB2_5-.Ltmp1, $4  }
0x87: {  	v45 =	vadd.s32 v3, v24;
	v19 =	vbroadcast v19, $0x0;
	v22 =	vshll.u32 v37, v2;
	v44 =	vld.idx.msk [tilespmem:v57+s14+$0x0], $0xffff;
	[tilespmem:s29+$0x60] =	vst v41  }
0x88: {  	v24 =	vshll.u32 v40, v2;
	v20 =	vbroadcast v20, $0x0;
	v37 =	vadd.s32 v0, v23;
	v40 =	vld.idx.msk [tilespmem:v53+s14+$0x0], $0xffff;
	[tilespmem:s29+$0x80] =	vst v60  }
0x89: {  	v49 =	vshll.u32 v39, v2;
	v46 =	vadd.s32 v4, v19;
	v21 =	vbroadcast v21, $0x0;
	v39 =	vld.idx.msk [tilespmem:v56+s14+$0x0], $0xffff;
	[tilespmem:s29+$0xA0] =	vst v47  }
0x8a: {  	v50 =	vshll.u32 v50, v2;
	s31 =	sadd.s32 $0x10, s31;
	s1 =	sadd.s32 $0xF, s30;
	v22 =	vbroadcast v22, $0x0;
	v47 =	vadd.s32 v6, v20;
	v41 =	vld.idx.msk [tilespmem:v54+s14+$0x0], $0xffff;
	[tilespmem:s29+$0xC0] =	vst v61  }
0x8b: {  	[tilespmem:s29+$0xFFFFFF00] =	vst v18  }
0x8c: {  	[tilespmem:s29+$0xFFFFFF30] =	vst v28  }
0x8d: {  	[tilespmem:s29+$0xFFFFFF50] =	vst v29  }
0x8e: {  	[tilespmem:s29+$0xFFFFFF70] =	vst v30  }
0x8f: {  	[tilespmem:s29+$0xFFFFFF90] =	vst v33  }
0x90: {  	[tilespmem:s29+$0xFFFFFFB0] =	vst v34  }
0x91: {  	v18 =	vmov s1;
	[tilespmem:s29+$0xFFFFFFD0] =	vst v35  }
0x92: {  	[tilespmem:s29+$0xFFFFFFF0] =	vst v38;
	v18 =	vshrl.u32 v18, $0x3  }
0x93: {  	[tilespmem:s29+$0x10] =	vst v42;
	v56 =	vadd.s32 v8, v21;
	v18 =	vshll.u32 v18, v2  }
0x94: {  	[tilespmem:s29+$0x30] =	vst v43;
	v61 =	vld.idx.msk [tilespmem:v46+s14+$0x0], $0xffff;
	v58 =	vadd.s32 v10, v22;
	v18 =	vbroadcast v18, $0x0  }
0x95: {  	v24 =	vbroadcast v24, $0x0;
	v57 =	vld.idx.msk [tilespmem:v48+s14+$0x0], $0xffff;
	v19 =	vadd.s32 v5, v19;
	[tilespmem:s29+$0x50] =	vst v44  }
0x96: {  	v42 =	vbroadcast v50, $0x0;
	v36 =	vshll.u32 v36, v2;
	v63 =	vld.idx.msk [tilespmem:v47+s14+$0x0], $0xffff;
	[tilespmem:s29+$0x70] =	vst v40;
	v55 =	vadd.s32 v16, v18  }
0x97: {  	v32 =	vshll.u32 v32, v2;
	v59 =	vld.idx.msk [tilespmem:v45+s14+$0x0], $0xffff;
	v36 =	vbroadcast v36, $0x0;
	v60 =	vadd.s32 v12, v24;
	[tilespmem:s29+$0x90] =	vst v39  }
0x98: {  	s10 =	sadd.s32 $0xE, s30;
	s30 =	sadd.s32 $0x200, s29;
	v32 =	vbroadcast v32, $0x0;
	v48 =	vadd.s32 v16, v42;
	[tilespmem:s29+$0xB0] =	vst v41;
	v29 =	vld.idx.msk [tilespmem:v56+s14+$0x0], $0xffff  }
0x99: {  	v34 =	vbroadcast v49, $0x0;
	v50 =	vadd.s32 v0, v36;
	[tilespmem:s30+$0xFFFFFF20] =	vst v61;
	v49 =	vld.idx.msk [tilespmem:v58+s14+$0x0], $0xffff  }
0x9a: {  	v31 =	vshll.u32 v31, v2;
	v53 =	vadd.s32 v6, v32;
	[tilespmem:s29+$0xD0] =	vst v57;
	v19 =	vld.idx.msk [tilespmem:v19+s14+$0x0], $0xffff  }
0x9b: {  	v27 =	vshll.u32 v27, v2;
	v31 =	vbroadcast v31, $0x0;
	v62 =	vadd.s32 v14, v34;
	[tilespmem:s30+$0xFFFFFF40] =	vst v63;
	v28 =	vld.idx.msk [tilespmem:v55+s14+$0x0], $0xffff  }
0x9c: {  	v25 =	vshll.u32 v25, v2;
	v27 =	vbroadcast v27, $0x0;
	v18 =	vadd.s32 v17, v18;
	[tilespmem:s29+$0xFFFFFF10] =	vst v59;
	v52 =	vld.idx.msk [tilespmem:v60+s14+$0x0], $0xffff  }
0x9d: {  	v25 =	vbroadcast v25, $0x0;
	v51 =	vadd.s32 v4, v31;
	v58 =	vld.idx.msk [tilespmem:v48+s14+$0x0], $0xffff;
	[tilespmem:s30+$0xFFFFFF60] =	vst v29  }
0x9e: {  	v26 =	vshll.u32 v26, v2;
	v57 =	vadd.s32 v8, v27;
	v60 =	vld.idx.msk [tilespmem:v50+s14+$0x0], $0xffff;
	[tilespmem:s30+$0xFFFFFF80] =	vst v49  }
0x9f: {  	v54 =	vmov s10;
	v26 =	vbroadcast v26, $0x0;
	v61 =	vadd.s32 v12, v25;
	v45 =	vld.idx.msk [tilespmem:v53+s14+$0x0], $0xffff;
	[tilespmem:s30+$0xFFFFFF30] =	vst v19  }
0xa0: {  	v56 =	vshrl.u32 v54, $0x3;
	v55 =	vld.idx.msk [tilespmem:v62+s14+$0x0], $0xffff;
	[tilespmem:s30+$0xE0] =	vst v28  }
0xa1: {  	v43 =	vshll.u32 v56, v2;
	v59 =	vadd.s32 v10, v26;
	[tilespmem:s30+$0xFFFFFFA0] =	vst v52;
	v18 =	vld.idx.msk [tilespmem:v18+s14+$0x0], $0xffff  }
0xa2: {  	v43 =	vbroadcast v43, $0x0;
	v48 =	vadd.s32 v9, v21;
	v62 =	vld.idx.msk [tilespmem:v51+s14+$0x0], $0xffff;
	[tilespmem:s30+$0xFFFFFFE0] =	vst v58  }
0xa3: {  	v24 =	vadd.s32 v13, v24;
	v46 =	vld.idx.msk [tilespmem:v57+s14+$0x0], $0xffff;
	[tilespmem:s30+$0x0] =	vst v60  }
0xa4: {  	v63 =	vadd.s32 v14, v43;
	v33 =	vld.idx.msk [tilespmem:v61+s14+$0x0], $0xffff;
	[tilespmem:s30+$0x40] =	vst v45  }
0xa5: {  	v51 =	vld.idx.msk [tilespmem:v37+s14+$0x0], $0xffff;
	v49 =	vadd.s32 v11, v22;
	[tilespmem:s30+$0xFFFFFFC0] =	vst v55  }
0xa6: {  	v47 =	vld.idx.msk [tilespmem:v59+s14+$0x0], $0xffff;
	[tilespmem:s30+$0xF0] =	vst v18;
	v18 =	vadd.s32 v7, v20  }
0xa7: {  	v34 =	vadd.s32 v15, v34;
	v53 =	vld.idx.msk [tilespmem:v48+s14+$0x0], $0xffff;
	[tilespmem:s30+$0x20] =	vst v62  }
0xa8: {  	v31 =	vadd.s32 v5, v31;
	v24 =	vld.idx.msk [tilespmem:v24+s14+$0x0], $0xffff;
	[tilespmem:s30+$0x60] =	vst v46  }
0xa9: {  	v27 =	vadd.s32 v9, v27;
	v50 =	vld.idx.msk [tilespmem:v63+s14+$0x0], $0xffff;
	[tilespmem:s30+$0xA0] =	vst v33  }
0xaa: {  	v52 =	vadd.s32 v17, v42;
	[tilespmem:s30+$0xFFFFFF00] =	vst v51;
	v22 =	vld.idx.msk [tilespmem:v49+s14+$0x0], $0xffff  }
0xab: {  	v54 =	vadd.s32 v3, v36;
	[tilespmem:s30+$0x80] =	vst v47;
	v18 =	vld.idx.msk [tilespmem:v18+s14+$0x0], $0xffff  }
0xac: {  	v26 =	vadd.s32 v11, v26;
	v56 =	vld.idx.msk [tilespmem:v34+s14+$0x0], $0xffff;
	[tilespmem:s30+$0xFFFFFF70] =	vst v53  }
0xad: {  	v60 =	vadd.s32 v3, v23;
	v58 =	vld.idx.msk [tilespmem:v31+s14+$0x0], $0xffff;
	[tilespmem:s30+$0xFFFFFFB0] =	vst v24  }
0xae: {  	v55 =	vadd.s32 v7, v32;
	v62 =	vld.idx.msk [tilespmem:v27+s14+$0x0], $0xffff;
	[tilespmem:s30+$0xC0] =	vst v50  }
0xaf: {  	v57 =	vadd.s32 v13, v25;
	v19 =	vld.idx.msk [tilespmem:v52+s14+$0x0], $0xffff;
	[tilespmem:s30+$0xFFFFFF90] =	vst v22  }
0xb0: {  	v59 =	vadd.s32 v15, v43;
	[tilespmem:s30+$0xFFFFFF50] =	vst v18;
	v18 =	vld.idx.msk [tilespmem:v54+s14+$0x0], $0xffff  }
0xb1: {  	v26 =	vld.idx.msk [tilespmem:v26+s14+$0x0], $0xffff;
	[tilespmem:s30+$0xFFFFFFD0] =	vst v56  }
0xb2: {  	v63 =	vld.idx.msk [tilespmem:v60+s14+$0x0], $0xffff;
	[tilespmem:s30+$0x30] =	vst v58  }
0xb3: {  	v61 =	vld.idx.msk [tilespmem:v55+s14+$0x0], $0xffff;
	[tilespmem:s30+$0x70] =	vst v62  }
0xb4: {  	[tilespmem:s30+$0xFFFFFFF0] =	vst v19;
	v19 =	vld.idx.msk [tilespmem:v57+s14+$0x0], $0xffff  }
0xb5: {  	[tilespmem:s30+$0x10] =	vst v18;
	v18 =	vld.idx.msk [tilespmem:v59+s14+$0x0], $0xffff  }
0xb6: {  	[tilespmem:s30+$0x90] =	vst v26  }
0xb7: {  	[tilespmem:s30+$0xFFFFFF10] =	vst v63  }
0xb8: {  	s31 =	smul.u32 $0x1400, s28;
	[tilespmem:s30+$0x50] =	vst v61  }
0xb9: {  	[tilespmem:s30+$0xB0] =	vst v19  }
0xba: {  	s1 =	sshra.s32 s31, $0x2;
	[tilespmem:s30+$0xD0] =	vst v18  }
0xbb: {  	[spmem:s3] =	stream.indirect.scatter.add.f32 [tilespmem:s16], [sflag:$0x1], $0x20, s1, s15, $0xb8;
	[tilespmem:$0x1E640] =	vst v63  }
0xbc: {  	s28 =	sor.u32 $0x80, s1  }
0xbd: {  	[spmem:s3] =	stream.indirect.scatter.add.f32 [tilespmem:s17], [sflag:$0x1], $0x20, s28, s15, $0xb8;
	[tilespmem:$0x1E640] =	vst v63  }
0xbe: {  	s28 =	sadd.s32 $0x100, s1  }
0xbf: {  	[spmem:s3] =	stream.indirect.scatter.add.f32 [tilespmem:s18], [sflag:$0x1], $0x20, s28, s15, $0xb8;
	[tilespmem:$0x1E640] =	vst v63  }
0xc0: {  	s28 =	sadd.s32 $0x180, s1  }
0xc1: {  	[spmem:s3] =	stream.indirect.scatter.add.f32 [tilespmem:s19], [sflag:$0x1], $0x20, s28, s15, $0xb8;
	[tilespmem:$0x1E640] =	vst v63  }
0xc2: {  	s28 =	sadd.s32 $0x200, s1  }
0xc3: {  	[spmem:s3] =	stream.indirect.scatter.add.f32 [tilespmem:s20], [sflag:$0x1], $0x20, s28, s15, $0xb8;
	[tilespmem:$0x1E640] =	vst v63  }
0xc4: {  	s28 =	sadd.s32 $0x280, s1  }
0xc5: {  	[spmem:s3] =	stream.indirect.scatter.add.f32 [tilespmem:s21], [sflag:$0x1], $0x20, s28, s15, $0xb8;
	[tilespmem:$0x1E640] =	vst v63  }
0xc6: {  	s28 =	sadd.s32 $0x300, s1  }
0xc7: {  	[spmem:s3] =	stream.indirect.scatter.add.f32 [tilespmem:s22], [sflag:$0x1], $0x20, s28, s15, $0xb8;
	[tilespmem:$0x1E640] =	vst v63  }
0xc8: {  	s28 =	sadd.s32 $0x380, s1  }
0xc9: {  	[spmem:s3] =	stream.indirect.scatter.add.f32 [tilespmem:s23], [sflag:$0x1], $0x20, s28, s15, $0xb8;
	[tilespmem:$0x1E640] =	vst v63  }
0xca: {  	s28 =	sadd.s32 $0x400, s1  }
0xcb: {  	[spmem:s3] =	stream.indirect.scatter.add.f32 [tilespmem:s24], [sflag:$0x1], $0x20, s28, s15, $0xb8;
	[tilespmem:$0x1E640] =	vst v63  }
0xcc: {  	s1 =	sadd.s32 $0x480, s1;
	s28 =	simm.s32 $0x1  }
0xcd: {  	[spmem:s3] =	stream.indirect.scatter.add.f32 [tilespmem:s25], [sflag:$0x1], $0x20, s1, s15, $0xb8;
	[tilespmem:$0x1E640] =	vst v63  }
0xce: {  	_ =	swait.ge [sflag:s28], $0x1000  }
0xcf: {  	[sflag:s28] =	ssyncset.done $0x0  }
0xd0: {  	[sflag:s28] =	ssyncadd.s32 $0xFFFFF000  }
0xd1: {  	_ =	swait.ge [sflag:s28], $0x1000  }
0xd2: {  	[sflag:s28] =	ssyncset.done $0x0  }
0xd3: {  	[sflag:s28] =	ssyncadd.s32 $0xFFFFF000  }
0xd4: {  	_ =	swait.ge [sflag:s28], $0x1000  }
0xd5: {  	[sflag:s28] =	ssyncset.done $0x0  }
0xd6: {  	[sflag:s28] =	ssyncadd.s32 $0xFFFFF000  }
0xd7: {  	_ =	swait.ge [sflag:s28], $0x1000  }
0xd8: {  	[sflag:s28] =	ssyncset.done $0x0  }
0xd9: {  	[sflag:s28] =	ssyncadd.s32 $0xFFFFF000  }
0xda: {  	_ =	swait.ge [sflag:s28], $0x1000  }
0xdb: {  	[sflag:s28] =	ssyncset.done $0x0  }
0xdc: {  	[sflag:s28] =	ssyncadd.s32 $0xFFFFF000  }
0xdd: {  	_ =	swait.ge [sflag:s28], $0x1000  }
0xde: {  	[sflag:s28] =	ssyncset.done $0x0  }
0xdf: {  	[sflag:s28] =	ssyncadd.s32 $0xFFFFF000  }
0xe0: {  	_ =	swait.ge [sflag:s28], $0x1000  }
0xe1: {  	[sflag:s28] =	ssyncset.done $0x0  }
0xe2: {  	[sflag:s28] =	ssyncadd.s32 $0xFFFFF000  }
0xe3: {  	_ =	swait.ge [sflag:s28], $0x1000  }
0xe4: {  	[sflag:s28] =	ssyncset.done $0x0  }
0xe5: {  	[sflag:s28] =	ssyncadd.s32 $0xFFFFF000  }
0xe6: {  	_ =	swait.ge [sflag:s28], $0x1000  }
.Ltmp2:
0xe7: {  	[sflag:s28] =	ssyncset.done $0x0;
	(pc) =	sbr.rel @p0 .LBB2_4-.Ltmp2, $4  }
0xe8: {  	[sflag:s28] =	ssyncadd.s32 $0xFFFFF000  }
0xe9: {  	_ =	swait.ge [sflag:s28], $0x1000  }
0xea: {  	[sflag:s28] =	ssyncset.done $0x0  }
0xeb: {  	p1 =	por $0x0, $0x0;
	[sflag:s28] =	ssyncadd.s32 $0xFFFFF000  }
0xec: {  	s4 =	sadd.s32 $0x1, s4  }
0xed: {  	s1 =	sshll.u32 s0, $0x6;
	[bflag:$0x0] =	sbarrier.arrive $0xFFFF;
	p0 =	sne.s32 s4, s9  }
.Ltmp3:
0xee: {  	s10 =	sshrl.u32 s6, $0x3;
	s1 =	sor.u32 $0x1C02, s1;
	(pc) =	sbr.rel @p0 .LBB2_1-.Ltmp3, $4  }
0xef: {  	[hbm:s8], [sflag:s1] =	dma.local [spmem:s10], $0x9C4  }
0xf0: {  	_ =	swait.ge [sflag:s11], $0x9C4  }
0xf1: {  	[sflag:s11] =	ssyncset.done $0x0  }
0xf2: {  	[sflag:s11] =	ssyncadd.s32 $0xFFFFF63C  }
0xf3: {  	_ =	sfence.sel $0x180000  }
0xf4: {  	[bflag:$0x0] =	sbarrier.arrive $0xFFFF  }
0xf5: {  	_ =	strace $0x90000050  }
0xf6: {  	[bflag:$0x2] =	sbarrier.arrive $0xFFFF  }
0xf7: {  	p0 =	sne.s32 s0, $0x0;
	s0 =	rddreg [dreg:$0x2]  }
0xf8: {  	s0 =	sadd.s32 @!p0 $0x100000, s0  }
0xf9: {  	[sflag:s0] =	ssyncadd.tile.s32 @!p0 $0x1;
	_ =	shalt  }
.Lfunc_end2:
_tile_overlayer_lowered:
.L_overlay_start_2:
0xfa: {  	(tag) =	ssettag $0x2  }
0xfb: {  	s0 =	rddreg [dreg:$0x0];
	s2 =	stileid.u32  }
0xfc: {  	s1 =	rddreg [dreg:$0x1];
	p0 =	sne.s32 s2, $0x0  }
0xfd: {  	s3 =	rddreg [dreg:$0x2];
	[bflag:$0x3] =	sbarrier.arrive $0xFFFF;
	s2 =	simm.s32 @!p0 $0x1C02  }
0xfe: {  	[timem:s3], [sflag:s2] =	dma.local @!p0 [hbm:s0], s1  }
0xff: {  	s0 =	simm.s32 @!p0 $0x2  }
0x100: {  	_ =	swait.ge @!p0 [sflag:s0], s1  }
0x101: {  	s1 =	ssub.s32 @!p0 $0x0, s1;
	[sflag:s0] =	ssyncset.done @!p0 $0x0  }
0x102: {  	[sflag:s0] =	ssyncadd.s32 @!p0 s1  }
0x103: {  	[bflag:$0x3] =	sbarrier.arrive $0xFFFF  }
0x104: {  	_ =	shalt  }

</sc_bundles>
